<compile_context>
chip_gen: v7x
topology: tpu7x:2x2x1
jax: 0.10.2.dev20260603
libtpu: 0.0.44.dev20260713+nightly
codegen_flags: <defaults>
</compile_context>

<pallas_src>
import functools

import jax
import jax.numpy as jnp
import numpy as np
from jax import lax
from jax.experimental import pallas as pl
from jax.experimental.pallas import tpu as pltpu
from jax.experimental.pallas import tpu_sc as plsc

CH = 64
NBATCH = 8
PADB = 127
_NW = 32


def _round_up(x, m):
    return (x + m - 1) // m * m


def _sc_gather(table, idx):
    V, D = table.shape
    B = idx.shape[0]
    idx = jnp.clip(idx, 0, V - 1)
    b_per_w = B // _NW
    mesh = plsc.VectorSubcoreMesh(core_axis_name="c", subcore_axis_name="s")

    @functools.partial(
        pl.kernel,
        out_type=jax.ShapeDtypeStruct((B, D), jnp.float32),
        mesh=mesh,
        scratch_types=[
            pltpu.VMEM((b_per_w,), jnp.int32),
            pltpu.VMEM((b_per_w, D), jnp.float32),
            pltpu.SemaphoreType.DMA,
        ],
        compiler_params=pltpu.CompilerParams(use_tc_tiling_on_sc=False),
    )
    def gk(table_hbm, idx_hbm, out_hbm, idx_v, rows_v, sem):
        wid = lax.axis_index("s") * 2 + lax.axis_index("c")
        base = wid * b_per_w
        pltpu.sync_copy(idx_hbm.at[pl.ds(base, b_per_w)], idx_v)
        pltpu.async_copy(table_hbm.at[idx_v], rows_v, sem).wait()
        pltpu.sync_copy(rows_v, out_hbm.at[pl.ds(base, b_per_w)])

    return gk(table, idx)


def _knn_win_kernel(k, R, W, w0_ref, pr_ref, br_ref, pw_ref, bw_ref, out_ref):
    i = pl.program_id(0)
    w0 = w0_ref[i]
    colio = lax.broadcasted_iota(jnp.int32, (R, W), 1)
    pw = pw_ref[0]
    d = None
    for c in range(3):
        diff = pr_ref[:, c : c + 1] - pw[c : c + 1, :]
        sq = diff * diff
        d = sq if d is None else d + sq
    inf = jnp.float32(jnp.inf)
    bigf = jnp.float32(3e38)
    same = br_ref[:, 0:1] == bw_ref[0]
    dcur = jnp.where(same, d, bigf)
    big = jnp.int32(2**30)
    for j in range(k):
        mn = jnp.min(dcur, axis=1, keepdims=True)
        amin = jnp.min(jnp.where(dcur == mn, colio, big), axis=1, keepdims=True)
        out_ref[:, j : j + 1] = amin + w0
        dcur = jnp.where(colio == amin, inf, dcur)


def _knn_kernel(k, R, Np, pr_ref, br_ref, pT_ref, bc_ref, out_ref):
    colio = lax.broadcasted_iota(jnp.int32, (R, Np), 1)
    d = None
    for c in range(3):
        diff = pr_ref[:, c : c + 1] - pT_ref[c : c + 1, :]
        sq = diff * diff
        d = sq if d is None else d + sq
    inf = jnp.float32(jnp.inf)
    bigf = jnp.float32(3e38)
    same = br_ref[:, 0:1] == bc_ref[...]
    dcur = jnp.where(same, d, bigf)
    big = jnp.int32(2**30)
    for j in range(k):
        mn = jnp.min(dcur, axis=1, keepdims=True)
        amin = jnp.min(
            jnp.where(dcur == mn, colio, big), axis=1, keepdims=True
        )
        out_ref[:, j : j + 1] = amin
        dcur = jnp.where(colio == amin, inf, dcur)


def _knn_call(pos_pad, posT, batch_rows, batch_cols, k, R=256):
    Np = pos_pad.shape[0]
    nt = Np // R
    return pl.pallas_call(
        functools.partial(_knn_kernel, k, R, Np),
        grid=(nt,),
        in_specs=[
            pl.BlockSpec((R, 4), lambda i: (i, 0)),
            pl.BlockSpec((R, 1), lambda i: (i, 0)),
            pl.BlockSpec((4, Np), lambda i: (0, 0)),
            pl.BlockSpec((1, Np), lambda i: (0, 0)),
        ],
        out_specs=pl.BlockSpec((R, 8), lambda i: (i, 0)),
        out_shape=jax.ShapeDtypeStruct((Np, 8), jnp.int32),
    )(pos_pad, batch_rows, posT, batch_cols)


def _knn(pos_pad, posT, bpad, k, W, R=256):
    Np = pos_pad.shape[0]
    nt = Np // R
    br = bpad.reshape(Np, 1)
    bc = bpad.reshape(1, Np)
    lo = bpad[::R]
    hi = bpad[R - 1 :: R]
    ws = jnp.searchsorted(bpad, lo, side="left").astype(jnp.int32)
    we = jnp.searchsorted(bpad, hi, side="right").astype(jnp.int32)
    w0 = jnp.minimum(ws // 128 * 128, Np - W).astype(jnp.int32)
    fits = jnp.all(we - w0 <= W)

    def windowed():
        pwins = jnp.stack(
            [lax.dynamic_slice(posT, (0, w0[i]), (4, W)) for i in range(nt)]
        )
        bwins = jnp.stack(
            [lax.dynamic_slice(bc, (0, w0[i]), (1, W)) for i in range(nt)]
        )
        return pl.pallas_call(
            functools.partial(_knn_win_kernel, k, R, W),
            grid=(nt,),
            in_specs=[
                pl.BlockSpec(memory_space=pltpu.SMEM),
                pl.BlockSpec((R, 4), lambda i: (i, 0)),
                pl.BlockSpec((R, 1), lambda i: (i, 0)),
                pl.BlockSpec((1, 4, W), lambda i: (i, 0, 0)),
                pl.BlockSpec((1, 1, W), lambda i: (i, 0, 0)),
            ],
            out_specs=pl.BlockSpec((R, 8), lambda i: (i, 0)),
            out_shape=jax.ShapeDtypeStruct((Np, 8), jnp.int32),
        )(w0, pos_pad, br, pwins, bwins)

    return lax.cond(fits, windowed, lambda: _knn_call(pos_pad, posT, br, bc, k, R))


def _fps_kernel(C, Ms, mm_ref, n_ref, px_ref, py_ref, pz_ref, sel_ref):
    px = px_ref[...]
    py = py_ref[...]
    pz = pz_ref[...]
    colio = lax.broadcasted_iota(jnp.int32, (NBATCH, C), 1)
    valid = colio < n_ref[...]
    ninf = jnp.float32(-jnp.inf)
    big = jnp.int32(2**30)
    eye = lax.broadcasted_iota(jnp.int32, (NBATCH, NBATCH), 0) == lax.broadcasted_iota(
        jnp.int32, (NBATCH, NBATCH), 1
    )

    def dist_to(sx, sy, sz):
        dx = px - sx
        dy = py - sy
        dz = pz - sz
        return (dx * dx + dy * dy) + dz * dz

    d0 = dist_to(px[:, 0:1], py[:, 0:1], pz[:, 0:1])
    dd = jnp.where(valid, d0, ninf)
    sel_ref[0:1, :] = jnp.zeros((1, NBATCH), jnp.int32)

    pxyz = jnp.concatenate([px, py, pz], axis=0)

    def body(r, dd):
        mx = jnp.max(dd, axis=1, keepdims=True)
        nxt = jnp.min(jnp.where(dd == mx, colio, big), axis=1, keepdims=True)
        row = jnp.sum(
            jnp.where(eye, jnp.broadcast_to(nxt, (NBATCH, NBATCH)), 0),
            axis=0,
            keepdims=True,
        )
        sel_ref[pl.ds(r, 1), :] = row
        hit = colio == nxt
        hit3 = jnp.concatenate([hit, hit, hit], axis=0)
        s = jnp.max(jnp.where(hit3, pxyz, ninf), axis=1, keepdims=True)
        return jnp.minimum(dd, dist_to(s[0:8], s[8:16], s[16:24]))

    lax.fori_loop(1, mm_ref[0], body, dd)


def _fps_call(px, py, pz, n_seg, max_m, C):
    Ms = C // 2 + 128
    return pl.pallas_call(
        functools.partial(_fps_kernel, C, Ms),
        in_specs=[
            pl.BlockSpec(memory_space=pltpu.SMEM),
            pl.BlockSpec((NBATCH, 1), lambda: (0, 0)),
            pl.BlockSpec((NBATCH, C), lambda: (0, 0)),
            pl.BlockSpec((NBATCH, C), lambda: (0, 0)),
            pl.BlockSpec((NBATCH, C), lambda: (0, 0)),
        ],
        out_specs=pl.BlockSpec((Ms, NBATCH), lambda: (0, 0)),
        out_shape=jax.ShapeDtypeStruct((Ms, NBATCH), jnp.int32),
    )(max_m, n_seg, px, py, pz)


def _layer_kernel(k, tdst_ref, tsrc_ref, wd_ref, ws_ref, ba_ref, wb_ref, bb_ref, out_ref):
    a = (
        jnp.dot(tdst_ref[...], wd_ref[...], preferred_element_type=jnp.float32)
        + ba_ref[...]
    )
    wb = wb_ref[...]
    bb = bb_ref[...]
    acc = None
    for j in range(k):
        bj = jnp.dot(tsrc_ref[j], ws_ref[...], preferred_element_type=jnp.float32)
        m = jnp.dot(jnp.maximum(a + bj, 0.0), wb, preferred_element_type=jnp.float32) + bb
        acc = m if acc is None else jnp.maximum(acc, m)
    out_ref[...] = jnp.maximum(acc, 0.0)


def _layer_call(table, src_gath, wd, ws, ba, wb, bb, k, R=256):
    Np, D = table.shape
    nt = Np // R
    return pl.pallas_call(
        functools.partial(_layer_kernel, k),
        grid=(nt,),
        in_specs=[
            pl.BlockSpec((R, D), lambda i: (i, 0)),
            pl.BlockSpec((k, R, D), lambda i: (0, i, 0)),
            pl.BlockSpec((D, CH), lambda i: (0, 0)),
            pl.BlockSpec((D, CH), lambda i: (0, 0)),
            pl.BlockSpec((1, CH), lambda i: (0, 0)),
            pl.BlockSpec((CH, CH), lambda i: (0, 0)),
            pl.BlockSpec((1, CH), lambda i: (0, 0)),
        ],
        out_specs=pl.BlockSpec((R, CH), lambda i: (i, 0)),
        out_shape=jax.ShapeDtypeStruct((Np, CH), jnp.float32),
    )(table, src_gath, wd, ws, ba, wb, bb)


def _head_kernel(h_ref, b3_ref, wr_ref, br_ref, out_ref):
    ninf = jnp.float32(-jnp.inf)
    h = h_ref[...]
    rows = []
    for b in range(NBATCH):
        mb = b3_ref[...] == b
        rows.append(jnp.max(jnp.where(mb, h, ninf), axis=0, keepdims=True))
    g = jnp.concatenate(rows, axis=0)
    out_ref[...] = jnp.dot(g, wr_ref[...], preferred_element_type=jnp.float32) + br_ref[...]


def _head_call(h3, b3, wr_pad, br_pad):
    Np = h3.shape[0]
    return pl.pallas_call(
        _head_kernel,
        in_specs=[
            pl.BlockSpec((Np, CH), lambda: (0, 0)),
            pl.BlockSpec((Np, 1), lambda: (0, 0)),
            pl.BlockSpec((CH, 8), lambda: (0, 0)),
            pl.BlockSpec((1, 8), lambda: (0, 0)),
        ],
        out_specs=pl.BlockSpec((NBATCH, 8), lambda: (0, 0)),
        out_shape=jax.ShapeDtypeStruct((NBATCH, 8), jnp.float32),
    )(h3, b3, wr_pad, br_pad)




def _pack_weights(wa, hdim, D):
    wd = jnp.zeros((D, CH), jnp.float32)
    ws = jnp.zeros((D, CH), jnp.float32)
    wpos = wa[2 * hdim : 2 * hdim + 3]
    if hdim == 3:
        wd = wd.at[0:3].set(wa[0:3] - wpos)
        ws = ws.at[0:3].set(wa[3:6] + wpos)
    else:
        wd = wd.at[0:CH].set(wa[0:CH]).at[CH : CH + 3].set(-wpos)
        ws = ws.at[0:CH].set(wa[CH : 2 * CH]).at[CH : CH + 3].set(wpos)
    return wd, ws


def _fps_level(posT_seg, seg_start, counts, C, M_pad, C_small):
    m = (counts + 1) // 2
    max_m = jnp.max(m).astype(jnp.int32).reshape((1,))
    Ms_big = C // 2 + 128

    def run(C_):
        wins = jnp.stack(
            [
                lax.dynamic_slice(posT_seg, (0, seg_start[b]), (3, C_))
                for b in range(NBATCH)
            ]
        )
        sel = _fps_call(
            wins[:, 0, :],
            wins[:, 1, :],
            wins[:, 2, :],
            counts.reshape(NBATCH, 1),
            max_m,
            C_,
        )
        if sel.shape[0] < Ms_big:
            sel = jnp.pad(sel, ((0, Ms_big - sel.shape[0]), (0, 0)))
        return sel

    sel = lax.cond(
        jnp.max(counts) <= C_small, lambda: run(C_small), lambda: run(C)
    )
    Ms = sel.shape[0]
    gsel = sel + seg_start[None, :].astype(jnp.int32)
    ar = jnp.arange(Ms, dtype=jnp.int32)
    offs = jnp.cumsum(m) - m
    dest = jnp.where(ar[:, None] < m[None, :], offs[None, :] + ar[:, None], M_pad)
    idx = (
        jnp.zeros((M_pad,), jnp.int32)
        .at[dest.reshape(-1)]
        .set(gsel.reshape(-1), mode="drop")
    )
    return idx, m


def kernel(x, pos, batch, W1a, b1a, W1b, b1b, W2a, b2a, W2b, b2b, W3a, b3a, W3b, b3b, Wr, br):
    N = pos.shape[0]
    Np1 = _round_up(N, 256)
    batch = batch.astype(jnp.int32)

    pos_pad = jnp.zeros((Np1, 4), jnp.float32).at[:N, :3].set(pos)
    posT = pos_pad[:, :3].T
    posT4 = jnp.zeros((4, Np1), jnp.float32).at[:3].set(posT)
    bpad = jnp.full((Np1,), PADB, jnp.int32).at[:N].set(batch)
    bounds = jnp.searchsorted(
        batch, jnp.arange(NBATCH + 1, dtype=jnp.int32), side="left"
    ).astype(jnp.int32)
    counts1 = bounds[1:] - bounds[:-1]
    seg1 = bounds[:-1]

    nbr1 = _knn(pos_pad, posT4, bpad, k=6, W=3072)
    src1 = nbr1[:, :6].T.reshape(-1)
    table1 = jnp.zeros((Np1, 16), jnp.float32).at[:, :3].set(pos_pad[:, :3])
    g1 = _sc_gather(table1, src1).reshape(6, Np1, 16)
    wd1, ws1 = _pack_weights(W1a, 3, 16)
    h1 = _layer_call(table1, g1, wd1, ws1, b1a.reshape(1, CH), W1b, bb=b1b.reshape(1, CH), k=6)

    posT2x = jnp.zeros((4, 2 * Np1), jnp.float32).at[:, :Np1].set(posT4)
    M_pad1 = (N + 1) // 2 + NBATCH
    i1, m1 = _fps_level(posT2x, seg1, counts1, Np1, M_pad1, C_small=2048)
    Np2 = _round_up(M_pad1, 256)
    i1p = jnp.zeros((Np2,), jnp.int32).at[:M_pad1].set(i1)

    ntab1 = jnp.concatenate([h1, table1], axis=1)
    table2 = _sc_gather(ntab1, i1p)
    pos2 = table2[:, CH : CH + 3]
    cum1 = jnp.cumsum(m1)
    b2 = jnp.searchsorted(cum1, jnp.arange(M_pad1, dtype=jnp.int32), side="right").astype(jnp.int32)
    b2pad = jnp.full((Np2,), PADB, jnp.int32).at[:M_pad1].set(b2)

    pos2_pad = jnp.zeros((Np2, 4), jnp.float32).at[:, :3].set(pos2)
    pos2T4 = jnp.zeros((4, Np2), jnp.float32).at[:3].set(pos2.T)
    nbr2 = _knn(pos2_pad, pos2T4, b2pad, k=4, W=2048)
    src2 = nbr2[:, :4].T.reshape(-1)
    g2 = _sc_gather(table2, src2).reshape(4, Np2, 80)
    wd2, ws2 = _pack_weights(W2a, CH, 80)
    h2 = _layer_call(table2, g2, wd2, ws2, b2a.reshape(1, CH), W2b, bb=b2b.reshape(1, CH), k=4)

    pos2T2x = jnp.zeros((4, 2 * Np2), jnp.float32).at[:, :Np2].set(pos2T4)
    M_pad2 = (M_pad1 + 1) // 2 + NBATCH
    i2, m2 = _fps_level(pos2T2x, jnp.cumsum(m1) - m1, m1, Np2, M_pad2, C_small=1024)
    Np3 = _round_up(M_pad2, 256)
    i2p = jnp.zeros((Np3,), jnp.int32).at[:M_pad2].set(i2)

    ntab2 = jnp.concatenate([h2, table2[:, CH : CH + 16]], axis=1)
    table3 = _sc_gather(ntab2, i2p)
    pos3 = table3[:, CH : CH + 3]
    cum2 = jnp.cumsum(m2)
    b3 = jnp.searchsorted(cum2, jnp.arange(M_pad2, dtype=jnp.int32), side="right").astype(jnp.int32)
    b3pad = jnp.full((Np3,), PADB, jnp.int32).at[:M_pad2].set(b3)

    pos3_pad = jnp.zeros((Np3, 4), jnp.float32).at[:, :3].set(pos3)
    pos3T4 = jnp.zeros((4, Np3), jnp.float32).at[:3].set(pos3.T)
    nbr3 = _knn(pos3_pad, pos3T4, b3pad, k=3, W=1024)
    src3 = nbr3[:, :3].T.reshape(-1)
    g3 = _sc_gather(table3, src3).reshape(3, Np3, 80)
    wd3, ws3 = _pack_weights(W3a, CH, 80)
    h3 = _layer_call(table3, g3, wd3, ws3, b3a.reshape(1, CH), W3b, bb=b3b.reshape(1, CH), k=3)

    wr_pad = jnp.zeros((CH, 8), jnp.float32).at[:, :6].set(Wr)
    br_pad = jnp.zeros((1, 8), jnp.float32).at[0, :6].set(br)
    out = _head_call(h3, b3pad.reshape(Np3, 1), wr_pad, br_pad)
    return out[:, :6]

# --- scband reference (transcript-rebuilt; emitter-appended) ---
"""Pipeline reference for scband-gnnencoder-b-26113401160169 (READ-ONLY COPY).

The authoritative reference and input builder live on the scoring server;
editing this copy changes nothing except your own understanding.
"""

import jax, jax.numpy as jnp
import numpy as np

CH = 64

def _knn_graph(pos, batch, k, chunk=2048):
    N = pos.shape[0]
    srcs = []
    for s in range(0, N, chunk):
        e = min(s + chunk, N)
        d = jnp.sum((pos[s:e, None, :] - pos[None, :, :]) ** 2, axis=-1)
        d = jnp.where(batch[s:e, None] != batch[None, :], jnp.inf, d)
        srcs.append(jnp.argsort(d, axis=1)[:, :k])
    src = jnp.concatenate(srcs, axis=0).reshape(-1)
    dst = jnp.repeat(jnp.arange(N), k)
    return jnp.stack([src, dst], axis=0)

def _fps(pos, batch, ratio):
    N = pos.shape[0]
    nb = 8
    L = int(np.ceil(ratio * N))
    M_pad = L + nb
    sels = []
    ms = []
    for b in range(nb):
        mask = batch == b
        n = jnp.sum(mask)
        m = jnp.ceil(ratio * n).astype(jnp.int32)
        first = jnp.argmax(mask).astype(jnp.int32)
        d = jnp.where(mask, jnp.sum((pos - pos[first]) ** 2, axis=-1), -jnp.inf)
        sel = jnp.zeros((L,), jnp.int32).at[0].set(first)
        def body(i, carry):
            s, dd = carry
            nxt = jnp.argmax(dd).astype(jnp.int32)
            s = s.at[i].set(nxt)
            dd = jnp.minimum(dd, jnp.sum((pos - pos[nxt]) ** 2, axis=-1))
            return s, dd
        sel, _ = jax.lax.fori_loop(1, L, body, (sel, d))
        sels.append(sel)
        ms.append(m)
    m_arr = jnp.stack(ms)
    offs = jnp.cumsum(m_arr) - m_arr
    ar = jnp.arange(L, dtype=jnp.int32)
    valid = ar[None, :] < m_arr[:, None]
    dest = jnp.where(valid, offs[:, None] + ar[None, :], M_pad)
    idx = jnp.zeros((M_pad,), jnp.int32).at[dest.reshape(-1)].set(
        jnp.stack(sels).reshape(-1), mode="drop")
    keep = jnp.arange(M_pad) < jnp.sum(m_arr)
    return idx, keep

def _layer(h, pos, edge_index, Wa, ba, Wb, bb):
    src, dst = edge_index[0], edge_index[1]
    inp = jnp.concatenate([h[dst], h[src], pos[src] - pos[dst]], axis=-1)
    msg = jax.nn.relu(inp @ Wa + ba) @ Wb + bb
    return jax.ops.segment_max(msg, dst, num_segments=h.shape[0])

def setup_inputs(seed: int = 0):
    key = jax.random.key(seed)
    ks = jax.random.split(key, 12)
    N = 10000
    x = jax.random.normal(ks[0], (N, 3), dtype=jnp.float32)
    pos = jax.random.normal(ks[1], (N, 3), dtype=jnp.float32)
    batch = jnp.sort(jax.random.randint(ks[2], (N,), 0, 8))
    def lin(k, i, o):
        return (jax.random.normal(k, (i, o), dtype=jnp.float32) / np.sqrt(i)).astype(jnp.float32)
    return {
        "x": x, "pos": pos, "batch": batch,
        "W1a": lin(ks[3], 3 * 2 + 3, CH), "b1a": jnp.zeros((CH,), jnp.float32),
        "W1b": lin(ks[4], CH, CH), "b1b": jnp.zeros((CH,), jnp.float32),
        "W2a": lin(ks[5], CH * 2 + 3, CH), "b2a": jnp.zeros((CH,), jnp.float32),
        "W2b": lin(ks[6], CH, CH), "b2b": jnp.zeros((CH,), jnp.float32),
        "W3a": lin(ks[7], CH * 2 + 3, CH), "b3a": jnp.zeros((CH,), jnp.float32),
        "W3b": lin(ks[8], CH, CH), "b3b": jnp.zeros((CH,), jnp.float32),
        "Wr": lin(ks[9], CH, 6), "br": jnp.zeros((6,), jnp.float32),
    }

def reference(x, pos, batch, W1a, b1a, W1b, b1b, W2a, b2a, W2b, b2b, W3a, b3a, W3b, b3b, Wr, br):
    e1 = _knn_graph(pos, batch, 6)
    h = jax.nn.relu(_layer(pos, pos, e1, W1a, b1a, W1b, b1b))
    i1, v1 = _fps(pos, batch, 0.5)
    pos2, h = pos[i1], h[i1]
    b2 = jnp.where(v1, batch[i1], 8)
    e2 = _knn_graph(pos2, b2, 4)
    h = jax.nn.relu(_layer(h, pos2, e2, W2a, b2a, W2b, b2b))
    i2, v2 = _fps(pos2, b2, 0.5)
    pos3, h = pos2[i2], h[i2]
    b3 = jnp.where(v2, b2[i2], 8)
    e3 = _knn_graph(pos3, b3, 3)
    h = jax.nn.relu(_layer(h, pos3, e3, W3a, b3a, W3b, b3b))
    g = jax.ops.segment_max(h, b3, num_segments=8)
    return g @ Wr + br

if __name__ == "__main__":
    import jax
    _d = setup_inputs()
    print(jax.jit(kernel)(*tuple(_d.values())))

</pallas_src>

<mosaic_0001>
#map = affine_map<(d0, d1) -> (0, 0)>
#map1 = affine_map<(d0, d1) -> (0)>
module attributes {stable_mosaic.version = 14 : i64} {
  func.func @gk(%arg0: i32, %arg1: i32, %arg2: memref<10240x16xf32, #tpu.memory_space<hbm>>, %arg3: memref<61440xi32, #tpu.memory_space<hbm>>, %arg4: memref<61440x16xf32, #tpu.memory_space<hbm>>, %arg5: memref<1920xi32, #tpu.memory_space<vmem>>, %arg6: memref<1920x16xf32, #tpu.memory_space<vmem>>, %arg7: memref<!tpu.dma_semaphore, #tpu.memory_space<semaphore_mem>>) attributes {dimension_semantics = [#tpu.dimension_semantics<core_parallel>, #tpu.dimension_semantics<subcore_parallel>], iteration_bounds = array<i64: 2, 16>, scalar_prefetch = 0 : i64, scratch_operands = 3 : i64, tpu.core_type = #tpu.core_type<sc_vector_subcore>, window_params = [{transform_indices = #map}, {transform_indices = #map1}, {transform_indices = #map}]} {
    %mul3A = arith.constant 2 : i32
    %mul3A_0 = arith.muli %arg1, %mul3A : i32
    %add3A = arith.addi %mul3A_0, %arg0 : i32
    %mul3A_1 = arith.constant 1920 : i32
    %mul3A_2 = arith.muli %add3A, %mul3A_1 : i32
    "tpu.region"() ({
      %run_scoped3A = tpu.sem_alloc : memref<!tpu.dma_semaphore, #tpu.memory_space<semaphore_mem>>
      %dma_start3A_7 = tpu.memref_slice %arg3[%mul3A_2] : memref<61440xi32, #tpu.memory_space<hbm>> -> memref<1920xi32, #tpu.memory_space<hbm>>
      %dma_start3A_8 = tpu.memref_slice %arg3[%mul3A_2] : memref<61440xi32, #tpu.memory_space<hbm>> -> memref<1920xi32, #tpu.memory_space<hbm>>
      tpu.enqueue_dma source(%dma_start3A_8 : memref<1920xi32, #tpu.memory_space<hbm>>) target(%arg5 : memref<1920xi32, #tpu.memory_space<vmem>>) target_semaphore(%run_scoped3A : memref<!tpu.dma_semaphore, #tpu.memory_space<semaphore_mem>>)
      %dma_wait3A_9 = tpu.memref_slice %arg3[%mul3A_2] : memref<61440xi32, #tpu.memory_space<hbm>> -> memref<1920xi32, #tpu.memory_space<hbm>>
      %dma_wait3A_10 = tpu.memref_slice %arg3[%mul3A_2] : memref<61440xi32, #tpu.memory_space<hbm>> -> memref<1920xi32, #tpu.memory_space<hbm>>
      tpu.wait_dma2 semaphore(%run_scoped3A : memref<!tpu.dma_semaphore, #tpu.memory_space<semaphore_mem>>) src(%dma_wait3A_10 : memref<1920xi32, #tpu.memory_space<hbm>>) dst(%arg5 : memref<1920xi32, #tpu.memory_space<vmem>>)
      tpu.yield
    }) : () -> ()
    %dma_start3A = arith.constant 0 : i32
    %dma_start3A_3 = arith.constant 0 : i32
    %dma_start3A_4 = tpu.memref_slice %arg2[%dma_start3A, %dma_start3A_3] : memref<10240x16xf32, #tpu.memory_space<hbm>> -> memref<10240x16xf32, #tpu.memory_space<hbm>>
    tpu.enqueue_indirect_dma source(%dma_start3A_4 : memref<10240x16xf32, #tpu.memory_space<hbm>>) target(%arg6 : memref<1920x16xf32, #tpu.memory_space<vmem>>) offsets(%arg5 : memref<1920xi32, #tpu.memory_space<vmem>>) semaphore(%arg7 : memref<!tpu.dma_semaphore, #tpu.memory_space<semaphore_mem>>)
    %dma_wait3A = arith.constant 0 : i32
    %dma_wait3A_5 = arith.constant 0 : i32
    %dma_wait3A_6 = tpu.memref_slice %arg2[%dma_wait3A, %dma_wait3A_5] : memref<10240x16xf32, #tpu.memory_space<hbm>> -> memref<10240x16xf32, #tpu.memory_space<hbm>>
    tpu.wait_indirect_dma semaphore(%arg7 : memref<!tpu.dma_semaphore, #tpu.memory_space<semaphore_mem>>) src(%dma_wait3A_6 : memref<10240x16xf32, #tpu.memory_space<hbm>>) dst(%arg6 : memref<1920x16xf32, #tpu.memory_space<vmem>>)
    "tpu.region"() ({
      %run_scoped3A = tpu.sem_alloc : memref<!tpu.dma_semaphore, #tpu.memory_space<semaphore_mem>>
      %dma_start3A_7 = arith.constant 0 : i32
      %dma_start3A_8 = tpu.memref_slice %arg4[%mul3A_2, %dma_start3A_7] : memref<61440x16xf32, #tpu.memory_space<hbm>> -> memref<1920x16xf32, #tpu.memory_space<hbm>>
      %dma_start3A_9 = arith.constant 0 : i32
      %dma_start3A_10 = tpu.memref_slice %arg4[%mul3A_2, %dma_start3A_9] : memref<61440x16xf32, #tpu.memory_space<hbm>> -> memref<1920x16xf32, #tpu.memory_space<hbm>>
      tpu.enqueue_dma source(%arg6 : memref<1920x16xf32, #tpu.memory_space<vmem>>) target(%dma_start3A_10 : memref<1920x16xf32, #tpu.memory_space<hbm>>) target_semaphore(%run_scoped3A : memref<!tpu.dma_semaphore, #tpu.memory_space<semaphore_mem>>)
      %dma_wait3A_11 = arith.constant 0 : i32
      %dma_wait3A_12 = tpu.memref_slice %arg4[%mul3A_2, %dma_wait3A_11] : memref<61440x16xf32, #tpu.memory_space<hbm>> -> memref<1920x16xf32, #tpu.memory_space<hbm>>
      %dma_wait3A_13 = arith.constant 0 : i32
      %dma_wait3A_14 = tpu.memref_slice %arg4[%mul3A_2, %dma_wait3A_13] : memref<61440x16xf32, #tpu.memory_space<hbm>> -> memref<1920x16xf32, #tpu.memory_space<hbm>>
      tpu.wait_dma2 semaphore(%run_scoped3A : memref<!tpu.dma_semaphore, #tpu.memory_space<semaphore_mem>>) src(%arg6 : memref<1920x16xf32, #tpu.memory_space<vmem>>) dst(%dma_wait3A_14 : memref<1920x16xf32, #tpu.memory_space<hbm>>)
      tpu.yield
    }) : () -> ()
    return
  }
}

#map = affine_map<(d0, d1) -> (0, 0)>
#map1 = affine_map<(d0, d1) -> (0)>
module attributes {stable_mosaic.version = 14 : i64} {
  func.func @gk(%arg0: i32, %arg1: i32, %arg2: memref<5120x80xf32, #tpu.memory_space<hbm>>, %arg3: memref<20480xi32, #tpu.memory_space<hbm>>, %arg4: memref<20480x80xf32, #tpu.memory_space<hbm>>, %arg5: memref<640xi32, #tpu.memory_space<vmem>>, %arg6: memref<640x80xf32, #tpu.memory_space<vmem>>, %arg7: memref<!tpu.dma_semaphore, #tpu.memory_space<semaphore_mem>>) attributes {dimension_semantics = [#tpu.dimension_semantics<core_parallel>, #tpu.dimension_semantics<subcore_parallel>], iteration_bounds = array<i64: 2, 16>, scalar_prefetch = 0 : i64, scratch_operands = 3 : i64, tpu.core_type = #tpu.core_type<sc_vector_subcore>, window_params = [{transform_indices = #map}, {transform_indices = #map1}, {transform_indices = #map}]} {
    %mul3A = arith.constant 2 : i32
    %mul3A_0 = arith.muli %arg1, %mul3A : i32
    %add3A = arith.addi %mul3A_0, %arg0 : i32
    %mul3A_1 = arith.constant 640 : i32
    %mul3A_2 = arith.muli %add3A, %mul3A_1 : i32
    "tpu.region"() ({
      %run_scoped3A = tpu.sem_alloc : memref<!tpu.dma_semaphore, #tpu.memory_space<semaphore_mem>>
      %dma_start3A_7 = tpu.memref_slice %arg3[%mul3A_2] : memref<20480xi32, #tpu.memory_space<hbm>> -> memref<640xi32, #tpu.memory_space<hbm>>
      %dma_start3A_8 = tpu.memref_slice %arg3[%mul3A_2] : memref<20480xi32, #tpu.memory_space<hbm>> -> memref<640xi32, #tpu.memory_space<hbm>>
      tpu.enqueue_dma source(%dma_start3A_8 : memref<640xi32, #tpu.memory_space<hbm>>) target(%arg5 : memref<640xi32, #tpu.memory_space<vmem>>) target_semaphore(%run_scoped3A : memref<!tpu.dma_semaphore, #tpu.memory_space<semaphore_mem>>)
      %dma_wait3A_9 = tpu.memref_slice %arg3[%mul3A_2] : memref<20480xi32, #tpu.memory_space<hbm>> -> memref<640xi32, #tpu.memory_space<hbm>>
      %dma_wait3A_10 = tpu.memref_slice %arg3[%mul3A_2] : memref<20480xi32, #tpu.memory_space<hbm>> -> memref<640xi32, #tpu.memory_space<hbm>>
      tpu.wait_dma2 semaphore(%run_scoped3A : memref<!tpu.dma_semaphore, #tpu.memory_space<semaphore_mem>>) src(%dma_wait3A_10 : memref<640xi32, #tpu.memory_space<hbm>>) dst(%arg5 : memref<640xi32, #tpu.memory_space<vmem>>)
      tpu.yield
    }) : () -> ()
    %dma_start3A = arith.constant 0 : i32
    %dma_start3A_3 = arith.constant 0 : i32
    %dma_start3A_4 = tpu.memref_slice %arg2[%dma_start3A, %dma_start3A_3] : memref<5120x80xf32, #tpu.memory_space<hbm>> -> memref<5120x80xf32, #tpu.memory_space<hbm>>
    tpu.enqueue_indirect_dma source(%dma_start3A_4 : memref<5120x80xf32, #tpu.memory_space<hbm>>) target(%arg6 : memref<640x80xf32, #tpu.memory_space<vmem>>) offsets(%arg5 : memref<640xi32, #tpu.memory_space<vmem>>) semaphore(%arg7 : memref<!tpu.dma_semaphore, #tpu.memory_space<semaphore_mem>>)
    %dma_wait3A = arith.constant 0 : i32
    %dma_wait3A_5 = arith.constant 0 : i32
    %dma_wait3A_6 = tpu.memref_slice %arg2[%dma_wait3A, %dma_wait3A_5] : memref<5120x80xf32, #tpu.memory_space<hbm>> -> memref<5120x80xf32, #tpu.memory_space<hbm>>
    tpu.wait_indirect_dma semaphore(%arg7 : memref<!tpu.dma_semaphore, #tpu.memory_space<semaphore_mem>>) src(%dma_wait3A_6 : memref<5120x80xf32, #tpu.memory_space<hbm>>) dst(%arg6 : memref<640x80xf32, #tpu.memory_space<vmem>>)
    "tpu.region"() ({
      %run_scoped3A = tpu.sem_alloc : memref<!tpu.dma_semaphore, #tpu.memory_space<semaphore_mem>>
      %dma_start3A_7 = arith.constant 0 : i32
      %dma_start3A_8 = tpu.memref_slice %arg4[%mul3A_2, %dma_start3A_7] : memref<20480x80xf32, #tpu.memory_space<hbm>> -> memref<640x80xf32, #tpu.memory_space<hbm>>
      %dma_start3A_9 = arith.constant 0 : i32
      %dma_start3A_10 = tpu.memref_slice %arg4[%mul3A_2, %dma_start3A_9] : memref<20480x80xf32, #tpu.memory_space<hbm>> -> memref<640x80xf32, #tpu.memory_space<hbm>>
      tpu.enqueue_dma source(%arg6 : memref<640x80xf32, #tpu.memory_space<vmem>>) target(%dma_start3A_10 : memref<640x80xf32, #tpu.memory_space<hbm>>) target_semaphore(%run_scoped3A : memref<!tpu.dma_semaphore, #tpu.memory_space<semaphore_mem>>)
      %dma_wait3A_11 = arith.constant 0 : i32
      %dma_wait3A_12 = tpu.memref_slice %arg4[%mul3A_2, %dma_wait3A_11] : memref<20480x80xf32, #tpu.memory_space<hbm>> -> memref<640x80xf32, #tpu.memory_space<hbm>>
      %dma_wait3A_13 = arith.constant 0 : i32
      %dma_wait3A_14 = tpu.memref_slice %arg4[%mul3A_2, %dma_wait3A_13] : memref<20480x80xf32, #tpu.memory_space<hbm>> -> memref<640x80xf32, #tpu.memory_space<hbm>>
      tpu.wait_dma2 semaphore(%run_scoped3A : memref<!tpu.dma_semaphore, #tpu.memory_space<semaphore_mem>>) src(%arg6 : memref<640x80xf32, #tpu.memory_space<vmem>>) dst(%dma_wait3A_14 : memref<640x80xf32, #tpu.memory_space<hbm>>)
      tpu.yield
    }) : () -> ()
    return
  }
}

#map = affine_map<(d0, d1) -> (0, 0)>
#map1 = affine_map<(d0, d1) -> (0)>
module attributes {stable_mosaic.version = 14 : i64} {
  func.func @gk(%arg0: i32, %arg1: i32, %arg2: memref<10240x80xf32, #tpu.memory_space<hbm>>, %arg3: memref<5120xi32, #tpu.memory_space<hbm>>, %arg4: memref<5120x80xf32, #tpu.memory_space<hbm>>, %arg5: memref<160xi32, #tpu.memory_space<vmem>>, %arg6: memref<160x80xf32, #tpu.memory_space<vmem>>, %arg7: memref<!tpu.dma_semaphore, #tpu.memory_space<semaphore_mem>>) attributes {dimension_semantics = [#tpu.dimension_semantics<core_parallel>, #tpu.dimension_semantics<subcore_parallel>], iteration_bounds = array<i64: 2, 16>, scalar_prefetch = 0 : i64, scratch_operands = 3 : i64, tpu.core_type = #tpu.core_type<sc_vector_subcore>, window_params = [{transform_indices = #map}, {transform_indices = #map1}, {transform_indices = #map}]} {
    %mul3A = arith.constant 2 : i32
    %mul3A_0 = arith.muli %arg1, %mul3A : i32
    %add3A = arith.addi %mul3A_0, %arg0 : i32
    %mul3A_1 = arith.constant 160 : i32
    %mul3A_2 = arith.muli %add3A, %mul3A_1 : i32
    "tpu.region"() ({
      %run_scoped3A = tpu.sem_alloc : memref<!tpu.dma_semaphore, #tpu.memory_space<semaphore_mem>>
      %dma_start3A_7 = tpu.memref_slice %arg3[%mul3A_2] : memref<5120xi32, #tpu.memory_space<hbm>> -> memref<160xi32, #tpu.memory_space<hbm>>
      %dma_start3A_8 = tpu.memref_slice %arg3[%mul3A_2] : memref<5120xi32, #tpu.memory_space<hbm>> -> memref<160xi32, #tpu.memory_space<hbm>>
      tpu.enqueue_dma source(%dma_start3A_8 : memref<160xi32, #tpu.memory_space<hbm>>) target(%arg5 : memref<160xi32, #tpu.memory_space<vmem>>) target_semaphore(%run_scoped3A : memref<!tpu.dma_semaphore, #tpu.memory_space<semaphore_mem>>)
      %dma_wait3A_9 = tpu.memref_slice %arg3[%mul3A_2] : memref<5120xi32, #tpu.memory_space<hbm>> -> memref<160xi32, #tpu.memory_space<hbm>>
      %dma_wait3A_10 = tpu.memref_slice %arg3[%mul3A_2] : memref<5120xi32, #tpu.memory_space<hbm>> -> memref<160xi32, #tpu.memory_space<hbm>>
      tpu.wait_dma2 semaphore(%run_scoped3A : memref<!tpu.dma_semaphore, #tpu.memory_space<semaphore_mem>>) src(%dma_wait3A_10 : memref<160xi32, #tpu.memory_space<hbm>>) dst(%arg5 : memref<160xi32, #tpu.memory_space<vmem>>)
      tpu.yield
    }) : () -> ()
    %dma_start3A = arith.constant 0 : i32
    %dma_start3A_3 = arith.constant 0 : i32
    %dma_start3A_4 = tpu.memref_slice %arg2[%dma_start3A, %dma_start3A_3] : memref<10240x80xf32, #tpu.memory_space<hbm>> -> memref<10240x80xf32, #tpu.memory_space<hbm>>
    tpu.enqueue_indirect_dma source(%dma_start3A_4 : memref<10240x80xf32, #tpu.memory_space<hbm>>) target(%arg6 : memref<160x80xf32, #tpu.memory_space<vmem>>) offsets(%arg5 : memref<160xi32, #tpu.memory_space<vmem>>) semaphore(%arg7 : memref<!tpu.dma_semaphore, #tpu.memory_space<semaphore_mem>>)
    %dma_wait3A = arith.constant 0 : i32
    %dma_wait3A_5 = arith.constant 0 : i32
    %dma_wait3A_6 = tpu.memref_slice %arg2[%dma_wait3A, %dma_wait3A_5] : memref<10240x80xf32, #tpu.memory_space<hbm>> -> memref<10240x80xf32, #tpu.memory_space<hbm>>
    tpu.wait_indirect_dma semaphore(%arg7 : memref<!tpu.dma_semaphore, #tpu.memory_space<semaphore_mem>>) src(%dma_wait3A_6 : memref<10240x80xf32, #tpu.memory_space<hbm>>) dst(%arg6 : memref<160x80xf32, #tpu.memory_space<vmem>>)
    "tpu.region"() ({
      %run_scoped3A = tpu.sem_alloc : memref<!tpu.dma_semaphore, #tpu.memory_space<semaphore_mem>>
      %dma_start3A_7 = arith.constant 0 : i32
      %dma_start3A_8 = tpu.memref_slice %arg4[%mul3A_2, %dma_start3A_7] : memref<5120x80xf32, #tpu.memory_space<hbm>> -> memref<160x80xf32, #tpu.memory_space<hbm>>
      %dma_start3A_9 = arith.constant 0 : i32
      %dma_start3A_10 = tpu.memref_slice %arg4[%mul3A_2, %dma_start3A_9] : memref<5120x80xf32, #tpu.memory_space<hbm>> -> memref<160x80xf32, #tpu.memory_space<hbm>>
      tpu.enqueue_dma source(%arg6 : memref<160x80xf32, #tpu.memory_space<vmem>>) target(%dma_start3A_10 : memref<160x80xf32, #tpu.memory_space<hbm>>) target_semaphore(%run_scoped3A : memref<!tpu.dma_semaphore, #tpu.memory_space<semaphore_mem>>)
      %dma_wait3A_11 = arith.constant 0 : i32
      %dma_wait3A_12 = tpu.memref_slice %arg4[%mul3A_2, %dma_wait3A_11] : memref<5120x80xf32, #tpu.memory_space<hbm>> -> memref<160x80xf32, #tpu.memory_space<hbm>>
      %dma_wait3A_13 = arith.constant 0 : i32
      %dma_wait3A_14 = tpu.memref_slice %arg4[%mul3A_2, %dma_wait3A_13] : memref<5120x80xf32, #tpu.memory_space<hbm>> -> memref<160x80xf32, #tpu.memory_space<hbm>>
      tpu.wait_dma2 semaphore(%run_scoped3A : memref<!tpu.dma_semaphore, #tpu.memory_space<semaphore_mem>>) src(%arg6 : memref<160x80xf32, #tpu.memory_space<vmem>>) dst(%dma_wait3A_14 : memref<160x80xf32, #tpu.memory_space<hbm>>)
      tpu.yield
    }) : () -> ()
    return
  }
}

#map = affine_map<(d0, d1) -> (0, 0)>
#map1 = affine_map<(d0, d1) -> (0)>
module attributes {stable_mosaic.version = 14 : i64} {
  func.func @gk(%arg0: i32, %arg1: i32, %arg2: memref<2560x80xf32, #tpu.memory_space<hbm>>, %arg3: memref<7680xi32, #tpu.memory_space<hbm>>, %arg4: memref<7680x80xf32, #tpu.memory_space<hbm>>, %arg5: memref<240xi32, #tpu.memory_space<vmem>>, %arg6: memref<240x80xf32, #tpu.memory_space<vmem>>, %arg7: memref<!tpu.dma_semaphore, #tpu.memory_space<semaphore_mem>>) attributes {dimension_semantics = [#tpu.dimension_semantics<core_parallel>, #tpu.dimension_semantics<subcore_parallel>], iteration_bounds = array<i64: 2, 16>, scalar_prefetch = 0 : i64, scratch_operands = 3 : i64, tpu.core_type = #tpu.core_type<sc_vector_subcore>, window_params = [{transform_indices = #map}, {transform_indices = #map1}, {transform_indices = #map}]} {
    %mul3A = arith.constant 2 : i32
    %mul3A_0 = arith.muli %arg1, %mul3A : i32
    %add3A = arith.addi %mul3A_0, %arg0 : i32
    %mul3A_1 = arith.constant 240 : i32
    %mul3A_2 = arith.muli %add3A, %mul3A_1 : i32
    "tpu.region"() ({
      %run_scoped3A = tpu.sem_alloc : memref<!tpu.dma_semaphore, #tpu.memory_space<semaphore_mem>>
      %dma_start3A_7 = tpu.memref_slice %arg3[%mul3A_2] : memref<7680xi32, #tpu.memory_space<hbm>> -> memref<240xi32, #tpu.memory_space<hbm>>
      %dma_start3A_8 = tpu.memref_slice %arg3[%mul3A_2] : memref<7680xi32, #tpu.memory_space<hbm>> -> memref<240xi32, #tpu.memory_space<hbm>>
      tpu.enqueue_dma source(%dma_start3A_8 : memref<240xi32, #tpu.memory_space<hbm>>) target(%arg5 : memref<240xi32, #tpu.memory_space<vmem>>) target_semaphore(%run_scoped3A : memref<!tpu.dma_semaphore, #tpu.memory_space<semaphore_mem>>)
      %dma_wait3A_9 = tpu.memref_slice %arg3[%mul3A_2] : memref<7680xi32, #tpu.memory_space<hbm>> -> memref<240xi32, #tpu.memory_space<hbm>>
      %dma_wait3A_10 = tpu.memref_slice %arg3[%mul3A_2] : memref<7680xi32, #tpu.memory_space<hbm>> -> memref<240xi32, #tpu.memory_space<hbm>>
      tpu.wait_dma2 semaphore(%run_scoped3A : memref<!tpu.dma_semaphore, #tpu.memory_space<semaphore_mem>>) src(%dma_wait3A_10 : memref<240xi32, #tpu.memory_space<hbm>>) dst(%arg5 : memref<240xi32, #tpu.memory_space<vmem>>)
      tpu.yield
    }) : () -> ()
    %dma_start3A = arith.constant 0 : i32
    %dma_start3A_3 = arith.constant 0 : i32
    %dma_start3A_4 = tpu.memref_slice %arg2[%dma_start3A, %dma_start3A_3] : memref<2560x80xf32, #tpu.memory_space<hbm>> -> memref<2560x80xf32, #tpu.memory_space<hbm>>
    tpu.enqueue_indirect_dma source(%dma_start3A_4 : memref<2560x80xf32, #tpu.memory_space<hbm>>) target(%arg6 : memref<240x80xf32, #tpu.memory_space<vmem>>) offsets(%arg5 : memref<240xi32, #tpu.memory_space<vmem>>) semaphore(%arg7 : memref<!tpu.dma_semaphore, #tpu.memory_space<semaphore_mem>>)
    %dma_wait3A = arith.constant 0 : i32
    %dma_wait3A_5 = arith.constant 0 : i32
    %dma_wait3A_6 = tpu.memref_slice %arg2[%dma_wait3A, %dma_wait3A_5] : memref<2560x80xf32, #tpu.memory_space<hbm>> -> memref<2560x80xf32, #tpu.memory_space<hbm>>
    tpu.wait_indirect_dma semaphore(%arg7 : memref<!tpu.dma_semaphore, #tpu.memory_space<semaphore_mem>>) src(%dma_wait3A_6 : memref<2560x80xf32, #tpu.memory_space<hbm>>) dst(%arg6 : memref<240x80xf32, #tpu.memory_space<vmem>>)
    "tpu.region"() ({
      %run_scoped3A = tpu.sem_alloc : memref<!tpu.dma_semaphore, #tpu.memory_space<semaphore_mem>>
      %dma_start3A_7 = arith.constant 0 : i32
      %dma_start3A_8 = tpu.memref_slice %arg4[%mul3A_2, %dma_start3A_7] : memref<7680x80xf32, #tpu.memory_space<hbm>> -> memref<240x80xf32, #tpu.memory_space<hbm>>
      %dma_start3A_9 = arith.constant 0 : i32
      %dma_start3A_10 = tpu.memref_slice %arg4[%mul3A_2, %dma_start3A_9] : memref<7680x80xf32, #tpu.memory_space<hbm>> -> memref<240x80xf32, #tpu.memory_space<hbm>>
      tpu.enqueue_dma source(%arg6 : memref<240x80xf32, #tpu.memory_space<vmem>>) target(%dma_start3A_10 : memref<240x80xf32, #tpu.memory_space<hbm>>) target_semaphore(%run_scoped3A : memref<!tpu.dma_semaphore, #tpu.memory_space<semaphore_mem>>)
      %dma_wait3A_11 = arith.constant 0 : i32
      %dma_wait3A_12 = tpu.memref_slice %arg4[%mul3A_2, %dma_wait3A_11] : memref<7680x80xf32, #tpu.memory_space<hbm>> -> memref<240x80xf32, #tpu.memory_space<hbm>>
      %dma_wait3A_13 = arith.constant 0 : i32
      %dma_wait3A_14 = tpu.memref_slice %arg4[%mul3A_2, %dma_wait3A_13] : memref<7680x80xf32, #tpu.memory_space<hbm>> -> memref<240x80xf32, #tpu.memory_space<hbm>>
      tpu.wait_dma2 semaphore(%run_scoped3A : memref<!tpu.dma_semaphore, #tpu.memory_space<semaphore_mem>>) src(%arg6 : memref<240x80xf32, #tpu.memory_space<vmem>>) dst(%dma_wait3A_14 : memref<240x80xf32, #tpu.memory_space<hbm>>)
      tpu.yield
    }) : () -> ()
    return
  }
}

#map = affine_map<(d0, d1) -> (0, 0)>
#map1 = affine_map<(d0, d1) -> (0)>
module attributes {stable_mosaic.version = 14 : i64} {
  func.func @gk(%arg0: i32, %arg1: i32, %arg2: memref<5120x80xf32, #tpu.memory_space<hbm>>, %arg3: memref<2560xi32, #tpu.memory_space<hbm>>, %arg4: memref<2560x80xf32, #tpu.memory_space<hbm>>, %arg5: memref<80xi32, #tpu.memory_space<vmem>>, %arg6: memref<80x80xf32, #tpu.memory_space<vmem>>, %arg7: memref<!tpu.dma_semaphore, #tpu.memory_space<semaphore_mem>>) attributes {dimension_semantics = [#tpu.dimension_semantics<core_parallel>, #tpu.dimension_semantics<subcore_parallel>], iteration_bounds = array<i64: 2, 16>, scalar_prefetch = 0 : i64, scratch_operands = 3 : i64, tpu.core_type = #tpu.core_type<sc_vector_subcore>, window_params = [{transform_indices = #map}, {transform_indices = #map1}, {transform_indices = #map}]} {
    %mul3A = arith.constant 2 : i32
    %mul3A_0 = arith.muli %arg1, %mul3A : i32
    %add3A = arith.addi %mul3A_0, %arg0 : i32
    %mul3A_1 = arith.constant 80 : i32
    %mul3A_2 = arith.muli %add3A, %mul3A_1 : i32
    "tpu.region"() ({
      %run_scoped3A = tpu.sem_alloc : memref<!tpu.dma_semaphore, #tpu.memory_space<semaphore_mem>>
      %dma_start3A_7 = tpu.memref_slice %arg3[%mul3A_2] : memref<2560xi32, #tpu.memory_space<hbm>> -> memref<80xi32, #tpu.memory_space<hbm>>
      %dma_start3A_8 = tpu.memref_slice %arg3[%mul3A_2] : memref<2560xi32, #tpu.memory_space<hbm>> -> memref<80xi32, #tpu.memory_space<hbm>>
      tpu.enqueue_dma source(%dma_start3A_8 : memref<80xi32, #tpu.memory_space<hbm>>) target(%arg5 : memref<80xi32, #tpu.memory_space<vmem>>) target_semaphore(%run_scoped3A : memref<!tpu.dma_semaphore, #tpu.memory_space<semaphore_mem>>)
      %dma_wait3A_9 = tpu.memref_slice %arg3[%mul3A_2] : memref<2560xi32, #tpu.memory_space<hbm>> -> memref<80xi32, #tpu.memory_space<hbm>>
      %dma_wait3A_10 = tpu.memref_slice %arg3[%mul3A_2] : memref<2560xi32, #tpu.memory_space<hbm>> -> memref<80xi32, #tpu.memory_space<hbm>>
      tpu.wait_dma2 semaphore(%run_scoped3A : memref<!tpu.dma_semaphore, #tpu.memory_space<semaphore_mem>>) src(%dma_wait3A_10 : memref<80xi32, #tpu.memory_space<hbm>>) dst(%arg5 : memref<80xi32, #tpu.memory_space<vmem>>)
      tpu.yield
    }) : () -> ()
    %dma_start3A = arith.constant 0 : i32
    %dma_start3A_3 = arith.constant 0 : i32
    %dma_start3A_4 = tpu.memref_slice %arg2[%dma_start3A, %dma_start3A_3] : memref<5120x80xf32, #tpu.memory_space<hbm>> -> memref<5120x80xf32, #tpu.memory_space<hbm>>
    tpu.enqueue_indirect_dma source(%dma_start3A_4 : memref<5120x80xf32, #tpu.memory_space<hbm>>) target(%arg6 : memref<80x80xf32, #tpu.memory_space<vmem>>) offsets(%arg5 : memref<80xi32, #tpu.memory_space<vmem>>) semaphore(%arg7 : memref<!tpu.dma_semaphore, #tpu.memory_space<semaphore_mem>>)
    %dma_wait3A = arith.constant 0 : i32
    %dma_wait3A_5 = arith.constant 0 : i32
    %dma_wait3A_6 = tpu.memref_slice %arg2[%dma_wait3A, %dma_wait3A_5] : memref<5120x80xf32, #tpu.memory_space<hbm>> -> memref<5120x80xf32, #tpu.memory_space<hbm>>
    tpu.wait_indirect_dma semaphore(%arg7 : memref<!tpu.dma_semaphore, #tpu.memory_space<semaphore_mem>>) src(%dma_wait3A_6 : memref<5120x80xf32, #tpu.memory_space<hbm>>) dst(%arg6 : memref<80x80xf32, #tpu.memory_space<vmem>>)
    "tpu.region"() ({
      %run_scoped3A = tpu.sem_alloc : memref<!tpu.dma_semaphore, #tpu.memory_space<semaphore_mem>>
      %dma_start3A_7 = arith.constant 0 : i32
      %dma_start3A_8 = tpu.memref_slice %arg4[%mul3A_2, %dma_start3A_7] : memref<2560x80xf32, #tpu.memory_space<hbm>> -> memref<80x80xf32, #tpu.memory_space<hbm>>
      %dma_start3A_9 = arith.constant 0 : i32
      %dma_start3A_10 = tpu.memref_slice %arg4[%mul3A_2, %dma_start3A_9] : memref<2560x80xf32, #tpu.memory_space<hbm>> -> memref<80x80xf32, #tpu.memory_space<hbm>>
      tpu.enqueue_dma source(%arg6 : memref<80x80xf32, #tpu.memory_space<vmem>>) target(%dma_start3A_10 : memref<80x80xf32, #tpu.memory_space<hbm>>) target_semaphore(%run_scoped3A : memref<!tpu.dma_semaphore, #tpu.memory_space<semaphore_mem>>)
      %dma_wait3A_11 = arith.constant 0 : i32
      %dma_wait3A_12 = tpu.memref_slice %arg4[%mul3A_2, %dma_wait3A_11] : memref<2560x80xf32, #tpu.memory_space<hbm>> -> memref<80x80xf32, #tpu.memory_space<hbm>>
      %dma_wait3A_13 = arith.constant 0 : i32
      %dma_wait3A_14 = tpu.memref_slice %arg4[%mul3A_2, %dma_wait3A_13] : memref<2560x80xf32, #tpu.memory_space<hbm>> -> memref<80x80xf32, #tpu.memory_space<hbm>>
      tpu.wait_dma2 semaphore(%run_scoped3A : memref<!tpu.dma_semaphore, #tpu.memory_space<semaphore_mem>>) src(%arg6 : memref<80x80xf32, #tpu.memory_space<vmem>>) dst(%dma_wait3A_14 : memref<80x80xf32, #tpu.memory_space<hbm>>)
      tpu.yield
    }) : () -> ()
    return
  }
}

module attributes {stable_mosaic.version = 14 : i64} {
  func.func @_knn_kernel(%arg0: i32, %arg1: memref<256x4xf32, #tpu.memory_space<vmem>>, %arg2: memref<256x1xi32, #tpu.memory_space<vmem>>, %arg3: memref<4x10240xf32, #tpu.memory_space<vmem>>, %arg4: memref<1x10240xi32, #tpu.memory_space<vmem>>, %arg5: memref<256x8xi32, #tpu.memory_space<vmem>>) attributes {dimension_semantics = [#tpu.dimension_semantics<arbitrary>], iteration_bounds = array<i64: 40>, scalar_prefetch = 0 : i64, scratch_operands = 0 : i64, tpu.core_type = #tpu.core_type<tc>, window_params = [{transform_indices = @transform_0, window_bounds = array<i64: 256, 4>}, {transform_indices = @transform_1, window_bounds = array<i64: 256, 1>}, {pipeline_mode = #tpu.pipeline_mode<synchronous>, transform_indices = @transform_2, window_bounds = array<i64: 4, 10240>}, {pipeline_mode = #tpu.pipeline_mode<synchronous>, transform_indices = @transform_3, window_bounds = array<i64: 1, 10240>}, {transform_indices = @transform_4, window_bounds = array<i64: 256, 8>}]} {
    %iota3A = tpu.iota {dimensions = array<i32: 1>} : vector<256x10240xi32>
    %get3A = arith.constant 0 : index
    %get3A_0 = arith.constant 0 : index
    %get3A_1 = vector.load %arg1[%get3A, %get3A_0] : memref<256x4xf32, #tpu.memory_space<vmem>>, vector<256x1xf32>
    %get3A_2 = arith.constant 0 : index
    %get3A_3 = arith.constant 0 : index
    %get3A_4 = vector.load %arg3[%get3A_2, %get3A_3] : memref<4x10240xf32, #tpu.memory_space<vmem>>, vector<1x10240xf32>
    %sub3A = vector.broadcast %get3A_1 : vector<256x1xf32> to vector<256x10240xf32>
    %sub3A_5 = vector.broadcast %get3A_4 : vector<1x10240xf32> to vector<256x10240xf32>
    %sub3A_6 = arith.subf %sub3A, %sub3A_5 : vector<256x10240xf32>
    %mul3A = arith.mulf %sub3A_6, %sub3A_6 : vector<256x10240xf32>
    %get3A_7 = arith.constant 0 : index
    %get3A_8 = arith.constant 1 : index
    %get3A_9 = vector.load %arg1[%get3A_7, %get3A_8] : memref<256x4xf32, #tpu.memory_space<vmem>>, vector<256x1xf32>
    %get3A_10 = arith.constant 1 : index
    %get3A_11 = arith.constant 0 : index
    %get3A_12 = vector.load %arg3[%get3A_10, %get3A_11] : memref<4x10240xf32, #tpu.memory_space<vmem>>, vector<1x10240xf32>
    %sub3A_13 = vector.broadcast %get3A_9 : vector<256x1xf32> to vector<256x10240xf32>
    %sub3A_14 = vector.broadcast %get3A_12 : vector<1x10240xf32> to vector<256x10240xf32>
    %sub3A_15 = arith.subf %sub3A_13, %sub3A_14 : vector<256x10240xf32>
    %mul3A_16 = arith.mulf %sub3A_15, %sub3A_15 : vector<256x10240xf32>
    %add3A = arith.addf %mul3A, %mul3A_16 : vector<256x10240xf32>
    %get3A_17 = arith.constant 0 : index
    %get3A_18 = arith.constant 2 : index
    %get3A_19 = vector.load %arg1[%get3A_17, %get3A_18] : memref<256x4xf32, #tpu.memory_space<vmem>>, vector<256x1xf32>
    %get3A_20 = arith.constant 2 : index
    %get3A_21 = arith.constant 0 : index
    %get3A_22 = vector.load %arg3[%get3A_20, %get3A_21] : memref<4x10240xf32, #tpu.memory_space<vmem>>, vector<1x10240xf32>
    %sub3A_23 = vector.broadcast %get3A_19 : vector<256x1xf32> to vector<256x10240xf32>
    %sub3A_24 = vector.broadcast %get3A_22 : vector<1x10240xf32> to vector<256x10240xf32>
    %sub3A_25 = arith.subf %sub3A_23, %sub3A_24 : vector<256x10240xf32>
    %mul3A_26 = arith.mulf %sub3A_25, %sub3A_25 : vector<256x10240xf32>
    %add3A_27 = arith.addf %add3A, %mul3A_26 : vector<256x10240xf32>
    %get3A_28 = arith.constant 0 : index
    %get3A_29 = arith.constant 0 : index
    %get3A_30 = vector.load %arg2[%get3A_28, %get3A_29] : memref<256x1xi32, #tpu.memory_space<vmem>>, vector<256x1xi32>
    %get3A_31 = arith.constant 0 : index
    %get3A_32 = arith.constant 0 : index
    %get3A_33 = vector.load %arg4[%get3A_31, %get3A_32] : memref<1x10240xi32, #tpu.memory_space<vmem>>, vector<1x10240xi32>
    %eq3A = vector.broadcast %get3A_30 : vector<256x1xi32> to vector<256x10240xi32>
    %eq3A_34 = vector.broadcast %get3A_33 : vector<1x10240xi32> to vector<256x10240xi32>
    %eq3A_35 = arith.cmpi eq, %eq3A, %eq3A_34 : vector<256x10240xi32>
    %jit3A = arith.constant 3.000000e+38 : f32
    %broadcast_in_dim3A = vector.broadcast %jit3A : f32 to vector<256x10240xf32>
    %select_n3A = arith.select %eq3A_35, %add3A_27, %broadcast_in_dim3A : vector<256x10240xi1>, vector<256x10240xf32>
    %reduce_min3A = arith.constant dense<0x7F800000> : vector<256xf32>
    %reduce_min3A_36 = vector.multi_reduction <minimumf>, %select_n3A, %reduce_min3A [1] : vector<256x10240xf32> to vector<256xf32>
    %broadcast_in_dim3A_37 = vector.shape_cast %reduce_min3A_36 : vector<256xf32> to vector<256x1xf32>
    %eq3A_38 = vector.broadcast %broadcast_in_dim3A_37 : vector<256x1xf32> to vector<256x10240xf32>
    %eq3A_39 = arith.cmpf oeq, %select_n3A, %eq3A_38 : vector<256x10240xf32>
    %jit3A_40 = arith.constant 1073741824 : i32
    %broadcast_in_dim3A_41 = vector.broadcast %jit3A_40 : i32 to vector<256x10240xi32>
    %select_n3A_42 = arith.select %eq3A_39, %iota3A, %broadcast_in_dim3A_41 : vector<256x10240xi1>, vector<256x10240xi32>
    %reduce_min3A_43 = arith.constant dense<2147483647> : vector<256xi32>
    %reduce_min3A_44 = vector.multi_reduction <minsi>, %select_n3A_42, %reduce_min3A_43 [1] : vector<256x10240xi32> to vector<256xi32>
    %broadcast_in_dim3A_45 = vector.shape_cast %reduce_min3A_44 : vector<256xi32> to vector<256x1xi32>
    %swap3A = arith.constant 0 : index
    %swap3A_46 = arith.constant 0 : index
    %swap3A_47 = vector.load %arg5[%swap3A, %swap3A_46] : memref<256x8xi32, #tpu.memory_space<vmem>>, vector<256x1xi32>
    tpu.vector_store %arg5[%swap3A, %swap3A_46], %broadcast_in_dim3A_45 {strides = array<i32>} : memref<256x8xi32, #tpu.memory_space<vmem>>, vector<256x1xi32>,
    %eq3A_48 = vector.broadcast %broadcast_in_dim3A_45 : vector<256x1xi32> to vector<256x10240xi32>
    %eq3A_49 = arith.cmpi eq, %iota3A, %eq3A_48 : vector<256x10240xi32>
    %jit3A_50 = arith.constant 0x7F800000 : f32
    %broadcast_in_dim3A_51 = vector.broadcast %jit3A_50 : f32 to vector<256x10240xf32>
    %select_n3A_52 = arith.select %eq3A_49, %broadcast_in_dim3A_51, %select_n3A : vector<256x10240xi1>, vector<256x10240xf32>
    %reduce_min3A_53 = arith.constant dense<0x7F800000> : vector<256xf32>
    %reduce_min3A_54 = vector.multi_reduction <minimumf>, %select_n3A_52, %reduce_min3A_53 [1] : vector<256x10240xf32> to vector<256xf32>
    %broadcast_in_dim3A_55 = vector.shape_cast %reduce_min3A_54 : vector<256xf32> to vector<256x1xf32>
    %eq3A_56 = vector.broadcast %broadcast_in_dim3A_55 : vector<256x1xf32> to vector<256x10240xf32>
    %eq3A_57 = arith.cmpf oeq, %select_n3A_52, %eq3A_56 : vector<256x10240xf32>
    %jit3A_58 = arith.constant 1073741824 : i32
    %broadcast_in_dim3A_59 = vector.broadcast %jit3A_58 : i32 to vector<256x10240xi32>
    %select_n3A_60 = arith.select %eq3A_57, %iota3A, %broadcast_in_dim3A_59 : vector<256x10240xi1>, vector<256x10240xi32>
    %reduce_min3A_61 = arith.constant dense<2147483647> : vector<256xi32>
    %reduce_min3A_62 = vector.multi_reduction <minsi>, %select_n3A_60, %reduce_min3A_61 [1] : vector<256x10240xi32> to vector<256xi32>
    %broadcast_in_dim3A_63 = vector.shape_cast %reduce_min3A_62 : vector<256xi32> to vector<256x1xi32>
    %swap3A_64 = arith.constant 0 : index
    %swap3A_65 = arith.constant 1 : index
    %swap3A_66 = vector.load %arg5[%swap3A_64, %swap3A_65] : memref<256x8xi32, #tpu.memory_space<vmem>>, vector<256x1xi32>
    tpu.vector_store %arg5[%swap3A_64, %swap3A_65], %broadcast_in_dim3A_63 {strides = array<i32>} : memref<256x8xi32, #tpu.memory_space<vmem>>, vector<256x1xi32>,
    %eq3A_67 = vector.broadcast %broadcast_in_dim3A_63 : vector<256x1xi32> to vector<256x10240xi32>
    %eq3A_68 = arith.cmpi eq, %iota3A, %eq3A_67 : vector<256x10240xi32>
    %jit3A_69 = arith.constant 0x7F800000 : f32
    %broadcast_in_dim3A_70 = vector.broadcast %jit3A_69 : f32 to vector<256x10240xf32>
    %select_n3A_71 = arith.select %eq3A_68, %broadcast_in_dim3A_70, %select_n3A_52 : vector<256x10240xi1>, vector<256x10240xf32>
    %reduce_min3A_72 = arith.constant dense<0x7F800000> : vector<256xf32>
    %reduce_min3A_73 = vector.multi_reduction <minimumf>, %select_n3A_71, %reduce_min3A_72 [1] : vector<256x10240xf32> to vector<256xf32>
    %broadcast_in_dim3A_74 = vector.shape_cast %reduce_min3A_73 : vector<256xf32> to vector<256x1xf32>
    %eq3A_75 = vector.broadcast %broadcast_in_dim3A_74 : vector<256x1xf32> to vector<256x10240xf32>
    %eq3A_76 = arith.cmpf oeq, %select_n3A_71, %eq3A_75 : vector<256x10240xf32>
    %jit3A_77 = arith.constant 1073741824 : i32
    %broadcast_in_dim3A_78 = vector.broadcast %jit3A_77 : i32 to vector<256x10240xi32>
    %select_n3A_79 = arith.select %eq3A_76, %iota3A, %broadcast_in_dim3A_78 : vector<256x10240xi1>, vector<256x10240xi32>
    %reduce_min3A_80 = arith.constant dense<2147483647> : vector<256xi32>
    %reduce_min3A_81 = vector.multi_reduction <minsi>, %select_n3A_79, %reduce_min3A_80 [1] : vector<256x10240xi32> to vector<256xi32>
    %broadcast_in_dim3A_82 = vector.shape_cast %reduce_min3A_81 : vector<256xi32> to vector<256x1xi32>
    %swap3A_83 = arith.constant 0 : index
    %swap3A_84 = arith.constant 2 : index
    %swap3A_85 = vector.load %arg5[%swap3A_83, %swap3A_84] : memref<256x8xi32, #tpu.memory_space<vmem>>, vector<256x1xi32>
    tpu.vector_store %arg5[%swap3A_83, %swap3A_84], %broadcast_in_dim3A_82 {strides = array<i32>} : memref<256x8xi32, #tpu.memory_space<vmem>>, vector<256x1xi32>,
    %eq3A_86 = vector.broadcast %broadcast_in_dim3A_82 : vector<256x1xi32> to vector<256x10240xi32>
    %eq3A_87 = arith.cmpi eq, %iota3A, %eq3A_86 : vector<256x10240xi32>
    %jit3A_88 = arith.constant 0x7F800000 : f32
    %broadcast_in_dim3A_89 = vector.broadcast %jit3A_88 : f32 to vector<256x10240xf32>
    %select_n3A_90 = arith.select %eq3A_87, %broadcast_in_dim3A_89, %select_n3A_71 : vector<256x10240xi1>, vector<256x10240xf32>
    %reduce_min3A_91 = arith.constant dense<0x7F800000> : vector<256xf32>
    %reduce_min3A_92 = vector.multi_reduction <minimumf>, %select_n3A_90, %reduce_min3A_91 [1] : vector<256x10240xf32> to vector<256xf32>
    %broadcast_in_dim3A_93 = vector.shape_cast %reduce_min3A_92 : vector<256xf32> to vector<256x1xf32>
    %eq3A_94 = vector.broadcast %broadcast_in_dim3A_93 : vector<256x1xf32> to vector<256x10240xf32>
    %eq3A_95 = arith.cmpf oeq, %select_n3A_90, %eq3A_94 : vector<256x10240xf32>
    %jit3A_96 = arith.constant 1073741824 : i32
    %broadcast_in_dim3A_97 = vector.broadcast %jit3A_96 : i32 to vector<256x10240xi32>
    %select_n3A_98 = arith.select %eq3A_95, %iota3A, %broadcast_in_dim3A_97 : vector<256x10240xi1>, vector<256x10240xi32>
    %reduce_min3A_99 = arith.constant dense<2147483647> : vector<256xi32>
    %reduce_min3A_100 = vector.multi_reduction <minsi>, %select_n3A_98, %reduce_min3A_99 [1] : vector<256x10240xi32> to vector<256xi32>
    %broadcast_in_dim3A_101 = vector.shape_cast %reduce_min3A_100 : vector<256xi32> to vector<256x1xi32>
    %swap3A_102 = arith.constant 0 : index
    %swap3A_103 = arith.constant 3 : index
    %swap3A_104 = vector.load %arg5[%swap3A_102, %swap3A_103] : memref<256x8xi32, #tpu.memory_space<vmem>>, vector<256x1xi32>
    tpu.vector_store %arg5[%swap3A_102, %swap3A_103], %broadcast_in_dim3A_101 {strides = array<i32>} : memref<256x8xi32, #tpu.memory_space<vmem>>, vector<256x1xi32>,
    %eq3A_105 = vector.broadcast %broadcast_in_dim3A_101 : vector<256x1xi32> to vector<256x10240xi32>
    %eq3A_106 = arith.cmpi eq, %iota3A, %eq3A_105 : vector<256x10240xi32>
    %jit3A_107 = arith.constant 0x7F800000 : f32
    %broadcast_in_dim3A_108 = vector.broadcast %jit3A_107 : f32 to vector<256x10240xf32>
    %select_n3A_109 = arith.select %eq3A_106, %broadcast_in_dim3A_108, %select_n3A_90 : vector<256x10240xi1>, vector<256x10240xf32>
    %reduce_min3A_110 = arith.constant dense<0x7F800000> : vector<256xf32>
    %reduce_min3A_111 = vector.multi_reduction <minimumf>, %select_n3A_109, %reduce_min3A_110 [1] : vector<256x10240xf32> to vector<256xf32>
    %broadcast_in_dim3A_112 = vector.shape_cast %reduce_min3A_111 : vector<256xf32> to vector<256x1xf32>
    %eq3A_113 = vector.broadcast %broadcast_in_dim3A_112 : vector<256x1xf32> to vector<256x10240xf32>
    %eq3A_114 = arith.cmpf oeq, %select_n3A_109, %eq3A_113 : vector<256x10240xf32>
    %jit3A_115 = arith.constant 1073741824 : i32
    %broadcast_in_dim3A_116 = vector.broadcast %jit3A_115 : i32 to vector<256x10240xi32>
    %select_n3A_117 = arith.select %eq3A_114, %iota3A, %broadcast_in_dim3A_116 : vector<256x10240xi1>, vector<256x10240xi32>
    %reduce_min3A_118 = arith.constant dense<2147483647> : vector<256xi32>
    %reduce_min3A_119 = vector.multi_reduction <minsi>, %select_n3A_117, %reduce_min3A_118 [1] : vector<256x10240xi32> to vector<256xi32>
    %broadcast_in_dim3A_120 = vector.shape_cast %reduce_min3A_119 : vector<256xi32> to vector<256x1xi32>
    %swap3A_121 = arith.constant 0 : index
    %swap3A_122 = arith.constant 4 : index
    %swap3A_123 = vector.load %arg5[%swap3A_121, %swap3A_122] : memref<256x8xi32, #tpu.memory_space<vmem>>, vector<256x1xi32>
    tpu.vector_store %arg5[%swap3A_121, %swap3A_122], %broadcast_in_dim3A_120 {strides = array<i32>} : memref<256x8xi32, #tpu.memory_space<vmem>>, vector<256x1xi32>,
    %eq3A_124 = vector.broadcast %broadcast_in_dim3A_120 : vector<256x1xi32> to vector<256x10240xi32>
    %eq3A_125 = arith.cmpi eq, %iota3A, %eq3A_124 : vector<256x10240xi32>
    %jit3A_126 = arith.constant 0x7F800000 : f32
    %broadcast_in_dim3A_127 = vector.broadcast %jit3A_126 : f32 to vector<256x10240xf32>
    %select_n3A_128 = arith.select %eq3A_125, %broadcast_in_dim3A_127, %select_n3A_109 : vector<256x10240xi1>, vector<256x10240xf32>
    %reduce_min3A_129 = arith.constant dense<0x7F800000> : vector<256xf32>
    %reduce_min3A_130 = vector.multi_reduction <minimumf>, %select_n3A_128, %reduce_min3A_129 [1] : vector<256x10240xf32> to vector<256xf32>
    %broadcast_in_dim3A_131 = vector.shape_cast %reduce_min3A_130 : vector<256xf32> to vector<256x1xf32>
    %eq3A_132 = vector.broadcast %broadcast_in_dim3A_131 : vector<256x1xf32> to vector<256x10240xf32>
    %eq3A_133 = arith.cmpf oeq, %select_n3A_128, %eq3A_132 : vector<256x10240xf32>
    %jit3A_134 = arith.constant 1073741824 : i32
    %broadcast_in_dim3A_135 = vector.broadcast %jit3A_134 : i32 to vector<256x10240xi32>
    %select_n3A_136 = arith.select %eq3A_133, %iota3A, %broadcast_in_dim3A_135 : vector<256x10240xi1>, vector<256x10240xi32>
    %reduce_min3A_137 = arith.constant dense<2147483647> : vector<256xi32>
    %reduce_min3A_138 = vector.multi_reduction <minsi>, %select_n3A_136, %reduce_min3A_137 [1] : vector<256x10240xi32> to vector<256xi32>
    %broadcast_in_dim3A_139 = vector.shape_cast %reduce_min3A_138 : vector<256xi32> to vector<256x1xi32>
    %swap3A_140 = arith.constant 0 : index
    %swap3A_141 = arith.constant 5 : index
    %swap3A_142 = vector.load %arg5[%swap3A_140, %swap3A_141] : memref<256x8xi32, #tpu.memory_space<vmem>>, vector<256x1xi32>
    tpu.vector_store %arg5[%swap3A_140, %swap3A_141], %broadcast_in_dim3A_139 {strides = array<i32>} : memref<256x8xi32, #tpu.memory_space<vmem>>, vector<256x1xi32>,
    return
  }
  func.func @transform_0(%arg0: i32) -> (i32, i32) {
    %c0_i32 = arith.constant 0 : i32
    %c0_i32_0 = arith.constant 0 : i32
    return %arg0, %c0_i32 : i32, i32
  }
  func.func @transform_1(%arg0: i32) -> (i32, i32) {
    %c0_i32 = arith.constant 0 : i32
    %c0_i32_0 = arith.constant 0 : i32
    return %arg0, %c0_i32 : i32, i32
  }
  func.func @transform_2(%arg0: i32) -> (i32, i32) {
    %c0_i32 = arith.constant 0 : i32
    %c0_i32_0 = arith.constant 0 : i32
    %c0_i32_1 = arith.constant 0 : i32
    return %c0_i32, %c0_i32_0 : i32, i32
  }
  func.func @transform_3(%arg0: i32) -> (i32, i32) {
    %c0_i32 = arith.constant 0 : i32
    %c0_i32_0 = arith.constant 0 : i32
    %c0_i32_1 = arith.constant 0 : i32
    return %c0_i32, %c0_i32_0 : i32, i32
  }
  func.func @transform_4(%arg0: i32) -> (i32, i32) {
    %c0_i32 = arith.constant 0 : i32
    %c0_i32_0 = arith.constant 0 : i32
    return %arg0, %c0_i32 : i32, i32
  }
}

module attributes {stable_mosaic.version = 14 : i64} {
  func.func @_knn_win_kernel(%arg0: i32, %arg1: memref<40xi32, #tpu.memory_space<smem>>, %arg2: memref<256x4xf32, #tpu.memory_space<vmem>>, %arg3: memref<256x1xi32, #tpu.memory_space<vmem>>, %arg4: memref<1x4x3072xf32, #tpu.memory_space<vmem>>, %arg5: memref<1x1x3072xi32, #tpu.memory_space<vmem>>, %arg6: memref<256x8xi32, #tpu.memory_space<vmem>>) attributes {dimension_semantics = [#tpu.dimension_semantics<arbitrary>], iteration_bounds = array<i64: 40>, scalar_prefetch = 0 : i64, scratch_operands = 0 : i64, tpu.core_type = #tpu.core_type<tc>, window_params = [{transform_indices = @transform_0, window_bounds = array<i64: 40>}, {transform_indices = @transform_1, window_bounds = array<i64: 256, 4>}, {transform_indices = @transform_2, window_bounds = array<i64: 256, 1>}, {transform_indices = @transform_3, window_bounds = array<i64: 1, 4, 3072>}, {transform_indices = @transform_4, window_bounds = array<i64: 1, 1, 3072>}, {transform_indices = @transform_5, window_bounds = array<i64: 256, 8>}]} {
    %get3A = arith.index_cast %arg0 : i32 to index
    %get3A_0 = memref.load %arg1[%get3A] : memref<40xi32, #tpu.memory_space<smem>>
    %iota3A = tpu.iota {dimensions = array<i32: 1>} : vector<256x3072xi32>
    %get3A_1 = arith.constant 0 : index
    %get3A_2 = arith.constant 0 : index
    %get3A_3 = arith.constant 0 : index
    %get3A_4 = vector.load %arg4[%get3A_1, %get3A_2, %get3A_3] : memref<1x4x3072xf32, #tpu.memory_space<vmem>>, vector<1x4x3072xf32>
    %get3A_5 = vector.shape_cast %get3A_4 : vector<1x4x3072xf32> to vector<4x3072xf32>
    %get3A_6 = arith.constant 0 : index
    %get3A_7 = arith.constant 0 : index
    %get3A_8 = vector.load %arg2[%get3A_6, %get3A_7] : memref<256x4xf32, #tpu.memory_space<vmem>>, vector<256x1xf32>
    %slice3A = vector.extract_strided_slice %get3A_5 {offsets = [0, 0], sizes = [1, 3072], strides = [1, 1]} : vector<4x3072xf32> to vector<1x3072xf32>
    %sub3A = vector.broadcast %get3A_8 : vector<256x1xf32> to vector<256x3072xf32>
    %sub3A_9 = vector.broadcast %slice3A : vector<1x3072xf32> to vector<256x3072xf32>
    %sub3A_10 = arith.subf %sub3A, %sub3A_9 : vector<256x3072xf32>
    %mul3A = arith.mulf %sub3A_10, %sub3A_10 : vector<256x3072xf32>
    %get3A_11 = arith.constant 0 : index
    %get3A_12 = arith.constant 1 : index
    %get3A_13 = vector.load %arg2[%get3A_11, %get3A_12] : memref<256x4xf32, #tpu.memory_space<vmem>>, vector<256x1xf32>
    %slice3A_14 = vector.extract_strided_slice %get3A_5 {offsets = [1, 0], sizes = [1, 3072], strides = [1, 1]} : vector<4x3072xf32> to vector<1x3072xf32>
    %sub3A_15 = vector.broadcast %get3A_13 : vector<256x1xf32> to vector<256x3072xf32>
    %sub3A_16 = vector.broadcast %slice3A_14 : vector<1x3072xf32> to vector<256x3072xf32>
    %sub3A_17 = arith.subf %sub3A_15, %sub3A_16 : vector<256x3072xf32>
    %mul3A_18 = arith.mulf %sub3A_17, %sub3A_17 : vector<256x3072xf32>
    %add3A = arith.addf %mul3A, %mul3A_18 : vector<256x3072xf32>
    %get3A_19 = arith.constant 0 : index
    %get3A_20 = arith.constant 2 : index
    %get3A_21 = vector.load %arg2[%get3A_19, %get3A_20] : memref<256x4xf32, #tpu.memory_space<vmem>>, vector<256x1xf32>
    %slice3A_22 = vector.extract_strided_slice %get3A_5 {offsets = [2, 0], sizes = [1, 3072], strides = [1, 1]} : vector<4x3072xf32> to vector<1x3072xf32>
    %sub3A_23 = vector.broadcast %get3A_21 : vector<256x1xf32> to vector<256x3072xf32>
    %sub3A_24 = vector.broadcast %slice3A_22 : vector<1x3072xf32> to vector<256x3072xf32>
    %sub3A_25 = arith.subf %sub3A_23, %sub3A_24 : vector<256x3072xf32>
    %mul3A_26 = arith.mulf %sub3A_25, %sub3A_25 : vector<256x3072xf32>
    %add3A_27 = arith.addf %add3A, %mul3A_26 : vector<256x3072xf32>
    %get3A_28 = arith.constant 0 : index
    %get3A_29 = arith.constant 0 : index
    %get3A_30 = vector.load %arg3[%get3A_28, %get3A_29] : memref<256x1xi32, #tpu.memory_space<vmem>>, vector<256x1xi32>
    %get3A_31 = arith.constant 0 : index
    %get3A_32 = arith.constant 0 : index
    %get3A_33 = arith.constant 0 : index
    %get3A_34 = vector.load %arg5[%get3A_31, %get3A_32, %get3A_33] : memref<1x1x3072xi32, #tpu.memory_space<vmem>>, vector<1x1x3072xi32>
    %get3A_35 = vector.shape_cast %get3A_34 : vector<1x1x3072xi32> to vector<1x3072xi32>
    %eq3A = vector.broadcast %get3A_30 : vector<256x1xi32> to vector<256x3072xi32>
    %eq3A_36 = vector.broadcast %get3A_35 : vector<1x3072xi32> to vector<256x3072xi32>
    %eq3A_37 = arith.cmpi eq, %eq3A, %eq3A_36 : vector<256x3072xi32>
    %jit3A = arith.constant 3.000000e+38 : f32
    %broadcast_in_dim3A = vector.broadcast %jit3A : f32 to vector<256x3072xf32>
    %select_n3A = arith.select %eq3A_37, %add3A_27, %broadcast_in_dim3A : vector<256x3072xi1>, vector<256x3072xf32>
    %reduce_min3A = arith.constant dense<0x7F800000> : vector<256xf32>
    %reduce_min3A_38 = vector.multi_reduction <minimumf>, %select_n3A, %reduce_min3A [1] : vector<256x3072xf32> to vector<256xf32>
    %broadcast_in_dim3A_39 = vector.shape_cast %reduce_min3A_38 : vector<256xf32> to vector<256x1xf32>
    %eq3A_40 = vector.broadcast %broadcast_in_dim3A_39 : vector<256x1xf32> to vector<256x3072xf32>
    %eq3A_41 = arith.cmpf oeq, %select_n3A, %eq3A_40 : vector<256x3072xf32>
    %jit3A_42 = arith.constant 1073741824 : i32
    %broadcast_in_dim3A_43 = vector.broadcast %jit3A_42 : i32 to vector<256x3072xi32>
    %select_n3A_44 = arith.select %eq3A_41, %iota3A, %broadcast_in_dim3A_43 : vector<256x3072xi1>, vector<256x3072xi32>
    %reduce_min3A_45 = arith.constant dense<2147483647> : vector<256xi32>
    %reduce_min3A_46 = vector.multi_reduction <minsi>, %select_n3A_44, %reduce_min3A_45 [1] : vector<256x3072xi32> to vector<256xi32>
    %broadcast_in_dim3A_47 = vector.shape_cast %reduce_min3A_46 : vector<256xi32> to vector<256x1xi32>
    %add3A_48 = vector.broadcast %get3A_0 : i32 to vector<256x1xi32>
    %add3A_49 = arith.addi %broadcast_in_dim3A_47, %add3A_48 : vector<256x1xi32>
    %swap3A = arith.constant 0 : index
    %swap3A_50 = arith.constant 0 : index
    %swap3A_51 = vector.load %arg6[%swap3A, %swap3A_50] : memref<256x8xi32, #tpu.memory_space<vmem>>, vector<256x1xi32>
    tpu.vector_store %arg6[%swap3A, %swap3A_50], %add3A_49 {strides = array<i32>} : memref<256x8xi32, #tpu.memory_space<vmem>>, vector<256x1xi32>,
    %eq3A_52 = vector.broadcast %broadcast_in_dim3A_47 : vector<256x1xi32> to vector<256x3072xi32>
    %eq3A_53 = arith.cmpi eq, %iota3A, %eq3A_52 : vector<256x3072xi32>
    %jit3A_54 = arith.constant 0x7F800000 : f32
    %broadcast_in_dim3A_55 = vector.broadcast %jit3A_54 : f32 to vector<256x3072xf32>
    %select_n3A_56 = arith.select %eq3A_53, %broadcast_in_dim3A_55, %select_n3A : vector<256x3072xi1>, vector<256x3072xf32>
    %reduce_min3A_57 = arith.constant dense<0x7F800000> : vector<256xf32>
    %reduce_min3A_58 = vector.multi_reduction <minimumf>, %select_n3A_56, %reduce_min3A_57 [1] : vector<256x3072xf32> to vector<256xf32>
    %broadcast_in_dim3A_59 = vector.shape_cast %reduce_min3A_58 : vector<256xf32> to vector<256x1xf32>
    %eq3A_60 = vector.broadcast %broadcast_in_dim3A_59 : vector<256x1xf32> to vector<256x3072xf32>
    %eq3A_61 = arith.cmpf oeq, %select_n3A_56, %eq3A_60 : vector<256x3072xf32>
    %jit3A_62 = arith.constant 1073741824 : i32
    %broadcast_in_dim3A_63 = vector.broadcast %jit3A_62 : i32 to vector<256x3072xi32>
    %select_n3A_64 = arith.select %eq3A_61, %iota3A, %broadcast_in_dim3A_63 : vector<256x3072xi1>, vector<256x3072xi32>
    %reduce_min3A_65 = arith.constant dense<2147483647> : vector<256xi32>
    %reduce_min3A_66 = vector.multi_reduction <minsi>, %select_n3A_64, %reduce_min3A_65 [1] : vector<256x3072xi32> to vector<256xi32>
    %broadcast_in_dim3A_67 = vector.shape_cast %reduce_min3A_66 : vector<256xi32> to vector<256x1xi32>
    %add3A_68 = vector.broadcast %get3A_0 : i32 to vector<256x1xi32>
    %add3A_69 = arith.addi %broadcast_in_dim3A_67, %add3A_68 : vector<256x1xi32>
    %swap3A_70 = arith.constant 0 : index
    %swap3A_71 = arith.constant 1 : index
    %swap3A_72 = vector.load %arg6[%swap3A_70, %swap3A_71] : memref<256x8xi32, #tpu.memory_space<vmem>>, vector<256x1xi32>
    tpu.vector_store %arg6[%swap3A_70, %swap3A_71], %add3A_69 {strides = array<i32>} : memref<256x8xi32, #tpu.memory_space<vmem>>, vector<256x1xi32>,
    %eq3A_73 = vector.broadcast %broadcast_in_dim3A_67 : vector<256x1xi32> to vector<256x3072xi32>
    %eq3A_74 = arith.cmpi eq, %iota3A, %eq3A_73 : vector<256x3072xi32>
    %jit3A_75 = arith.constant 0x7F800000 : f32
    %broadcast_in_dim3A_76 = vector.broadcast %jit3A_75 : f32 to vector<256x3072xf32>
    %select_n3A_77 = arith.select %eq3A_74, %broadcast_in_dim3A_76, %select_n3A_56 : vector<256x3072xi1>, vector<256x3072xf32>
    %reduce_min3A_78 = arith.constant dense<0x7F800000> : vector<256xf32>
    %reduce_min3A_79 = vector.multi_reduction <minimumf>, %select_n3A_77, %reduce_min3A_78 [1] : vector<256x3072xf32> to vector<256xf32>
    %broadcast_in_dim3A_80 = vector.shape_cast %reduce_min3A_79 : vector<256xf32> to vector<256x1xf32>
    %eq3A_81 = vector.broadcast %broadcast_in_dim3A_80 : vector<256x1xf32> to vector<256x3072xf32>
    %eq3A_82 = arith.cmpf oeq, %select_n3A_77, %eq3A_81 : vector<256x3072xf32>
    %jit3A_83 = arith.constant 1073741824 : i32
    %broadcast_in_dim3A_84 = vector.broadcast %jit3A_83 : i32 to vector<256x3072xi32>
    %select_n3A_85 = arith.select %eq3A_82, %iota3A, %broadcast_in_dim3A_84 : vector<256x3072xi1>, vector<256x3072xi32>
    %reduce_min3A_86 = arith.constant dense<2147483647> : vector<256xi32>
    %reduce_min3A_87 = vector.multi_reduction <minsi>, %select_n3A_85, %reduce_min3A_86 [1] : vector<256x3072xi32> to vector<256xi32>
    %broadcast_in_dim3A_88 = vector.shape_cast %reduce_min3A_87 : vector<256xi32> to vector<256x1xi32>
    %add3A_89 = vector.broadcast %get3A_0 : i32 to vector<256x1xi32>
    %add3A_90 = arith.addi %broadcast_in_dim3A_88, %add3A_89 : vector<256x1xi32>
    %swap3A_91 = arith.constant 0 : index
    %swap3A_92 = arith.constant 2 : index
    %swap3A_93 = vector.load %arg6[%swap3A_91, %swap3A_92] : memref<256x8xi32, #tpu.memory_space<vmem>>, vector<256x1xi32>
    tpu.vector_store %arg6[%swap3A_91, %swap3A_92], %add3A_90 {strides = array<i32>} : memref<256x8xi32, #tpu.memory_space<vmem>>, vector<256x1xi32>,
    %eq3A_94 = vector.broadcast %broadcast_in_dim3A_88 : vector<256x1xi32> to vector<256x3072xi32>
    %eq3A_95 = arith.cmpi eq, %iota3A, %eq3A_94 : vector<256x3072xi32>
    %jit3A_96 = arith.constant 0x7F800000 : f32
    %broadcast_in_dim3A_97 = vector.broadcast %jit3A_96 : f32 to vector<256x3072xf32>
    %select_n3A_98 = arith.select %eq3A_95, %broadcast_in_dim3A_97, %select_n3A_77 : vector<256x3072xi1>, vector<256x3072xf32>
    %reduce_min3A_99 = arith.constant dense<0x7F800000> : vector<256xf32>
    %reduce_min3A_100 = vector.multi_reduction <minimumf>, %select_n3A_98, %reduce_min3A_99 [1] : vector<256x3072xf32> to vector<256xf32>
    %broadcast_in_dim3A_101 = vector.shape_cast %reduce_min3A_100 : vector<256xf32> to vector<256x1xf32>
    %eq3A_102 = vector.broadcast %broadcast_in_dim3A_101 : vector<256x1xf32> to vector<256x3072xf32>
    %eq3A_103 = arith.cmpf oeq, %select_n3A_98, %eq3A_102 : vector<256x3072xf32>
    %jit3A_104 = arith.constant 1073741824 : i32
    %broadcast_in_dim3A_105 = vector.broadcast %jit3A_104 : i32 to vector<256x3072xi32>
    %select_n3A_106 = arith.select %eq3A_103, %iota3A, %broadcast_in_dim3A_105 : vector<256x3072xi1>, vector<256x3072xi32>
    %reduce_min3A_107 = arith.constant dense<2147483647> : vector<256xi32>
    %reduce_min3A_108 = vector.multi_reduction <minsi>, %select_n3A_106, %reduce_min3A_107 [1] : vector<256x3072xi32> to vector<256xi32>
    %broadcast_in_dim3A_109 = vector.shape_cast %reduce_min3A_108 : vector<256xi32> to vector<256x1xi32>
    %add3A_110 = vector.broadcast %get3A_0 : i32 to vector<256x1xi32>
    %add3A_111 = arith.addi %broadcast_in_dim3A_109, %add3A_110 : vector<256x1xi32>
    %swap3A_112 = arith.constant 0 : index
    %swap3A_113 = arith.constant 3 : index
    %swap3A_114 = vector.load %arg6[%swap3A_112, %swap3A_113] : memref<256x8xi32, #tpu.memory_space<vmem>>, vector<256x1xi32>
    tpu.vector_store %arg6[%swap3A_112, %swap3A_113], %add3A_111 {strides = array<i32>} : memref<256x8xi32, #tpu.memory_space<vmem>>, vector<256x1xi32>,
    %eq3A_115 = vector.broadcast %broadcast_in_dim3A_109 : vector<256x1xi32> to vector<256x3072xi32>
    %eq3A_116 = arith.cmpi eq, %iota3A, %eq3A_115 : vector<256x3072xi32>
    %jit3A_117 = arith.constant 0x7F800000 : f32
    %broadcast_in_dim3A_118 = vector.broadcast %jit3A_117 : f32 to vector<256x3072xf32>
    %select_n3A_119 = arith.select %eq3A_116, %broadcast_in_dim3A_118, %select_n3A_98 : vector<256x3072xi1>, vector<256x3072xf32>
    %reduce_min3A_120 = arith.constant dense<0x7F800000> : vector<256xf32>
    %reduce_min3A_121 = vector.multi_reduction <minimumf>, %select_n3A_119, %reduce_min3A_120 [1] : vector<256x3072xf32> to vector<256xf32>
    %broadcast_in_dim3A_122 = vector.shape_cast %reduce_min3A_121 : vector<256xf32> to vector<256x1xf32>
    %eq3A_123 = vector.broadcast %broadcast_in_dim3A_122 : vector<256x1xf32> to vector<256x3072xf32>
    %eq3A_124 = arith.cmpf oeq, %select_n3A_119, %eq3A_123 : vector<256x3072xf32>
    %jit3A_125 = arith.constant 1073741824 : i32
    %broadcast_in_dim3A_126 = vector.broadcast %jit3A_125 : i32 to vector<256x3072xi32>
    %select_n3A_127 = arith.select %eq3A_124, %iota3A, %broadcast_in_dim3A_126 : vector<256x3072xi1>, vector<256x3072xi32>
    %reduce_min3A_128 = arith.constant dense<2147483647> : vector<256xi32>
    %reduce_min3A_129 = vector.multi_reduction <minsi>, %select_n3A_127, %reduce_min3A_128 [1] : vector<256x3072xi32> to vector<256xi32>
    %broadcast_in_dim3A_130 = vector.shape_cast %reduce_min3A_129 : vector<256xi32> to vector<256x1xi32>
    %add3A_131 = vector.broadcast %get3A_0 : i32 to vector<256x1xi32>
    %add3A_132 = arith.addi %broadcast_in_dim3A_130, %add3A_131 : vector<256x1xi32>
    %swap3A_133 = arith.constant 0 : index
    %swap3A_134 = arith.constant 4 : index
    %swap3A_135 = vector.load %arg6[%swap3A_133, %swap3A_134] : memref<256x8xi32, #tpu.memory_space<vmem>>, vector<256x1xi32>
    tpu.vector_store %arg6[%swap3A_133, %swap3A_134], %add3A_132 {strides = array<i32>} : memref<256x8xi32, #tpu.memory_space<vmem>>, vector<256x1xi32>,
    %eq3A_136 = vector.broadcast %broadcast_in_dim3A_130 : vector<256x1xi32> to vector<256x3072xi32>
    %eq3A_137 = arith.cmpi eq, %iota3A, %eq3A_136 : vector<256x3072xi32>
    %jit3A_138 = arith.constant 0x7F800000 : f32
    %broadcast_in_dim3A_139 = vector.broadcast %jit3A_138 : f32 to vector<256x3072xf32>
    %select_n3A_140 = arith.select %eq3A_137, %broadcast_in_dim3A_139, %select_n3A_119 : vector<256x3072xi1>, vector<256x3072xf32>
    %reduce_min3A_141 = arith.constant dense<0x7F800000> : vector<256xf32>
    %reduce_min3A_142 = vector.multi_reduction <minimumf>, %select_n3A_140, %reduce_min3A_141 [1] : vector<256x3072xf32> to vector<256xf32>
    %broadcast_in_dim3A_143 = vector.shape_cast %reduce_min3A_142 : vector<256xf32> to vector<256x1xf32>
    %eq3A_144 = vector.broadcast %broadcast_in_dim3A_143 : vector<256x1xf32> to vector<256x3072xf32>
    %eq3A_145 = arith.cmpf oeq, %select_n3A_140, %eq3A_144 : vector<256x3072xf32>
    %jit3A_146 = arith.constant 1073741824 : i32
    %broadcast_in_dim3A_147 = vector.broadcast %jit3A_146 : i32 to vector<256x3072xi32>
    %select_n3A_148 = arith.select %eq3A_145, %iota3A, %broadcast_in_dim3A_147 : vector<256x3072xi1>, vector<256x3072xi32>
    %reduce_min3A_149 = arith.constant dense<2147483647> : vector<256xi32>
    %reduce_min3A_150 = vector.multi_reduction <minsi>, %select_n3A_148, %reduce_min3A_149 [1] : vector<256x3072xi32> to vector<256xi32>
    %broadcast_in_dim3A_151 = vector.shape_cast %reduce_min3A_150 : vector<256xi32> to vector<256x1xi32>
    %add3A_152 = vector.broadcast %get3A_0 : i32 to vector<256x1xi32>
    %add3A_153 = arith.addi %broadcast_in_dim3A_151, %add3A_152 : vector<256x1xi32>
    %swap3A_154 = arith.constant 0 : index
    %swap3A_155 = arith.constant 5 : index
    %swap3A_156 = vector.load %arg6[%swap3A_154, %swap3A_155] : memref<256x8xi32, #tpu.memory_space<vmem>>, vector<256x1xi32>
    tpu.vector_store %arg6[%swap3A_154, %swap3A_155], %add3A_153 {strides = array<i32>} : memref<256x8xi32, #tpu.memory_space<vmem>>, vector<256x1xi32>,
    return
  }
  func.func @transform_0(%arg0: i32) -> i32 {
    %c0_i32 = arith.constant 0 : i32
    %c0_i32_0 = arith.constant 0 : i32
    return %c0_i32 : i32
  }
  func.func @transform_1(%arg0: i32) -> (i32, i32) {
    %c0_i32 = arith.constant 0 : i32
    %c0_i32_0 = arith.constant 0 : i32
    return %arg0, %c0_i32 : i32, i32
  }
  func.func @transform_2(%arg0: i32) -> (i32, i32) {
    %c0_i32 = arith.constant 0 : i32
    %c0_i32_0 = arith.constant 0 : i32
    return %arg0, %c0_i32 : i32, i32
  }
  func.func @transform_3(%arg0: i32) -> (i32, i32, i32) {
    %c0_i32 = arith.constant 0 : i32
    %c0_i32_0 = arith.constant 0 : i32
    %c0_i32_1 = arith.constant 0 : i32
    return %arg0, %c0_i32, %c0_i32_0 : i32, i32, i32
  }
  func.func @transform_4(%arg0: i32) -> (i32, i32, i32) {
    %c0_i32 = arith.constant 0 : i32
    %c0_i32_0 = arith.constant 0 : i32
    %c0_i32_1 = arith.constant 0 : i32
    return %arg0, %c0_i32, %c0_i32_0 : i32, i32, i32
  }
  func.func @transform_5(%arg0: i32) -> (i32, i32) {
    %c0_i32 = arith.constant 0 : i32
    %c0_i32_0 = arith.constant 0 : i32
    return %arg0, %c0_i32 : i32, i32
  }
}

module attributes {stable_mosaic.version = 14 : i64} {
  func.func @_fps_kernel(%arg0: memref<1xi32, #tpu.memory_space<smem>>, %arg1: memref<8x1xi32, #tpu.memory_space<vmem>>, %arg2: memref<8x10240xf32, #tpu.memory_space<vmem>>, %arg3: memref<8x10240xf32, #tpu.memory_space<vmem>>, %arg4: memref<8x10240xf32, #tpu.memory_space<vmem>>, %arg5: memref<5248x8xi32, #tpu.memory_space<vmem>>) attributes {dimension_semantics = [], scalar_prefetch = 0 : i64, scratch_operands = 0 : i64, tpu.core_type = #tpu.core_type<tc>} {
    %get3A = arith.constant 0 : index
    %get3A_0 = arith.constant 0 : index
    %get3A_1 = vector.load %arg2[%get3A, %get3A_0] : memref<8x10240xf32, #tpu.memory_space<vmem>>, vector<8x10240xf32>
    %get3A_2 = arith.constant 0 : index
    %get3A_3 = arith.constant 0 : index
    %get3A_4 = vector.load %arg3[%get3A_2, %get3A_3] : memref<8x10240xf32, #tpu.memory_space<vmem>>, vector<8x10240xf32>
    %get3A_5 = arith.constant 0 : index
    %get3A_6 = arith.constant 0 : index
    %get3A_7 = vector.load %arg4[%get3A_5, %get3A_6] : memref<8x10240xf32, #tpu.memory_space<vmem>>, vector<8x10240xf32>
    %iota3A = tpu.iota {dimensions = array<i32: 1>} : vector<8x10240xi32>
    %get3A_8 = arith.constant 0 : index
    %get3A_9 = arith.constant 0 : index
    %get3A_10 = vector.load %arg1[%get3A_8, %get3A_9] : memref<8x1xi32, #tpu.memory_space<vmem>>, vector<8x1xi32>
    %lt3A = vector.broadcast %get3A_10 : vector<8x1xi32> to vector<8x10240xi32>
    %lt3A_11 = arith.cmpi slt, %iota3A, %lt3A : vector<8x10240xi32>
    %iota3A_12 = tpu.iota {dimensions = array<i32: 0>} : vector<8x8xi32>
    %iota3A_13 = tpu.iota {dimensions = array<i32: 1>} : vector<8x8xi32>
    %eq3A = arith.cmpi eq, %iota3A_12, %iota3A_13 : vector<8x8xi32>
    %slice3A = vector.extract_strided_slice %get3A_1 {offsets = [0, 0], sizes = [8, 1], strides = [1, 1]} : vector<8x10240xf32> to vector<8x1xf32>
    %slice3A_14 = vector.extract_strided_slice %get3A_4 {offsets = [0, 0], sizes = [8, 1], strides = [1, 1]} : vector<8x10240xf32> to vector<8x1xf32>
    %slice3A_15 = vector.extract_strided_slice %get3A_7 {offsets = [0, 0], sizes = [8, 1], strides = [1, 1]} : vector<8x10240xf32> to vector<8x1xf32>
    %sub3A = vector.broadcast %slice3A : vector<8x1xf32> to vector<8x10240xf32>
    %sub3A_16 = arith.subf %get3A_1, %sub3A : vector<8x10240xf32>
    %sub3A_17 = vector.broadcast %slice3A_14 : vector<8x1xf32> to vector<8x10240xf32>
    %sub3A_18 = arith.subf %get3A_4, %sub3A_17 : vector<8x10240xf32>
    %sub3A_19 = vector.broadcast %slice3A_15 : vector<8x1xf32> to vector<8x10240xf32>
    %sub3A_20 = arith.subf %get3A_7, %sub3A_19 : vector<8x10240xf32>
    %mul3A = arith.mulf %sub3A_16, %sub3A_16 : vector<8x10240xf32>
    %mul3A_21 = arith.mulf %sub3A_18, %sub3A_18 : vector<8x10240xf32>
    %add3A = arith.addf %mul3A, %mul3A_21 : vector<8x10240xf32>
    %mul3A_22 = arith.mulf %sub3A_20, %sub3A_20 : vector<8x10240xf32>
    %add3A_23 = arith.addf %add3A, %mul3A_22 : vector<8x10240xf32>
    %jit3A = arith.constant 0xFF800000 : f32
    %broadcast_in_dim3A = vector.broadcast %jit3A : f32 to vector<8x10240xf32>
    %select_n3A = arith.select %lt3A_11, %add3A_23, %broadcast_in_dim3A : vector<8x10240xi1>, vector<8x10240xf32>
    %broadcast_in_dim3A_24 = arith.constant 0 : i32
    %broadcast_in_dim3A_25 = vector.broadcast %broadcast_in_dim3A_24 : i32 to vector<1x8xi32>
    %swap3A = arith.constant 0 : index
    %swap3A_26 = arith.constant 0 : index
    %swap3A_27 = vector.load %arg5[%swap3A, %swap3A_26] : memref<5248x8xi32, #tpu.memory_space<vmem>>, vector<1x8xi32>
    tpu.vector_store %arg5[%swap3A, %swap3A_26], %broadcast_in_dim3A_25 {strides = array<i32>} : memref<5248x8xi32, #tpu.memory_space<vmem>>, vector<1x8xi32>,
    %concatenate3A = tpu.concatenate %get3A_1, %get3A_4, %get3A_7 in 0 : vector<8x10240xf32>, vector<8x10240xf32>, vector<8x10240xf32> -> vector<24x10240xf32>
    %get3A_28 = arith.constant 0 : index
    %get3A_29 = memref.load %arg0[%get3A_28] : memref<1xi32, #tpu.memory_space<smem>>
    %while3A = arith.constant 1073741824 : i32
    %while3A_30 = arith.constant 0xFF800000 : f32
    %while3A_31 = arith.constant 1 : i32
    %while3A_32 = arith.subi %get3A_29, %while3A_31 : i32
    %while3A_33 = arith.addi %while3A_31, %while3A_32 : i32
    %while3A_34 = arith.constant 1 : i32
    %while3A_35 = arith.divsi %while3A_32, %while3A_34 : i32
    %while3A_36 = arith.muli %while3A_35, %while3A_34 : i32
    %while3A_37 = arith.addi %while3A_31, %while3A_36 : i32
    %while3A_38 = arith.constant 1 : i32
    %while3A_39 = scf.for %while3A_42 = %while3A_31 to %while3A_37 step %while3A_38 iter_args(%while3A_43 = %select_n3A) -> (vector<8x10240xf32>)  : i32 {
      %reduce_max3A = arith.constant dense<0xFF800000> : vector<8xf32>
      %reduce_max3A_44 = vector.multi_reduction <maximumf>, %while3A_43, %reduce_max3A [1] : vector<8x10240xf32> to vector<8xf32>
      %broadcast_in_dim3A_45 = vector.shape_cast %reduce_max3A_44 : vector<8xf32> to vector<8x1xf32>
      %eq3A_46 = vector.broadcast %broadcast_in_dim3A_45 : vector<8x1xf32> to vector<8x10240xf32>
      %eq3A_47 = arith.cmpf oeq, %while3A_43, %eq3A_46 : vector<8x10240xf32>
      %broadcast_in_dim3A_48 = vector.broadcast %while3A : i32 to vector<8x10240xi32>
      %select_n3A_49 = arith.select %eq3A_47, %iota3A, %broadcast_in_dim3A_48 : vector<8x10240xi1>, vector<8x10240xi32>
      %reduce_min3A = arith.constant dense<2147483647> : vector<8xi32>
      %reduce_min3A_50 = vector.multi_reduction <minsi>, %select_n3A_49, %reduce_min3A [1] : vector<8x10240xi32> to vector<8xi32>
      %broadcast_in_dim3A_51 = vector.shape_cast %reduce_min3A_50 : vector<8xi32> to vector<8x1xi32>
      %broadcast_in_dim3A_52 = vector.shape_cast %broadcast_in_dim3A_51 : vector<8x1xi32> to vector<8x1xi32>
      %broadcast_in_dim3A_53 = vector.broadcast %broadcast_in_dim3A_52 : vector<8x1xi32> to vector<8x8xi32>
      %jit3A_54 = arith.constant 0 : i32
      %broadcast_in_dim3A_55 = vector.broadcast %jit3A_54 : i32 to vector<8x8xi32>
      %select_n3A_56 = arith.select %eq3A, %broadcast_in_dim3A_53, %broadcast_in_dim3A_55 : vector<8x8xi1>, vector<8x8xi32>
      %reduce_sum3A = arith.constant dense<0> : vector<8xi32>
      %reduce_sum3A_57 = vector.multi_reduction <add>, %select_n3A_56, %reduce_sum3A [0] : vector<8x8xi32> to vector<8xi32>
      %broadcast_in_dim3A_58 = vector.shape_cast %reduce_sum3A_57 : vector<8xi32> to vector<1x8xi32>
      %swap3A_59 = arith.index_cast %while3A_42 : i32 to index
      %swap3A_60 = arith.constant 0 : index
      %swap3A_61 = vector.load %arg5[%swap3A_59, %swap3A_60] : memref<5248x8xi32, #tpu.memory_space<vmem>>, vector<1x8xi32>
      tpu.vector_store %arg5[%swap3A_59, %swap3A_60], %broadcast_in_dim3A_58 {strides = array<i32>} : memref<5248x8xi32, #tpu.memory_space<vmem>>, vector<1x8xi32>,
      %eq3A_62 = vector.broadcast %broadcast_in_dim3A_51 : vector<8x1xi32> to vector<8x10240xi32>
      %eq3A_63 = arith.cmpi eq, %iota3A, %eq3A_62 : vector<8x10240xi32>
      %concatenate3A_64 = tpu.concatenate %eq3A_63, %eq3A_63, %eq3A_63 in 0 : vector<8x10240xi1>, vector<8x10240xi1>, vector<8x10240xi1> -> vector<24x10240xi1>
      %broadcast_in_dim3A_65 = vector.broadcast %while3A_30 : f32 to vector<24x10240xf32>
      %select_n3A_66 = arith.select %concatenate3A_64, %concatenate3A, %broadcast_in_dim3A_65 : vector<24x10240xi1>, vector<24x10240xf32>
      %reduce_max3A_67 = arith.constant dense<0xFF800000> : vector<24xf32>
      %reduce_max3A_68 = vector.multi_reduction <maximumf>, %select_n3A_66, %reduce_max3A_67 [1] : vector<24x10240xf32> to vector<24xf32>
      %broadcast_in_dim3A_69 = vector.shape_cast %reduce_max3A_68 : vector<24xf32> to vector<24x1xf32>
      %slice3A_70 = vector.extract_strided_slice %broadcast_in_dim3A_69 {offsets = [0, 0], sizes = [8, 1], strides = [1, 1]} : vector<24x1xf32> to vector<8x1xf32>
      %slice3A_71 = vector.extract_strided_slice %broadcast_in_dim3A_69 {offsets = [8, 0], sizes = [8, 1], strides = [1, 1]} : vector<24x1xf32> to vector<8x1xf32>
      %slice3A_72 = vector.extract_strided_slice %broadcast_in_dim3A_69 {offsets = [16, 0], sizes = [8, 1], strides = [1, 1]} : vector<24x1xf32> to vector<8x1xf32>
      %sub3A_73 = vector.broadcast %slice3A_70 : vector<8x1xf32> to vector<8x10240xf32>
      %sub3A_74 = arith.subf %get3A_1, %sub3A_73 : vector<8x10240xf32>
      %sub3A_75 = vector.broadcast %slice3A_71 : vector<8x1xf32> to vector<8x10240xf32>
      %sub3A_76 = arith.subf %get3A_4, %sub3A_75 : vector<8x10240xf32>
      %sub3A_77 = vector.broadcast %slice3A_72 : vector<8x1xf32> to vector<8x10240xf32>
      %sub3A_78 = arith.subf %get3A_7, %sub3A_77 : vector<8x10240xf32>
      %mul3A_79 = arith.mulf %sub3A_74, %sub3A_74 : vector<8x10240xf32>
      %mul3A_80 = arith.mulf %sub3A_76, %sub3A_76 : vector<8x10240xf32>
      %add3A_81 = arith.addf %mul3A_79, %mul3A_80 : vector<8x10240xf32>
      %mul3A_82 = arith.mulf %sub3A_78, %sub3A_78 : vector<8x10240xf32>
      %add3A_83 = arith.addf %add3A_81, %mul3A_82 : vector<8x10240xf32>
      %min3A = arith.minimumf %while3A_43, %add3A_83 : vector<8x10240xf32>
      scf.yield %min3A : vector<8x10240xf32>
    }
    %while3A_40 = arith.constant 1 : i32
    %while3A_41 = scf.for %while3A_42 = %while3A_37 to %while3A_33 step %while3A_40 iter_args(%while3A_43 = %while3A_39) -> (vector<8x10240xf32>)  : i32 {
      %reduce_max3A = arith.constant dense<0xFF800000> : vector<8xf32>
      %reduce_max3A_44 = vector.multi_reduction <maximumf>, %while3A_43, %reduce_max3A [1] : vector<8x10240xf32> to vector<8xf32>
      %broadcast_in_dim3A_45 = vector.shape_cast %reduce_max3A_44 : vector<8xf32> to vector<8x1xf32>
      %eq3A_46 = vector.broadcast %broadcast_in_dim3A_45 : vector<8x1xf32> to vector<8x10240xf32>
      %eq3A_47 = arith.cmpf oeq, %while3A_43, %eq3A_46 : vector<8x10240xf32>
      %broadcast_in_dim3A_48 = vector.broadcast %while3A : i32 to vector<8x10240xi32>
      %select_n3A_49 = arith.select %eq3A_47, %iota3A, %broadcast_in_dim3A_48 : vector<8x10240xi1>, vector<8x10240xi32>
      %reduce_min3A = arith.constant dense<2147483647> : vector<8xi32>
      %reduce_min3A_50 = vector.multi_reduction <minsi>, %select_n3A_49, %reduce_min3A [1] : vector<8x10240xi32> to vector<8xi32>
      %broadcast_in_dim3A_51 = vector.shape_cast %reduce_min3A_50 : vector<8xi32> to vector<8x1xi32>
      %broadcast_in_dim3A_52 = vector.shape_cast %broadcast_in_dim3A_51 : vector<8x1xi32> to vector<8x1xi32>
      %broadcast_in_dim3A_53 = vector.broadcast %broadcast_in_dim3A_52 : vector<8x1xi32> to vector<8x8xi32>
      %jit3A_54 = arith.constant 0 : i32
      %broadcast_in_dim3A_55 = vector.broadcast %jit3A_54 : i32 to vector<8x8xi32>
      %select_n3A_56 = arith.select %eq3A, %broadcast_in_dim3A_53, %broadcast_in_dim3A_55 : vector<8x8xi1>, vector<8x8xi32>
      %reduce_sum3A = arith.constant dense<0> : vector<8xi32>
      %reduce_sum3A_57 = vector.multi_reduction <add>, %select_n3A_56, %reduce_sum3A [0] : vector<8x8xi32> to vector<8xi32>
      %broadcast_in_dim3A_58 = vector.shape_cast %reduce_sum3A_57 : vector<8xi32> to vector<1x8xi32>
      %swap3A_59 = arith.index_cast %while3A_42 : i32 to index
      %swap3A_60 = arith.constant 0 : index
      %swap3A_61 = vector.load %arg5[%swap3A_59, %swap3A_60] : memref<5248x8xi32, #tpu.memory_space<vmem>>, vector<1x8xi32>
      tpu.vector_store %arg5[%swap3A_59, %swap3A_60], %broadcast_in_dim3A_58 {strides = array<i32>} : memref<5248x8xi32, #tpu.memory_space<vmem>>, vector<1x8xi32>,
      %eq3A_62 = vector.broadcast %broadcast_in_dim3A_51 : vector<8x1xi32> to vector<8x10240xi32>
      %eq3A_63 = arith.cmpi eq, %iota3A, %eq3A_62 : vector<8x10240xi32>
      %concatenate3A_64 = tpu.concatenate %eq3A_63, %eq3A_63, %eq3A_63 in 0 : vector<8x10240xi1>, vector<8x10240xi1>, vector<8x10240xi1> -> vector<24x10240xi1>
      %broadcast_in_dim3A_65 = vector.broadcast %while3A_30 : f32 to vector<24x10240xf32>
      %select_n3A_66 = arith.select %concatenate3A_64, %concatenate3A, %broadcast_in_dim3A_65 : vector<24x10240xi1>, vector<24x10240xf32>
      %reduce_max3A_67 = arith.constant dense<0xFF800000> : vector<24xf32>
      %reduce_max3A_68 = vector.multi_reduction <maximumf>, %select_n3A_66, %reduce_max3A_67 [1] : vector<24x10240xf32> to vector<24xf32>
      %broadcast_in_dim3A_69 = vector.shape_cast %reduce_max3A_68 : vector<24xf32> to vector<24x1xf32>
      %slice3A_70 = vector.extract_strided_slice %broadcast_in_dim3A_69 {offsets = [0, 0], sizes = [8, 1], strides = [1, 1]} : vector<24x1xf32> to vector<8x1xf32>
      %slice3A_71 = vector.extract_strided_slice %broadcast_in_dim3A_69 {offsets = [8, 0], sizes = [8, 1], strides = [1, 1]} : vector<24x1xf32> to vector<8x1xf32>
      %slice3A_72 = vector.extract_strided_slice %broadcast_in_dim3A_69 {offsets = [16, 0], sizes = [8, 1], strides = [1, 1]} : vector<24x1xf32> to vector<8x1xf32>
      %sub3A_73 = vector.broadcast %slice3A_70 : vector<8x1xf32> to vector<8x10240xf32>
      %sub3A_74 = arith.subf %get3A_1, %sub3A_73 : vector<8x10240xf32>
      %sub3A_75 = vector.broadcast %slice3A_71 : vector<8x1xf32> to vector<8x10240xf32>
      %sub3A_76 = arith.subf %get3A_4, %sub3A_75 : vector<8x10240xf32>
      %sub3A_77 = vector.broadcast %slice3A_72 : vector<8x1xf32> to vector<8x10240xf32>
      %sub3A_78 = arith.subf %get3A_7, %sub3A_77 : vector<8x10240xf32>
      %mul3A_79 = arith.mulf %sub3A_74, %sub3A_74 : vector<8x10240xf32>
      %mul3A_80 = arith.mulf %sub3A_76, %sub3A_76 : vector<8x10240xf32>
      %add3A_81 = arith.addf %mul3A_79, %mul3A_80 : vector<8x10240xf32>
      %mul3A_82 = arith.mulf %sub3A_78, %sub3A_78 : vector<8x10240xf32>
      %add3A_83 = arith.addf %add3A_81, %mul3A_82 : vector<8x10240xf32>
      %min3A = arith.minimumf %while3A_43, %add3A_83 : vector<8x10240xf32>
      scf.yield %min3A : vector<8x10240xf32>
    }
    return
  }
}

module attributes {stable_mosaic.version = 14 : i64} {
  func.func @_fps_kernel(%arg0: memref<1xi32, #tpu.memory_space<smem>>, %arg1: memref<8x1xi32, #tpu.memory_space<vmem>>, %arg2: memref<8x2048xf32, #tpu.memory_space<vmem>>, %arg3: memref<8x2048xf32, #tpu.memory_space<vmem>>, %arg4: memref<8x2048xf32, #tpu.memory_space<vmem>>, %arg5: memref<1152x8xi32, #tpu.memory_space<vmem>>) attributes {dimension_semantics = [], scalar_prefetch = 0 : i64, scratch_operands = 0 : i64, tpu.core_type = #tpu.core_type<tc>} {
    %get3A = arith.constant 0 : index
    %get3A_0 = arith.constant 0 : index
    %get3A_1 = vector.load %arg2[%get3A, %get3A_0] : memref<8x2048xf32, #tpu.memory_space<vmem>>, vector<8x2048xf32>
    %get3A_2 = arith.constant 0 : index
    %get3A_3 = arith.constant 0 : index
    %get3A_4 = vector.load %arg3[%get3A_2, %get3A_3] : memref<8x2048xf32, #tpu.memory_space<vmem>>, vector<8x2048xf32>
    %get3A_5 = arith.constant 0 : index
    %get3A_6 = arith.constant 0 : index
    %get3A_7 = vector.load %arg4[%get3A_5, %get3A_6] : memref<8x2048xf32, #tpu.memory_space<vmem>>, vector<8x2048xf32>
    %iota3A = tpu.iota {dimensions = array<i32: 1>} : vector<8x2048xi32>
    %get3A_8 = arith.constant 0 : index
    %get3A_9 = arith.constant 0 : index
    %get3A_10 = vector.load %arg1[%get3A_8, %get3A_9] : memref<8x1xi32, #tpu.memory_space<vmem>>, vector<8x1xi32>
    %lt3A = vector.broadcast %get3A_10 : vector<8x1xi32> to vector<8x2048xi32>
    %lt3A_11 = arith.cmpi slt, %iota3A, %lt3A : vector<8x2048xi32>
    %iota3A_12 = tpu.iota {dimensions = array<i32: 0>} : vector<8x8xi32>
    %iota3A_13 = tpu.iota {dimensions = array<i32: 1>} : vector<8x8xi32>
    %eq3A = arith.cmpi eq, %iota3A_12, %iota3A_13 : vector<8x8xi32>
    %slice3A = vector.extract_strided_slice %get3A_1 {offsets = [0, 0], sizes = [8, 1], strides = [1, 1]} : vector<8x2048xf32> to vector<8x1xf32>
    %slice3A_14 = vector.extract_strided_slice %get3A_4 {offsets = [0, 0], sizes = [8, 1], strides = [1, 1]} : vector<8x2048xf32> to vector<8x1xf32>
    %slice3A_15 = vector.extract_strided_slice %get3A_7 {offsets = [0, 0], sizes = [8, 1], strides = [1, 1]} : vector<8x2048xf32> to vector<8x1xf32>
    %sub3A = vector.broadcast %slice3A : vector<8x1xf32> to vector<8x2048xf32>
    %sub3A_16 = arith.subf %get3A_1, %sub3A : vector<8x2048xf32>
    %sub3A_17 = vector.broadcast %slice3A_14 : vector<8x1xf32> to vector<8x2048xf32>
    %sub3A_18 = arith.subf %get3A_4, %sub3A_17 : vector<8x2048xf32>
    %sub3A_19 = vector.broadcast %slice3A_15 : vector<8x1xf32> to vector<8x2048xf32>
    %sub3A_20 = arith.subf %get3A_7, %sub3A_19 : vector<8x2048xf32>
    %mul3A = arith.mulf %sub3A_16, %sub3A_16 : vector<8x2048xf32>
    %mul3A_21 = arith.mulf %sub3A_18, %sub3A_18 : vector<8x2048xf32>
    %add3A = arith.addf %mul3A, %mul3A_21 : vector<8x2048xf32>
    %mul3A_22 = arith.mulf %sub3A_20, %sub3A_20 : vector<8x2048xf32>
    %add3A_23 = arith.addf %add3A, %mul3A_22 : vector<8x2048xf32>
    %jit3A = arith.constant 0xFF800000 : f32
    %broadcast_in_dim3A = vector.broadcast %jit3A : f32 to vector<8x2048xf32>
    %select_n3A = arith.select %lt3A_11, %add3A_23, %broadcast_in_dim3A : vector<8x2048xi1>, vector<8x2048xf32>
    %broadcast_in_dim3A_24 = arith.constant 0 : i32
    %broadcast_in_dim3A_25 = vector.broadcast %broadcast_in_dim3A_24 : i32 to vector<1x8xi32>
    %swap3A = arith.constant 0 : index
    %swap3A_26 = arith.constant 0 : index
    %swap3A_27 = vector.load %arg5[%swap3A, %swap3A_26] : memref<1152x8xi32, #tpu.memory_space<vmem>>, vector<1x8xi32>
    tpu.vector_store %arg5[%swap3A, %swap3A_26], %broadcast_in_dim3A_25 {strides = array<i32>} : memref<1152x8xi32, #tpu.memory_space<vmem>>, vector<1x8xi32>,
    %concatenate3A = tpu.concatenate %get3A_1, %get3A_4, %get3A_7 in 0 : vector<8x2048xf32>, vector<8x2048xf32>, vector<8x2048xf32> -> vector<24x2048xf32>
    %get3A_28 = arith.constant 0 : index
    %get3A_29 = memref.load %arg0[%get3A_28] : memref<1xi32, #tpu.memory_space<smem>>
    %while3A = arith.constant 1073741824 : i32
    %while3A_30 = arith.constant 0xFF800000 : f32
    %while3A_31 = arith.constant 1 : i32
    %while3A_32 = arith.subi %get3A_29, %while3A_31 : i32
    %while3A_33 = arith.addi %while3A_31, %while3A_32 : i32
    %while3A_34 = arith.constant 1 : i32
    %while3A_35 = arith.divsi %while3A_32, %while3A_34 : i32
    %while3A_36 = arith.muli %while3A_35, %while3A_34 : i32
    %while3A_37 = arith.addi %while3A_31, %while3A_36 : i32
    %while3A_38 = arith.constant 1 : i32
    %while3A_39 = scf.for %while3A_42 = %while3A_31 to %while3A_37 step %while3A_38 iter_args(%while3A_43 = %select_n3A) -> (vector<8x2048xf32>)  : i32 {
      %reduce_max3A = arith.constant dense<0xFF800000> : vector<8xf32>
      %reduce_max3A_44 = vector.multi_reduction <maximumf>, %while3A_43, %reduce_max3A [1] : vector<8x2048xf32> to vector<8xf32>
      %broadcast_in_dim3A_45 = vector.shape_cast %reduce_max3A_44 : vector<8xf32> to vector<8x1xf32>
      %eq3A_46 = vector.broadcast %broadcast_in_dim3A_45 : vector<8x1xf32> to vector<8x2048xf32>
      %eq3A_47 = arith.cmpf oeq, %while3A_43, %eq3A_46 : vector<8x2048xf32>
      %broadcast_in_dim3A_48 = vector.broadcast %while3A : i32 to vector<8x2048xi32>
      %select_n3A_49 = arith.select %eq3A_47, %iota3A, %broadcast_in_dim3A_48 : vector<8x2048xi1>, vector<8x2048xi32>
      %reduce_min3A = arith.constant dense<2147483647> : vector<8xi32>
      %reduce_min3A_50 = vector.multi_reduction <minsi>, %select_n3A_49, %reduce_min3A [1] : vector<8x2048xi32> to vector<8xi32>
      %broadcast_in_dim3A_51 = vector.shape_cast %reduce_min3A_50 : vector<8xi32> to vector<8x1xi32>
      %broadcast_in_dim3A_52 = vector.shape_cast %broadcast_in_dim3A_51 : vector<8x1xi32> to vector<8x1xi32>
      %broadcast_in_dim3A_53 = vector.broadcast %broadcast_in_dim3A_52 : vector<8x1xi32> to vector<8x8xi32>
      %jit3A_54 = arith.constant 0 : i32
      %broadcast_in_dim3A_55 = vector.broadcast %jit3A_54 : i32 to vector<8x8xi32>
      %select_n3A_56 = arith.select %eq3A, %broadcast_in_dim3A_53, %broadcast_in_dim3A_55 : vector<8x8xi1>, vector<8x8xi32>
      %reduce_sum3A = arith.constant dense<0> : vector<8xi32>
      %reduce_sum3A_57 = vector.multi_reduction <add>, %select_n3A_56, %reduce_sum3A [0] : vector<8x8xi32> to vector<8xi32>
      %broadcast_in_dim3A_58 = vector.shape_cast %reduce_sum3A_57 : vector<8xi32> to vector<1x8xi32>
      %swap3A_59 = arith.index_cast %while3A_42 : i32 to index
      %swap3A_60 = arith.constant 0 : index
      %swap3A_61 = vector.load %arg5[%swap3A_59, %swap3A_60] : memref<1152x8xi32, #tpu.memory_space<vmem>>, vector<1x8xi32>
      tpu.vector_store %arg5[%swap3A_59, %swap3A_60], %broadcast_in_dim3A_58 {strides = array<i32>} : memref<1152x8xi32, #tpu.memory_space<vmem>>, vector<1x8xi32>,
      %eq3A_62 = vector.broadcast %broadcast_in_dim3A_51 : vector<8x1xi32> to vector<8x2048xi32>
      %eq3A_63 = arith.cmpi eq, %iota3A, %eq3A_62 : vector<8x2048xi32>
      %concatenate3A_64 = tpu.concatenate %eq3A_63, %eq3A_63, %eq3A_63 in 0 : vector<8x2048xi1>, vector<8x2048xi1>, vector<8x2048xi1> -> vector<24x2048xi1>
      %broadcast_in_dim3A_65 = vector.broadcast %while3A_30 : f32 to vector<24x2048xf32>
      %select_n3A_66 = arith.select %concatenate3A_64, %concatenate3A, %broadcast_in_dim3A_65 : vector<24x2048xi1>, vector<24x2048xf32>
      %reduce_max3A_67 = arith.constant dense<0xFF800000> : vector<24xf32>
      %reduce_max3A_68 = vector.multi_reduction <maximumf>, %select_n3A_66, %reduce_max3A_67 [1] : vector<24x2048xf32> to vector<24xf32>
      %broadcast_in_dim3A_69 = vector.shape_cast %reduce_max3A_68 : vector<24xf32> to vector<24x1xf32>
      %slice3A_70 = vector.extract_strided_slice %broadcast_in_dim3A_69 {offsets = [0, 0], sizes = [8, 1], strides = [1, 1]} : vector<24x1xf32> to vector<8x1xf32>
      %slice3A_71 = vector.extract_strided_slice %broadcast_in_dim3A_69 {offsets = [8, 0], sizes = [8, 1], strides = [1, 1]} : vector<24x1xf32> to vector<8x1xf32>
      %slice3A_72 = vector.extract_strided_slice %broadcast_in_dim3A_69 {offsets = [16, 0], sizes = [8, 1], strides = [1, 1]} : vector<24x1xf32> to vector<8x1xf32>
      %sub3A_73 = vector.broadcast %slice3A_70 : vector<8x1xf32> to vector<8x2048xf32>
      %sub3A_74 = arith.subf %get3A_1, %sub3A_73 : vector<8x2048xf32>
      %sub3A_75 = vector.broadcast %slice3A_71 : vector<8x1xf32> to vector<8x2048xf32>
      %sub3A_76 = arith.subf %get3A_4, %sub3A_75 : vector<8x2048xf32>
      %sub3A_77 = vector.broadcast %slice3A_72 : vector<8x1xf32> to vector<8x2048xf32>
      %sub3A_78 = arith.subf %get3A_7, %sub3A_77 : vector<8x2048xf32>
      %mul3A_79 = arith.mulf %sub3A_74, %sub3A_74 : vector<8x2048xf32>
      %mul3A_80 = arith.mulf %sub3A_76, %sub3A_76 : vector<8x2048xf32>
      %add3A_81 = arith.addf %mul3A_79, %mul3A_80 : vector<8x2048xf32>
      %mul3A_82 = arith.mulf %sub3A_78, %sub3A_78 : vector<8x2048xf32>
      %add3A_83 = arith.addf %add3A_81, %mul3A_82 : vector<8x2048xf32>
      %min3A = arith.minimumf %while3A_43, %add3A_83 : vector<8x2048xf32>
      scf.yield %min3A : vector<8x2048xf32>
    }
    %while3A_40 = arith.constant 1 : i32
    %while3A_41 = scf.for %while3A_42 = %while3A_37 to %while3A_33 step %while3A_40 iter_args(%while3A_43 = %while3A_39) -> (vector<8x2048xf32>)  : i32 {
      %reduce_max3A = arith.constant dense<0xFF800000> : vector<8xf32>
      %reduce_max3A_44 = vector.multi_reduction <maximumf>, %while3A_43, %reduce_max3A [1] : vector<8x2048xf32> to vector<8xf32>
      %broadcast_in_dim3A_45 = vector.shape_cast %reduce_max3A_44 : vector<8xf32> to vector<8x1xf32>
      %eq3A_46 = vector.broadcast %broadcast_in_dim3A_45 : vector<8x1xf32> to vector<8x2048xf32>
      %eq3A_47 = arith.cmpf oeq, %while3A_43, %eq3A_46 : vector<8x2048xf32>
      %broadcast_in_dim3A_48 = vector.broadcast %while3A : i32 to vector<8x2048xi32>
      %select_n3A_49 = arith.select %eq3A_47, %iota3A, %broadcast_in_dim3A_48 : vector<8x2048xi1>, vector<8x2048xi32>
      %reduce_min3A = arith.constant dense<2147483647> : vector<8xi32>
      %reduce_min3A_50 = vector.multi_reduction <minsi>, %select_n3A_49, %reduce_min3A [1] : vector<8x2048xi32> to vector<8xi32>
      %broadcast_in_dim3A_51 = vector.shape_cast %reduce_min3A_50 : vector<8xi32> to vector<8x1xi32>
      %broadcast_in_dim3A_52 = vector.shape_cast %broadcast_in_dim3A_51 : vector<8x1xi32> to vector<8x1xi32>
      %broadcast_in_dim3A_53 = vector.broadcast %broadcast_in_dim3A_52 : vector<8x1xi32> to vector<8x8xi32>
      %jit3A_54 = arith.constant 0 : i32
      %broadcast_in_dim3A_55 = vector.broadcast %jit3A_54 : i32 to vector<8x8xi32>
      %select_n3A_56 = arith.select %eq3A, %broadcast_in_dim3A_53, %broadcast_in_dim3A_55 : vector<8x8xi1>, vector<8x8xi32>
      %reduce_sum3A = arith.constant dense<0> : vector<8xi32>
      %reduce_sum3A_57 = vector.multi_reduction <add>, %select_n3A_56, %reduce_sum3A [0] : vector<8x8xi32> to vector<8xi32>
      %broadcast_in_dim3A_58 = vector.shape_cast %reduce_sum3A_57 : vector<8xi32> to vector<1x8xi32>
      %swap3A_59 = arith.index_cast %while3A_42 : i32 to index
      %swap3A_60 = arith.constant 0 : index
      %swap3A_61 = vector.load %arg5[%swap3A_59, %swap3A_60] : memref<1152x8xi32, #tpu.memory_space<vmem>>, vector<1x8xi32>
      tpu.vector_store %arg5[%swap3A_59, %swap3A_60], %broadcast_in_dim3A_58 {strides = array<i32>} : memref<1152x8xi32, #tpu.memory_space<vmem>>, vector<1x8xi32>,
      %eq3A_62 = vector.broadcast %broadcast_in_dim3A_51 : vector<8x1xi32> to vector<8x2048xi32>
      %eq3A_63 = arith.cmpi eq, %iota3A, %eq3A_62 : vector<8x2048xi32>
      %concatenate3A_64 = tpu.concatenate %eq3A_63, %eq3A_63, %eq3A_63 in 0 : vector<8x2048xi1>, vector<8x2048xi1>, vector<8x2048xi1> -> vector<24x2048xi1>
      %broadcast_in_dim3A_65 = vector.broadcast %while3A_30 : f32 to vector<24x2048xf32>
      %select_n3A_66 = arith.select %concatenate3A_64, %concatenate3A, %broadcast_in_dim3A_65 : vector<24x2048xi1>, vector<24x2048xf32>
      %reduce_max3A_67 = arith.constant dense<0xFF800000> : vector<24xf32>
      %reduce_max3A_68 = vector.multi_reduction <maximumf>, %select_n3A_66, %reduce_max3A_67 [1] : vector<24x2048xf32> to vector<24xf32>
      %broadcast_in_dim3A_69 = vector.shape_cast %reduce_max3A_68 : vector<24xf32> to vector<24x1xf32>
      %slice3A_70 = vector.extract_strided_slice %broadcast_in_dim3A_69 {offsets = [0, 0], sizes = [8, 1], strides = [1, 1]} : vector<24x1xf32> to vector<8x1xf32>
      %slice3A_71 = vector.extract_strided_slice %broadcast_in_dim3A_69 {offsets = [8, 0], sizes = [8, 1], strides = [1, 1]} : vector<24x1xf32> to vector<8x1xf32>
      %slice3A_72 = vector.extract_strided_slice %broadcast_in_dim3A_69 {offsets = [16, 0], sizes = [8, 1], strides = [1, 1]} : vector<24x1xf32> to vector<8x1xf32>
      %sub3A_73 = vector.broadcast %slice3A_70 : vector<8x1xf32> to vector<8x2048xf32>
      %sub3A_74 = arith.subf %get3A_1, %sub3A_73 : vector<8x2048xf32>
      %sub3A_75 = vector.broadcast %slice3A_71 : vector<8x1xf32> to vector<8x2048xf32>
      %sub3A_76 = arith.subf %get3A_4, %sub3A_75 : vector<8x2048xf32>
      %sub3A_77 = vector.broadcast %slice3A_72 : vector<8x1xf32> to vector<8x2048xf32>
      %sub3A_78 = arith.subf %get3A_7, %sub3A_77 : vector<8x2048xf32>
      %mul3A_79 = arith.mulf %sub3A_74, %sub3A_74 : vector<8x2048xf32>
      %mul3A_80 = arith.mulf %sub3A_76, %sub3A_76 : vector<8x2048xf32>
      %add3A_81 = arith.addf %mul3A_79, %mul3A_80 : vector<8x2048xf32>
      %mul3A_82 = arith.mulf %sub3A_78, %sub3A_78 : vector<8x2048xf32>
      %add3A_83 = arith.addf %add3A_81, %mul3A_82 : vector<8x2048xf32>
      %min3A = arith.minimumf %while3A_43, %add3A_83 : vector<8x2048xf32>
      scf.yield %min3A : vector<8x2048xf32>
    }
    return
  }
}

module attributes {stable_mosaic.version = 14 : i64} {
  func.func @_layer_kernel(%arg0: i32, %arg1: memref<256x16xf32, #tpu.memory_space<vmem>>, %arg2: memref<6x256x16xf32, #tpu.memory_space<vmem>>, %arg3: memref<16x64xf32, #tpu.memory_space<vmem>>, %arg4: memref<16x64xf32, #tpu.memory_space<vmem>>, %arg5: memref<1x64xf32, #tpu.memory_space<vmem>>, %arg6: memref<64x64xf32, #tpu.memory_space<vmem>>, %arg7: memref<1x64xf32, #tpu.memory_space<vmem>>, %arg8: memref<256x64xf32, #tpu.memory_space<vmem>>) attributes {dimension_semantics = [#tpu.dimension_semantics<arbitrary>], iteration_bounds = array<i64: 40>, scalar_prefetch = 0 : i64, scratch_operands = 0 : i64, tpu.core_type = #tpu.core_type<tc>, window_params = [{transform_indices = @transform_0, window_bounds = array<i64: 256, 16>}, {transform_indices = @transform_1, window_bounds = array<i64: 6, 256, 16>}, {pipeline_mode = #tpu.pipeline_mode<synchronous>, transform_indices = @transform_2, window_bounds = array<i64: 16, 64>}, {pipeline_mode = #tpu.pipeline_mode<synchronous>, transform_indices = @transform_3, window_bounds = array<i64: 16, 64>}, {pipeline_mode = #tpu.pipeline_mode<synchronous>, transform_indices = @transform_4, window_bounds = array<i64: 1, 64>}, {pipeline_mode = #tpu.pipeline_mode<synchronous>, transform_indices = @transform_5, window_bounds = array<i64: 64, 64>}, {pipeline_mode = #tpu.pipeline_mode<synchronous>, transform_indices = @transform_6, window_bounds = array<i64: 1, 64>}, {transform_indices = @transform_7, window_bounds = array<i64: 256, 64>}]} {
    %get3A = arith.constant 0 : index
    %get3A_0 = arith.constant 0 : index
    %get3A_1 = vector.load %arg1[%get3A, %get3A_0] : memref<256x16xf32, #tpu.memory_space<vmem>>, vector<256x16xf32>
    %get3A_2 = arith.constant 0 : index
    %get3A_3 = arith.constant 0 : index
    %get3A_4 = vector.load %arg3[%get3A_2, %get3A_3] : memref<16x64xf32, #tpu.memory_space<vmem>>, vector<16x64xf32>
    %dot_general3A = arith.constant dense<0.000000e+00> : vector<256x64xf32>
    %dot_general3A_5 = tpu.matmul %get3A_1, %get3A_4, %dot_general3A {dimension_numbers = #tpu.dot_dimension_numbers<[1], [0], [0], [1], [0, 0, 1, 1], [], []>, transpose_lhs_hint = false} : vector<256x16xf32>, vector<16x64xf32>, vector<256x64xf32> -> vector<256x64xf32>
    %get3A_6 = arith.constant 0 : index
    %get3A_7 = arith.constant 0 : index
    %get3A_8 = vector.load %arg5[%get3A_6, %get3A_7] : memref<1x64xf32, #tpu.memory_space<vmem>>, vector<1x64xf32>
    %add3A = vector.broadcast %get3A_8 : vector<1x64xf32> to vector<256x64xf32>
    %add3A_9 = arith.addf %dot_general3A_5, %add3A : vector<256x64xf32>
    %get3A_10 = arith.constant 0 : index
    %get3A_11 = arith.constant 0 : index
    %get3A_12 = vector.load %arg6[%get3A_10, %get3A_11] : memref<64x64xf32, #tpu.memory_space<vmem>>, vector<64x64xf32>
    %get3A_13 = arith.constant 0 : index
    %get3A_14 = arith.constant 0 : index
    %get3A_15 = vector.load %arg7[%get3A_13, %get3A_14] : memref<1x64xf32, #tpu.memory_space<vmem>>, vector<1x64xf32>
    %get3A_16 = arith.constant 0 : index
    %get3A_17 = arith.constant 0 : index
    %get3A_18 = arith.constant 0 : index
    %get3A_19 = vector.load %arg2[%get3A_16, %get3A_17, %get3A_18] : memref<6x256x16xf32, #tpu.memory_space<vmem>>, vector<1x256x16xf32>
    %get3A_20 = vector.shape_cast %get3A_19 : vector<1x256x16xf32> to vector<256x16xf32>
    %get3A_21 = arith.constant 0 : index
    %get3A_22 = arith.constant 0 : index
    %get3A_23 = vector.load %arg4[%get3A_21, %get3A_22] : memref<16x64xf32, #tpu.memory_space<vmem>>, vector<16x64xf32>
    %dot_general3A_24 = arith.constant dense<0.000000e+00> : vector<256x64xf32>
    %dot_general3A_25 = tpu.matmul %get3A_20, %get3A_23, %dot_general3A_24 {dimension_numbers = #tpu.dot_dimension_numbers<[1], [0], [0], [1], [0, 0, 1, 1], [], []>, transpose_lhs_hint = false} : vector<256x16xf32>, vector<16x64xf32>, vector<256x64xf32> -> vector<256x64xf32>
    %add3A_26 = arith.addf %add3A_9, %dot_general3A_25 : vector<256x64xf32>
    %max3A = arith.constant 0.000000e+00 : f32
    %max3A_27 = vector.broadcast %max3A : f32 to vector<256x64xf32>
    %max3A_28 = arith.maximumf %add3A_26, %max3A_27 : vector<256x64xf32>
    %dot_general3A_29 = arith.constant dense<0.000000e+00> : vector<256x64xf32>
    %dot_general3A_30 = tpu.matmul %max3A_28, %get3A_12, %dot_general3A_29 {dimension_numbers = #tpu.dot_dimension_numbers<[1], [0], [0], [1], [0, 0, 1, 1], [], []>, transpose_lhs_hint = false} : vector<256x64xf32>, vector<64x64xf32>, vector<256x64xf32> -> vector<256x64xf32>
    %add3A_31 = vector.broadcast %get3A_15 : vector<1x64xf32> to vector<256x64xf32>
    %add3A_32 = arith.addf %dot_general3A_30, %add3A_31 : vector<256x64xf32>
    %get3A_33 = arith.constant 1 : index
    %get3A_34 = arith.constant 0 : index
    %get3A_35 = arith.constant 0 : index
    %get3A_36 = vector.load %arg2[%get3A_33, %get3A_34, %get3A_35] : memref<6x256x16xf32, #tpu.memory_space<vmem>>, vector<1x256x16xf32>
    %get3A_37 = vector.shape_cast %get3A_36 : vector<1x256x16xf32> to vector<256x16xf32>
    %get3A_38 = arith.constant 0 : index
    %get3A_39 = arith.constant 0 : index
    %get3A_40 = vector.load %arg4[%get3A_38, %get3A_39] : memref<16x64xf32, #tpu.memory_space<vmem>>, vector<16x64xf32>
    %dot_general3A_41 = arith.constant dense<0.000000e+00> : vector<256x64xf32>
    %dot_general3A_42 = tpu.matmul %get3A_37, %get3A_40, %dot_general3A_41 {dimension_numbers = #tpu.dot_dimension_numbers<[1], [0], [0], [1], [0, 0, 1, 1], [], []>, transpose_lhs_hint = false} : vector<256x16xf32>, vector<16x64xf32>, vector<256x64xf32> -> vector<256x64xf32>
    %add3A_43 = arith.addf %add3A_9, %dot_general3A_42 : vector<256x64xf32>
    %max3A_44 = arith.constant 0.000000e+00 : f32
    %max3A_45 = vector.broadcast %max3A_44 : f32 to vector<256x64xf32>
    %max3A_46 = arith.maximumf %add3A_43, %max3A_45 : vector<256x64xf32>
    %dot_general3A_47 = arith.constant dense<0.000000e+00> : vector<256x64xf32>
    %dot_general3A_48 = tpu.matmul %max3A_46, %get3A_12, %dot_general3A_47 {dimension_numbers = #tpu.dot_dimension_numbers<[1], [0], [0], [1], [0, 0, 1, 1], [], []>, transpose_lhs_hint = false} : vector<256x64xf32>, vector<64x64xf32>, vector<256x64xf32> -> vector<256x64xf32>
    %add3A_49 = vector.broadcast %get3A_15 : vector<1x64xf32> to vector<256x64xf32>
    %add3A_50 = arith.addf %dot_general3A_48, %add3A_49 : vector<256x64xf32>
    %max3A_51 = arith.maximumf %add3A_32, %add3A_50 : vector<256x64xf32>
    %get3A_52 = arith.constant 2 : index
    %get3A_53 = arith.constant 0 : index
    %get3A_54 = arith.constant 0 : index
    %get3A_55 = vector.load %arg2[%get3A_52, %get3A_53, %get3A_54] : memref<6x256x16xf32, #tpu.memory_space<vmem>>, vector<1x256x16xf32>
    %get3A_56 = vector.shape_cast %get3A_55 : vector<1x256x16xf32> to vector<256x16xf32>
    %get3A_57 = arith.constant 0 : index
    %get3A_58 = arith.constant 0 : index
    %get3A_59 = vector.load %arg4[%get3A_57, %get3A_58] : memref<16x64xf32, #tpu.memory_space<vmem>>, vector<16x64xf32>
    %dot_general3A_60 = arith.constant dense<0.000000e+00> : vector<256x64xf32>
    %dot_general3A_61 = tpu.matmul %get3A_56, %get3A_59, %dot_general3A_60 {dimension_numbers = #tpu.dot_dimension_numbers<[1], [0], [0], [1], [0, 0, 1, 1], [], []>, transpose_lhs_hint = false} : vector<256x16xf32>, vector<16x64xf32>, vector<256x64xf32> -> vector<256x64xf32>
    %add3A_62 = arith.addf %add3A_9, %dot_general3A_61 : vector<256x64xf32>
    %max3A_63 = arith.constant 0.000000e+00 : f32
    %max3A_64 = vector.broadcast %max3A_63 : f32 to vector<256x64xf32>
    %max3A_65 = arith.maximumf %add3A_62, %max3A_64 : vector<256x64xf32>
    %dot_general3A_66 = arith.constant dense<0.000000e+00> : vector<256x64xf32>
    %dot_general3A_67 = tpu.matmul %max3A_65, %get3A_12, %dot_general3A_66 {dimension_numbers = #tpu.dot_dimension_numbers<[1], [0], [0], [1], [0, 0, 1, 1], [], []>, transpose_lhs_hint = false} : vector<256x64xf32>, vector<64x64xf32>, vector<256x64xf32> -> vector<256x64xf32>
    %add3A_68 = vector.broadcast %get3A_15 : vector<1x64xf32> to vector<256x64xf32>
    %add3A_69 = arith.addf %dot_general3A_67, %add3A_68 : vector<256x64xf32>
    %max3A_70 = arith.maximumf %max3A_51, %add3A_69 : vector<256x64xf32>
    %get3A_71 = arith.constant 3 : index
    %get3A_72 = arith.constant 0 : index
    %get3A_73 = arith.constant 0 : index
    %get3A_74 = vector.load %arg2[%get3A_71, %get3A_72, %get3A_73] : memref<6x256x16xf32, #tpu.memory_space<vmem>>, vector<1x256x16xf32>
    %get3A_75 = vector.shape_cast %get3A_74 : vector<1x256x16xf32> to vector<256x16xf32>
    %get3A_76 = arith.constant 0 : index
    %get3A_77 = arith.constant 0 : index
    %get3A_78 = vector.load %arg4[%get3A_76, %get3A_77] : memref<16x64xf32, #tpu.memory_space<vmem>>, vector<16x64xf32>
    %dot_general3A_79 = arith.constant dense<0.000000e+00> : vector<256x64xf32>
    %dot_general3A_80 = tpu.matmul %get3A_75, %get3A_78, %dot_general3A_79 {dimension_numbers = #tpu.dot_dimension_numbers<[1], [0], [0], [1], [0, 0, 1, 1], [], []>, transpose_lhs_hint = false} : vector<256x16xf32>, vector<16x64xf32>, vector<256x64xf32> -> vector<256x64xf32>
    %add3A_81 = arith.addf %add3A_9, %dot_general3A_80 : vector<256x64xf32>
    %max3A_82 = arith.constant 0.000000e+00 : f32
    %max3A_83 = vector.broadcast %max3A_82 : f32 to vector<256x64xf32>
    %max3A_84 = arith.maximumf %add3A_81, %max3A_83 : vector<256x64xf32>
    %dot_general3A_85 = arith.constant dense<0.000000e+00> : vector<256x64xf32>
    %dot_general3A_86 = tpu.matmul %max3A_84, %get3A_12, %dot_general3A_85 {dimension_numbers = #tpu.dot_dimension_numbers<[1], [0], [0], [1], [0, 0, 1, 1], [], []>, transpose_lhs_hint = false} : vector<256x64xf32>, vector<64x64xf32>, vector<256x64xf32> -> vector<256x64xf32>
    %add3A_87 = vector.broadcast %get3A_15 : vector<1x64xf32> to vector<256x64xf32>
    %add3A_88 = arith.addf %dot_general3A_86, %add3A_87 : vector<256x64xf32>
    %max3A_89 = arith.maximumf %max3A_70, %add3A_88 : vector<256x64xf32>
    %get3A_90 = arith.constant 4 : index
    %get3A_91 = arith.constant 0 : index
    %get3A_92 = arith.constant 0 : index
    %get3A_93 = vector.load %arg2[%get3A_90, %get3A_91, %get3A_92] : memref<6x256x16xf32, #tpu.memory_space<vmem>>, vector<1x256x16xf32>
    %get3A_94 = vector.shape_cast %get3A_93 : vector<1x256x16xf32> to vector<256x16xf32>
    %get3A_95 = arith.constant 0 : index
    %get3A_96 = arith.constant 0 : index
    %get3A_97 = vector.load %arg4[%get3A_95, %get3A_96] : memref<16x64xf32, #tpu.memory_space<vmem>>, vector<16x64xf32>
    %dot_general3A_98 = arith.constant dense<0.000000e+00> : vector<256x64xf32>
    %dot_general3A_99 = tpu.matmul %get3A_94, %get3A_97, %dot_general3A_98 {dimension_numbers = #tpu.dot_dimension_numbers<[1], [0], [0], [1], [0, 0, 1, 1], [], []>, transpose_lhs_hint = false} : vector<256x16xf32>, vector<16x64xf32>, vector<256x64xf32> -> vector<256x64xf32>
    %add3A_100 = arith.addf %add3A_9, %dot_general3A_99 : vector<256x64xf32>
    %max3A_101 = arith.constant 0.000000e+00 : f32
    %max3A_102 = vector.broadcast %max3A_101 : f32 to vector<256x64xf32>
    %max3A_103 = arith.maximumf %add3A_100, %max3A_102 : vector<256x64xf32>
    %dot_general3A_104 = arith.constant dense<0.000000e+00> : vector<256x64xf32>
    %dot_general3A_105 = tpu.matmul %max3A_103, %get3A_12, %dot_general3A_104 {dimension_numbers = #tpu.dot_dimension_numbers<[1], [0], [0], [1], [0, 0, 1, 1], [], []>, transpose_lhs_hint = false} : vector<256x64xf32>, vector<64x64xf32>, vector<256x64xf32> -> vector<256x64xf32>
    %add3A_106 = vector.broadcast %get3A_15 : vector<1x64xf32> to vector<256x64xf32>
    %add3A_107 = arith.addf %dot_general3A_105, %add3A_106 : vector<256x64xf32>
    %max3A_108 = arith.maximumf %max3A_89, %add3A_107 : vector<256x64xf32>
    %get3A_109 = arith.constant 5 : index
    %get3A_110 = arith.constant 0 : index
    %get3A_111 = arith.constant 0 : index
    %get3A_112 = vector.load %arg2[%get3A_109, %get3A_110, %get3A_111] : memref<6x256x16xf32, #tpu.memory_space<vmem>>, vector<1x256x16xf32>
    %get3A_113 = vector.shape_cast %get3A_112 : vector<1x256x16xf32> to vector<256x16xf32>
    %get3A_114 = arith.constant 0 : index
    %get3A_115 = arith.constant 0 : index
    %get3A_116 = vector.load %arg4[%get3A_114, %get3A_115] : memref<16x64xf32, #tpu.memory_space<vmem>>, vector<16x64xf32>
    %dot_general3A_117 = arith.constant dense<0.000000e+00> : vector<256x64xf32>
    %dot_general3A_118 = tpu.matmul %get3A_113, %get3A_116, %dot_general3A_117 {dimension_numbers = #tpu.dot_dimension_numbers<[1], [0], [0], [1], [0, 0, 1, 1], [], []>, transpose_lhs_hint = false} : vector<256x16xf32>, vector<16x64xf32>, vector<256x64xf32> -> vector<256x64xf32>
    %add3A_119 = arith.addf %add3A_9, %dot_general3A_118 : vector<256x64xf32>
    %max3A_120 = arith.constant 0.000000e+00 : f32
    %max3A_121 = vector.broadcast %max3A_120 : f32 to vector<256x64xf32>
    %max3A_122 = arith.maximumf %add3A_119, %max3A_121 : vector<256x64xf32>
    %dot_general3A_123 = arith.constant dense<0.000000e+00> : vector<256x64xf32>
    %dot_general3A_124 = tpu.matmul %max3A_122, %get3A_12, %dot_general3A_123 {dimension_numbers = #tpu.dot_dimension_numbers<[1], [0], [0], [1], [0, 0, 1, 1], [], []>, transpose_lhs_hint = false} : vector<256x64xf32>, vector<64x64xf32>, vector<256x64xf32> -> vector<256x64xf32>
    %add3A_125 = vector.broadcast %get3A_15 : vector<1x64xf32> to vector<256x64xf32>
    %add3A_126 = arith.addf %dot_general3A_124, %add3A_125 : vector<256x64xf32>
    %max3A_127 = arith.maximumf %max3A_108, %add3A_126 : vector<256x64xf32>
    %max3A_128 = arith.constant 0.000000e+00 : f32
    %max3A_129 = vector.broadcast %max3A_128 : f32 to vector<256x64xf32>
    %max3A_130 = arith.maximumf %max3A_127, %max3A_129 : vector<256x64xf32>
    %swap3A = arith.constant 0 : index
    %swap3A_131 = arith.constant 0 : index
    %swap3A_132 = vector.load %arg8[%swap3A, %swap3A_131] : memref<256x64xf32, #tpu.memory_space<vmem>>, vector<256x64xf32>
    tpu.vector_store %arg8[%swap3A, %swap3A_131], %max3A_130 {strides = array<i32>} : memref<256x64xf32, #tpu.memory_space<vmem>>, vector<256x64xf32>,
    return
  }
  func.func @transform_0(%arg0: i32) -> (i32, i32) {
    %c0_i32 = arith.constant 0 : i32
    %c0_i32_0 = arith.constant 0 : i32
    return %arg0, %c0_i32 : i32, i32
  }
  func.func @transform_1(%arg0: i32) -> (i32, i32, i32) {
    %c0_i32 = arith.constant 0 : i32
    %c0_i32_0 = arith.constant 0 : i32
    %c0_i32_1 = arith.constant 0 : i32
    return %c0_i32, %arg0, %c0_i32_0 : i32, i32, i32
  }
  func.func @transform_2(%arg0: i32) -> (i32, i32) {
    %c0_i32 = arith.constant 0 : i32
    %c0_i32_0 = arith.constant 0 : i32
    %c0_i32_1 = arith.constant 0 : i32
    return %c0_i32, %c0_i32_0 : i32, i32
  }
  func.func @transform_3(%arg0: i32) -> (i32, i32) {
    %c0_i32 = arith.constant 0 : i32
    %c0_i32_0 = arith.constant 0 : i32
    %c0_i32_1 = arith.constant 0 : i32
    return %c0_i32, %c0_i32_0 : i32, i32
  }
  func.func @transform_4(%arg0: i32) -> (i32, i32) {
    %c0_i32 = arith.constant 0 : i32
    %c0_i32_0 = arith.constant 0 : i32
    %c0_i32_1 = arith.constant 0 : i32
    return %c0_i32, %c0_i32_0 : i32, i32
  }
  func.func @transform_5(%arg0: i32) -> (i32, i32) {
    %c0_i32 = arith.constant 0 : i32
    %c0_i32_0 = arith.constant 0 : i32
    %c0_i32_1 = arith.constant 0 : i32
    return %c0_i32, %c0_i32_0 : i32, i32
  }
  func.func @transform_6(%arg0: i32) -> (i32, i32) {
    %c0_i32 = arith.constant 0 : i32
    %c0_i32_0 = arith.constant 0 : i32
    %c0_i32_1 = arith.constant 0 : i32
    return %c0_i32, %c0_i32_0 : i32, i32
  }
  func.func @transform_7(%arg0: i32) -> (i32, i32) {
    %c0_i32 = arith.constant 0 : i32
    %c0_i32_0 = arith.constant 0 : i32
    return %arg0, %c0_i32 : i32, i32
  }
}

module attributes {stable_mosaic.version = 14 : i64} {
  func.func @_knn_kernel(%arg0: i32, %arg1: memref<256x4xf32, #tpu.memory_space<vmem>>, %arg2: memref<256x1xi32, #tpu.memory_space<vmem>>, %arg3: memref<4x5120xf32, #tpu.memory_space<vmem>>, %arg4: memref<1x5120xi32, #tpu.memory_space<vmem>>, %arg5: memref<256x8xi32, #tpu.memory_space<vmem>>) attributes {dimension_semantics = [#tpu.dimension_semantics<arbitrary>], iteration_bounds = array<i64: 20>, scalar_prefetch = 0 : i64, scratch_operands = 0 : i64, tpu.core_type = #tpu.core_type<tc>, window_params = [{transform_indices = @transform_0, window_bounds = array<i64: 256, 4>}, {transform_indices = @transform_1, window_bounds = array<i64: 256, 1>}, {pipeline_mode = #tpu.pipeline_mode<synchronous>, transform_indices = @transform_2, window_bounds = array<i64: 4, 5120>}, {pipeline_mode = #tpu.pipeline_mode<synchronous>, transform_indices = @transform_3, window_bounds = array<i64: 1, 5120>}, {transform_indices = @transform_4, window_bounds = array<i64: 256, 8>}]} {
    %iota3A = tpu.iota {dimensions = array<i32: 1>} : vector<256x5120xi32>
    %get3A = arith.constant 0 : index
    %get3A_0 = arith.constant 0 : index
    %get3A_1 = vector.load %arg1[%get3A, %get3A_0] : memref<256x4xf32, #tpu.memory_space<vmem>>, vector<256x1xf32>
    %get3A_2 = arith.constant 0 : index
    %get3A_3 = arith.constant 0 : index
    %get3A_4 = vector.load %arg3[%get3A_2, %get3A_3] : memref<4x5120xf32, #tpu.memory_space<vmem>>, vector<1x5120xf32>
    %sub3A = vector.broadcast %get3A_1 : vector<256x1xf32> to vector<256x5120xf32>
    %sub3A_5 = vector.broadcast %get3A_4 : vector<1x5120xf32> to vector<256x5120xf32>
    %sub3A_6 = arith.subf %sub3A, %sub3A_5 : vector<256x5120xf32>
    %mul3A = arith.mulf %sub3A_6, %sub3A_6 : vector<256x5120xf32>
    %get3A_7 = arith.constant 0 : index
    %get3A_8 = arith.constant 1 : index
    %get3A_9 = vector.load %arg1[%get3A_7, %get3A_8] : memref<256x4xf32, #tpu.memory_space<vmem>>, vector<256x1xf32>
    %get3A_10 = arith.constant 1 : index
    %get3A_11 = arith.constant 0 : index
    %get3A_12 = vector.load %arg3[%get3A_10, %get3A_11] : memref<4x5120xf32, #tpu.memory_space<vmem>>, vector<1x5120xf32>
    %sub3A_13 = vector.broadcast %get3A_9 : vector<256x1xf32> to vector<256x5120xf32>
    %sub3A_14 = vector.broadcast %get3A_12 : vector<1x5120xf32> to vector<256x5120xf32>
    %sub3A_15 = arith.subf %sub3A_13, %sub3A_14 : vector<256x5120xf32>
    %mul3A_16 = arith.mulf %sub3A_15, %sub3A_15 : vector<256x5120xf32>
    %add3A = arith.addf %mul3A, %mul3A_16 : vector<256x5120xf32>
    %get3A_17 = arith.constant 0 : index
    %get3A_18 = arith.constant 2 : index
    %get3A_19 = vector.load %arg1[%get3A_17, %get3A_18] : memref<256x4xf32, #tpu.memory_space<vmem>>, vector<256x1xf32>
    %get3A_20 = arith.constant 2 : index
    %get3A_21 = arith.constant 0 : index
    %get3A_22 = vector.load %arg3[%get3A_20, %get3A_21] : memref<4x5120xf32, #tpu.memory_space<vmem>>, vector<1x5120xf32>
    %sub3A_23 = vector.broadcast %get3A_19 : vector<256x1xf32> to vector<256x5120xf32>
    %sub3A_24 = vector.broadcast %get3A_22 : vector<1x5120xf32> to vector<256x5120xf32>
    %sub3A_25 = arith.subf %sub3A_23, %sub3A_24 : vector<256x5120xf32>
    %mul3A_26 = arith.mulf %sub3A_25, %sub3A_25 : vector<256x5120xf32>
    %add3A_27 = arith.addf %add3A, %mul3A_26 : vector<256x5120xf32>
    %get3A_28 = arith.constant 0 : index
    %get3A_29 = arith.constant 0 : index
    %get3A_30 = vector.load %arg2[%get3A_28, %get3A_29] : memref<256x1xi32, #tpu.memory_space<vmem>>, vector<256x1xi32>
    %get3A_31 = arith.constant 0 : index
    %get3A_32 = arith.constant 0 : index
    %get3A_33 = vector.load %arg4[%get3A_31, %get3A_32] : memref<1x5120xi32, #tpu.memory_space<vmem>>, vector<1x5120xi32>
    %eq3A = vector.broadcast %get3A_30 : vector<256x1xi32> to vector<256x5120xi32>
    %eq3A_34 = vector.broadcast %get3A_33 : vector<1x5120xi32> to vector<256x5120xi32>
    %eq3A_35 = arith.cmpi eq, %eq3A, %eq3A_34 : vector<256x5120xi32>
    %jit3A = arith.constant 3.000000e+38 : f32
    %broadcast_in_dim3A = vector.broadcast %jit3A : f32 to vector<256x5120xf32>
    %select_n3A = arith.select %eq3A_35, %add3A_27, %broadcast_in_dim3A : vector<256x5120xi1>, vector<256x5120xf32>
    %reduce_min3A = arith.constant dense<0x7F800000> : vector<256xf32>
    %reduce_min3A_36 = vector.multi_reduction <minimumf>, %select_n3A, %reduce_min3A [1] : vector<256x5120xf32> to vector<256xf32>
    %broadcast_in_dim3A_37 = vector.shape_cast %reduce_min3A_36 : vector<256xf32> to vector<256x1xf32>
    %eq3A_38 = vector.broadcast %broadcast_in_dim3A_37 : vector<256x1xf32> to vector<256x5120xf32>
    %eq3A_39 = arith.cmpf oeq, %select_n3A, %eq3A_38 : vector<256x5120xf32>
    %jit3A_40 = arith.constant 1073741824 : i32
    %broadcast_in_dim3A_41 = vector.broadcast %jit3A_40 : i32 to vector<256x5120xi32>
    %select_n3A_42 = arith.select %eq3A_39, %iota3A, %broadcast_in_dim3A_41 : vector<256x5120xi1>, vector<256x5120xi32>
    %reduce_min3A_43 = arith.constant dense<2147483647> : vector<256xi32>
    %reduce_min3A_44 = vector.multi_reduction <minsi>, %select_n3A_42, %reduce_min3A_43 [1] : vector<256x5120xi32> to vector<256xi32>
    %broadcast_in_dim3A_45 = vector.shape_cast %reduce_min3A_44 : vector<256xi32> to vector<256x1xi32>
    %swap3A = arith.constant 0 : index
    %swap3A_46 = arith.constant 0 : index
    %swap3A_47 = vector.load %arg5[%swap3A, %swap3A_46] : memref<256x8xi32, #tpu.memory_space<vmem>>, vector<256x1xi32>
    tpu.vector_store %arg5[%swap3A, %swap3A_46], %broadcast_in_dim3A_45 {strides = array<i32>} : memref<256x8xi32, #tpu.memory_space<vmem>>, vector<256x1xi32>,
    %eq3A_48 = vector.broadcast %broadcast_in_dim3A_45 : vector<256x1xi32> to vector<256x5120xi32>
    %eq3A_49 = arith.cmpi eq, %iota3A, %eq3A_48 : vector<256x5120xi32>
    %jit3A_50 = arith.constant 0x7F800000 : f32
    %broadcast_in_dim3A_51 = vector.broadcast %jit3A_50 : f32 to vector<256x5120xf32>
    %select_n3A_52 = arith.select %eq3A_49, %broadcast_in_dim3A_51, %select_n3A : vector<256x5120xi1>, vector<256x5120xf32>
    %reduce_min3A_53 = arith.constant dense<0x7F800000> : vector<256xf32>
    %reduce_min3A_54 = vector.multi_reduction <minimumf>, %select_n3A_52, %reduce_min3A_53 [1] : vector<256x5120xf32> to vector<256xf32>
    %broadcast_in_dim3A_55 = vector.shape_cast %reduce_min3A_54 : vector<256xf32> to vector<256x1xf32>
    %eq3A_56 = vector.broadcast %broadcast_in_dim3A_55 : vector<256x1xf32> to vector<256x5120xf32>
    %eq3A_57 = arith.cmpf oeq, %select_n3A_52, %eq3A_56 : vector<256x5120xf32>
    %jit3A_58 = arith.constant 1073741824 : i32
    %broadcast_in_dim3A_59 = vector.broadcast %jit3A_58 : i32 to vector<256x5120xi32>
    %select_n3A_60 = arith.select %eq3A_57, %iota3A, %broadcast_in_dim3A_59 : vector<256x5120xi1>, vector<256x5120xi32>
    %reduce_min3A_61 = arith.constant dense<2147483647> : vector<256xi32>
    %reduce_min3A_62 = vector.multi_reduction <minsi>, %select_n3A_60, %reduce_min3A_61 [1] : vector<256x5120xi32> to vector<256xi32>
    %broadcast_in_dim3A_63 = vector.shape_cast %reduce_min3A_62 : vector<256xi32> to vector<256x1xi32>
    %swap3A_64 = arith.constant 0 : index
    %swap3A_65 = arith.constant 1 : index
    %swap3A_66 = vector.load %arg5[%swap3A_64, %swap3A_65] : memref<256x8xi32, #tpu.memory_space<vmem>>, vector<256x1xi32>
    tpu.vector_store %arg5[%swap3A_64, %swap3A_65], %broadcast_in_dim3A_63 {strides = array<i32>} : memref<256x8xi32, #tpu.memory_space<vmem>>, vector<256x1xi32>,
    %eq3A_67 = vector.broadcast %broadcast_in_dim3A_63 : vector<256x1xi32> to vector<256x5120xi32>
    %eq3A_68 = arith.cmpi eq, %iota3A, %eq3A_67 : vector<256x5120xi32>
    %jit3A_69 = arith.constant 0x7F800000 : f32
    %broadcast_in_dim3A_70 = vector.broadcast %jit3A_69 : f32 to vector<256x5120xf32>
    %select_n3A_71 = arith.select %eq3A_68, %broadcast_in_dim3A_70, %select_n3A_52 : vector<256x5120xi1>, vector<256x5120xf32>
    %reduce_min3A_72 = arith.constant dense<0x7F800000> : vector<256xf32>
    %reduce_min3A_73 = vector.multi_reduction <minimumf>, %select_n3A_71, %reduce_min3A_72 [1] : vector<256x5120xf32> to vector<256xf32>
    %broadcast_in_dim3A_74 = vector.shape_cast %reduce_min3A_73 : vector<256xf32> to vector<256x1xf32>
    %eq3A_75 = vector.broadcast %broadcast_in_dim3A_74 : vector<256x1xf32> to vector<256x5120xf32>
    %eq3A_76 = arith.cmpf oeq, %select_n3A_71, %eq3A_75 : vector<256x5120xf32>
    %jit3A_77 = arith.constant 1073741824 : i32
    %broadcast_in_dim3A_78 = vector.broadcast %jit3A_77 : i32 to vector<256x5120xi32>
    %select_n3A_79 = arith.select %eq3A_76, %iota3A, %broadcast_in_dim3A_78 : vector<256x5120xi1>, vector<256x5120xi32>
    %reduce_min3A_80 = arith.constant dense<2147483647> : vector<256xi32>
    %reduce_min3A_81 = vector.multi_reduction <minsi>, %select_n3A_79, %reduce_min3A_80 [1] : vector<256x5120xi32> to vector<256xi32>
    %broadcast_in_dim3A_82 = vector.shape_cast %reduce_min3A_81 : vector<256xi32> to vector<256x1xi32>
    %swap3A_83 = arith.constant 0 : index
    %swap3A_84 = arith.constant 2 : index
    %swap3A_85 = vector.load %arg5[%swap3A_83, %swap3A_84] : memref<256x8xi32, #tpu.memory_space<vmem>>, vector<256x1xi32>
    tpu.vector_store %arg5[%swap3A_83, %swap3A_84], %broadcast_in_dim3A_82 {strides = array<i32>} : memref<256x8xi32, #tpu.memory_space<vmem>>, vector<256x1xi32>,
    %eq3A_86 = vector.broadcast %broadcast_in_dim3A_82 : vector<256x1xi32> to vector<256x5120xi32>
    %eq3A_87 = arith.cmpi eq, %iota3A, %eq3A_86 : vector<256x5120xi32>
    %jit3A_88 = arith.constant 0x7F800000 : f32
    %broadcast_in_dim3A_89 = vector.broadcast %jit3A_88 : f32 to vector<256x5120xf32>
    %select_n3A_90 = arith.select %eq3A_87, %broadcast_in_dim3A_89, %select_n3A_71 : vector<256x5120xi1>, vector<256x5120xf32>
    %reduce_min3A_91 = arith.constant dense<0x7F800000> : vector<256xf32>
    %reduce_min3A_92 = vector.multi_reduction <minimumf>, %select_n3A_90, %reduce_min3A_91 [1] : vector<256x5120xf32> to vector<256xf32>
    %broadcast_in_dim3A_93 = vector.shape_cast %reduce_min3A_92 : vector<256xf32> to vector<256x1xf32>
    %eq3A_94 = vector.broadcast %broadcast_in_dim3A_93 : vector<256x1xf32> to vector<256x5120xf32>
    %eq3A_95 = arith.cmpf oeq, %select_n3A_90, %eq3A_94 : vector<256x5120xf32>
    %jit3A_96 = arith.constant 1073741824 : i32
    %broadcast_in_dim3A_97 = vector.broadcast %jit3A_96 : i32 to vector<256x5120xi32>
    %select_n3A_98 = arith.select %eq3A_95, %iota3A, %broadcast_in_dim3A_97 : vector<256x5120xi1>, vector<256x5120xi32>
    %reduce_min3A_99 = arith.constant dense<2147483647> : vector<256xi32>
    %reduce_min3A_100 = vector.multi_reduction <minsi>, %select_n3A_98, %reduce_min3A_99 [1] : vector<256x5120xi32> to vector<256xi32>
    %broadcast_in_dim3A_101 = vector.shape_cast %reduce_min3A_100 : vector<256xi32> to vector<256x1xi32>
    %swap3A_102 = arith.constant 0 : index
    %swap3A_103 = arith.constant 3 : index
    %swap3A_104 = vector.load %arg5[%swap3A_102, %swap3A_103] : memref<256x8xi32, #tpu.memory_space<vmem>>, vector<256x1xi32>
    tpu.vector_store %arg5[%swap3A_102, %swap3A_103], %broadcast_in_dim3A_101 {strides = array<i32>} : memref<256x8xi32, #tpu.memory_space<vmem>>, vector<256x1xi32>,
    return
  }
  func.func @transform_0(%arg0: i32) -> (i32, i32) {
    %c0_i32 = arith.constant 0 : i32
    %c0_i32_0 = arith.constant 0 : i32
    return %arg0, %c0_i32 : i32, i32
  }
  func.func @transform_1(%arg0: i32) -> (i32, i32) {
    %c0_i32 = arith.constant 0 : i32
    %c0_i32_0 = arith.constant 0 : i32
    return %arg0, %c0_i32 : i32, i32
  }
  func.func @transform_2(%arg0: i32) -> (i32, i32) {
    %c0_i32 = arith.constant 0 : i32
    %c0_i32_0 = arith.constant 0 : i32
    %c0_i32_1 = arith.constant 0 : i32
    return %c0_i32, %c0_i32_0 : i32, i32
  }
  func.func @transform_3(%arg0: i32) -> (i32, i32) {
    %c0_i32 = arith.constant 0 : i32
    %c0_i32_0 = arith.constant 0 : i32
    %c0_i32_1 = arith.constant 0 : i32
    return %c0_i32, %c0_i32_0 : i32, i32
  }
  func.func @transform_4(%arg0: i32) -> (i32, i32) {
    %c0_i32 = arith.constant 0 : i32
    %c0_i32_0 = arith.constant 0 : i32
    return %arg0, %c0_i32 : i32, i32
  }
}

module attributes {stable_mosaic.version = 14 : i64} {
  func.func @_knn_win_kernel(%arg0: i32, %arg1: memref<20xi32, #tpu.memory_space<smem>>, %arg2: memref<256x4xf32, #tpu.memory_space<vmem>>, %arg3: memref<256x1xi32, #tpu.memory_space<vmem>>, %arg4: memref<1x4x2048xf32, #tpu.memory_space<vmem>>, %arg5: memref<1x1x2048xi32, #tpu.memory_space<vmem>>, %arg6: memref<256x8xi32, #tpu.memory_space<vmem>>) attributes {dimension_semantics = [#tpu.dimension_semantics<arbitrary>], iteration_bounds = array<i64: 20>, scalar_prefetch = 0 : i64, scratch_operands = 0 : i64, tpu.core_type = #tpu.core_type<tc>, window_params = [{transform_indices = @transform_0, window_bounds = array<i64: 20>}, {transform_indices = @transform_1, window_bounds = array<i64: 256, 4>}, {transform_indices = @transform_2, window_bounds = array<i64: 256, 1>}, {transform_indices = @transform_3, window_bounds = array<i64: 1, 4, 2048>}, {transform_indices = @transform_4, window_bounds = array<i64: 1, 1, 2048>}, {transform_indices = @transform_5, window_bounds = array<i64: 256, 8>}]} {
    %get3A = arith.index_cast %arg0 : i32 to index
    %get3A_0 = memref.load %arg1[%get3A] : memref<20xi32, #tpu.memory_space<smem>>
    %iota3A = tpu.iota {dimensions = array<i32: 1>} : vector<256x2048xi32>
    %get3A_1 = arith.constant 0 : index
    %get3A_2 = arith.constant 0 : index
    %get3A_3 = arith.constant 0 : index
    %get3A_4 = vector.load %arg4[%get3A_1, %get3A_2, %get3A_3] : memref<1x4x2048xf32, #tpu.memory_space<vmem>>, vector<1x4x2048xf32>
    %get3A_5 = vector.shape_cast %get3A_4 : vector<1x4x2048xf32> to vector<4x2048xf32>
    %get3A_6 = arith.constant 0 : index
    %get3A_7 = arith.constant 0 : index
    %get3A_8 = vector.load %arg2[%get3A_6, %get3A_7] : memref<256x4xf32, #tpu.memory_space<vmem>>, vector<256x1xf32>
    %slice3A = vector.extract_strided_slice %get3A_5 {offsets = [0, 0], sizes = [1, 2048], strides = [1, 1]} : vector<4x2048xf32> to vector<1x2048xf32>
    %sub3A = vector.broadcast %get3A_8 : vector<256x1xf32> to vector<256x2048xf32>
    %sub3A_9 = vector.broadcast %slice3A : vector<1x2048xf32> to vector<256x2048xf32>
    %sub3A_10 = arith.subf %sub3A, %sub3A_9 : vector<256x2048xf32>
    %mul3A = arith.mulf %sub3A_10, %sub3A_10 : vector<256x2048xf32>
    %get3A_11 = arith.constant 0 : index
    %get3A_12 = arith.constant 1 : index
    %get3A_13 = vector.load %arg2[%get3A_11, %get3A_12] : memref<256x4xf32, #tpu.memory_space<vmem>>, vector<256x1xf32>
    %slice3A_14 = vector.extract_strided_slice %get3A_5 {offsets = [1, 0], sizes = [1, 2048], strides = [1, 1]} : vector<4x2048xf32> to vector<1x2048xf32>
    %sub3A_15 = vector.broadcast %get3A_13 : vector<256x1xf32> to vector<256x2048xf32>
    %sub3A_16 = vector.broadcast %slice3A_14 : vector<1x2048xf32> to vector<256x2048xf32>
    %sub3A_17 = arith.subf %sub3A_15, %sub3A_16 : vector<256x2048xf32>
    %mul3A_18 = arith.mulf %sub3A_17, %sub3A_17 : vector<256x2048xf32>
    %add3A = arith.addf %mul3A, %mul3A_18 : vector<256x2048xf32>
    %get3A_19 = arith.constant 0 : index
    %get3A_20 = arith.constant 2 : index
    %get3A_21 = vector.load %arg2[%get3A_19, %get3A_20] : memref<256x4xf32, #tpu.memory_space<vmem>>, vector<256x1xf32>
    %slice3A_22 = vector.extract_strided_slice %get3A_5 {offsets = [2, 0], sizes = [1, 2048], strides = [1, 1]} : vector<4x2048xf32> to vector<1x2048xf32>
    %sub3A_23 = vector.broadcast %get3A_21 : vector<256x1xf32> to vector<256x2048xf32>
    %sub3A_24 = vector.broadcast %slice3A_22 : vector<1x2048xf32> to vector<256x2048xf32>
    %sub3A_25 = arith.subf %sub3A_23, %sub3A_24 : vector<256x2048xf32>
    %mul3A_26 = arith.mulf %sub3A_25, %sub3A_25 : vector<256x2048xf32>
    %add3A_27 = arith.addf %add3A, %mul3A_26 : vector<256x2048xf32>
    %get3A_28 = arith.constant 0 : index
    %get3A_29 = arith.constant 0 : index
    %get3A_30 = vector.load %arg3[%get3A_28, %get3A_29] : memref<256x1xi32, #tpu.memory_space<vmem>>, vector<256x1xi32>
    %get3A_31 = arith.constant 0 : index
    %get3A_32 = arith.constant 0 : index
    %get3A_33 = arith.constant 0 : index
    %get3A_34 = vector.load %arg5[%get3A_31, %get3A_32, %get3A_33] : memref<1x1x2048xi32, #tpu.memory_space<vmem>>, vector<1x1x2048xi32>
    %get3A_35 = vector.shape_cast %get3A_34 : vector<1x1x2048xi32> to vector<1x2048xi32>
    %eq3A = vector.broadcast %get3A_30 : vector<256x1xi32> to vector<256x2048xi32>
    %eq3A_36 = vector.broadcast %get3A_35 : vector<1x2048xi32> to vector<256x2048xi32>
    %eq3A_37 = arith.cmpi eq, %eq3A, %eq3A_36 : vector<256x2048xi32>
    %jit3A = arith.constant 3.000000e+38 : f32
    %broadcast_in_dim3A = vector.broadcast %jit3A : f32 to vector<256x2048xf32>
    %select_n3A = arith.select %eq3A_37, %add3A_27, %broadcast_in_dim3A : vector<256x2048xi1>, vector<256x2048xf32>
    %reduce_min3A = arith.constant dense<0x7F800000> : vector<256xf32>
    %reduce_min3A_38 = vector.multi_reduction <minimumf>, %select_n3A, %reduce_min3A [1] : vector<256x2048xf32> to vector<256xf32>
    %broadcast_in_dim3A_39 = vector.shape_cast %reduce_min3A_38 : vector<256xf32> to vector<256x1xf32>
    %eq3A_40 = vector.broadcast %broadcast_in_dim3A_39 : vector<256x1xf32> to vector<256x2048xf32>
    %eq3A_41 = arith.cmpf oeq, %select_n3A, %eq3A_40 : vector<256x2048xf32>
    %jit3A_42 = arith.constant 1073741824 : i32
    %broadcast_in_dim3A_43 = vector.broadcast %jit3A_42 : i32 to vector<256x2048xi32>
    %select_n3A_44 = arith.select %eq3A_41, %iota3A, %broadcast_in_dim3A_43 : vector<256x2048xi1>, vector<256x2048xi32>
    %reduce_min3A_45 = arith.constant dense<2147483647> : vector<256xi32>
    %reduce_min3A_46 = vector.multi_reduction <minsi>, %select_n3A_44, %reduce_min3A_45 [1] : vector<256x2048xi32> to vector<256xi32>
    %broadcast_in_dim3A_47 = vector.shape_cast %reduce_min3A_46 : vector<256xi32> to vector<256x1xi32>
    %add3A_48 = vector.broadcast %get3A_0 : i32 to vector<256x1xi32>
    %add3A_49 = arith.addi %broadcast_in_dim3A_47, %add3A_48 : vector<256x1xi32>
    %swap3A = arith.constant 0 : index
    %swap3A_50 = arith.constant 0 : index
    %swap3A_51 = vector.load %arg6[%swap3A, %swap3A_50] : memref<256x8xi32, #tpu.memory_space<vmem>>, vector<256x1xi32>
    tpu.vector_store %arg6[%swap3A, %swap3A_50], %add3A_49 {strides = array<i32>} : memref<256x8xi32, #tpu.memory_space<vmem>>, vector<256x1xi32>,
    %eq3A_52 = vector.broadcast %broadcast_in_dim3A_47 : vector<256x1xi32> to vector<256x2048xi32>
    %eq3A_53 = arith.cmpi eq, %iota3A, %eq3A_52 : vector<256x2048xi32>
    %jit3A_54 = arith.constant 0x7F800000 : f32
    %broadcast_in_dim3A_55 = vector.broadcast %jit3A_54 : f32 to vector<256x2048xf32>
    %select_n3A_56 = arith.select %eq3A_53, %broadcast_in_dim3A_55, %select_n3A : vector<256x2048xi1>, vector<256x2048xf32>
    %reduce_min3A_57 = arith.constant dense<0x7F800000> : vector<256xf32>
    %reduce_min3A_58 = vector.multi_reduction <minimumf>, %select_n3A_56, %reduce_min3A_57 [1] : vector<256x2048xf32> to vector<256xf32>
    %broadcast_in_dim3A_59 = vector.shape_cast %reduce_min3A_58 : vector<256xf32> to vector<256x1xf32>
    %eq3A_60 = vector.broadcast %broadcast_in_dim3A_59 : vector<256x1xf32> to vector<256x2048xf32>
    %eq3A_61 = arith.cmpf oeq, %select_n3A_56, %eq3A_60 : vector<256x2048xf32>
    %jit3A_62 = arith.constant 1073741824 : i32
    %broadcast_in_dim3A_63 = vector.broadcast %jit3A_62 : i32 to vector<256x2048xi32>
    %select_n3A_64 = arith.select %eq3A_61, %iota3A, %broadcast_in_dim3A_63 : vector<256x2048xi1>, vector<256x2048xi32>
    %reduce_min3A_65 = arith.constant dense<2147483647> : vector<256xi32>
    %reduce_min3A_66 = vector.multi_reduction <minsi>, %select_n3A_64, %reduce_min3A_65 [1] : vector<256x2048xi32> to vector<256xi32>
    %broadcast_in_dim3A_67 = vector.shape_cast %reduce_min3A_66 : vector<256xi32> to vector<256x1xi32>
    %add3A_68 = vector.broadcast %get3A_0 : i32 to vector<256x1xi32>
    %add3A_69 = arith.addi %broadcast_in_dim3A_67, %add3A_68 : vector<256x1xi32>
    %swap3A_70 = arith.constant 0 : index
    %swap3A_71 = arith.constant 1 : index
    %swap3A_72 = vector.load %arg6[%swap3A_70, %swap3A_71] : memref<256x8xi32, #tpu.memory_space<vmem>>, vector<256x1xi32>
    tpu.vector_store %arg6[%swap3A_70, %swap3A_71], %add3A_69 {strides = array<i32>} : memref<256x8xi32, #tpu.memory_space<vmem>>, vector<256x1xi32>,
    %eq3A_73 = vector.broadcast %broadcast_in_dim3A_67 : vector<256x1xi32> to vector<256x2048xi32>
    %eq3A_74 = arith.cmpi eq, %iota3A, %eq3A_73 : vector<256x2048xi32>
    %jit3A_75 = arith.constant 0x7F800000 : f32
    %broadcast_in_dim3A_76 = vector.broadcast %jit3A_75 : f32 to vector<256x2048xf32>
    %select_n3A_77 = arith.select %eq3A_74, %broadcast_in_dim3A_76, %select_n3A_56 : vector<256x2048xi1>, vector<256x2048xf32>
    %reduce_min3A_78 = arith.constant dense<0x7F800000> : vector<256xf32>
    %reduce_min3A_79 = vector.multi_reduction <minimumf>, %select_n3A_77, %reduce_min3A_78 [1] : vector<256x2048xf32> to vector<256xf32>
    %broadcast_in_dim3A_80 = vector.shape_cast %reduce_min3A_79 : vector<256xf32> to vector<256x1xf32>
    %eq3A_81 = vector.broadcast %broadcast_in_dim3A_80 : vector<256x1xf32> to vector<256x2048xf32>
    %eq3A_82 = arith.cmpf oeq, %select_n3A_77, %eq3A_81 : vector<256x2048xf32>
    %jit3A_83 = arith.constant 1073741824 : i32
    %broadcast_in_dim3A_84 = vector.broadcast %jit3A_83 : i32 to vector<256x2048xi32>
    %select_n3A_85 = arith.select %eq3A_82, %iota3A, %broadcast_in_dim3A_84 : vector<256x2048xi1>, vector<256x2048xi32>
    %reduce_min3A_86 = arith.constant dense<2147483647> : vector<256xi32>
    %reduce_min3A_87 = vector.multi_reduction <minsi>, %select_n3A_85, %reduce_min3A_86 [1] : vector<256x2048xi32> to vector<256xi32>
    %broadcast_in_dim3A_88 = vector.shape_cast %reduce_min3A_87 : vector<256xi32> to vector<256x1xi32>
    %add3A_89 = vector.broadcast %get3A_0 : i32 to vector<256x1xi32>
    %add3A_90 = arith.addi %broadcast_in_dim3A_88, %add3A_89 : vector<256x1xi32>
    %swap3A_91 = arith.constant 0 : index
    %swap3A_92 = arith.constant 2 : index
    %swap3A_93 = vector.load %arg6[%swap3A_91, %swap3A_92] : memref<256x8xi32, #tpu.memory_space<vmem>>, vector<256x1xi32>
    tpu.vector_store %arg6[%swap3A_91, %swap3A_92], %add3A_90 {strides = array<i32>} : memref<256x8xi32, #tpu.memory_space<vmem>>, vector<256x1xi32>,
    %eq3A_94 = vector.broadcast %broadcast_in_dim3A_88 : vector<256x1xi32> to vector<256x2048xi32>
    %eq3A_95 = arith.cmpi eq, %iota3A, %eq3A_94 : vector<256x2048xi32>
    %jit3A_96 = arith.constant 0x7F800000 : f32
    %broadcast_in_dim3A_97 = vector.broadcast %jit3A_96 : f32 to vector<256x2048xf32>
    %select_n3A_98 = arith.select %eq3A_95, %broadcast_in_dim3A_97, %select_n3A_77 : vector<256x2048xi1>, vector<256x2048xf32>
    %reduce_min3A_99 = arith.constant dense<0x7F800000> : vector<256xf32>
    %reduce_min3A_100 = vector.multi_reduction <minimumf>, %select_n3A_98, %reduce_min3A_99 [1] : vector<256x2048xf32> to vector<256xf32>
    %broadcast_in_dim3A_101 = vector.shape_cast %reduce_min3A_100 : vector<256xf32> to vector<256x1xf32>
    %eq3A_102 = vector.broadcast %broadcast_in_dim3A_101 : vector<256x1xf32> to vector<256x2048xf32>
    %eq3A_103 = arith.cmpf oeq, %select_n3A_98, %eq3A_102 : vector<256x2048xf32>
    %jit3A_104 = arith.constant 1073741824 : i32
    %broadcast_in_dim3A_105 = vector.broadcast %jit3A_104 : i32 to vector<256x2048xi32>
    %select_n3A_106 = arith.select %eq3A_103, %iota3A, %broadcast_in_dim3A_105 : vector<256x2048xi1>, vector<256x2048xi32>
    %reduce_min3A_107 = arith.constant dense<2147483647> : vector<256xi32>
    %reduce_min3A_108 = vector.multi_reduction <minsi>, %select_n3A_106, %reduce_min3A_107 [1] : vector<256x2048xi32> to vector<256xi32>
    %broadcast_in_dim3A_109 = vector.shape_cast %reduce_min3A_108 : vector<256xi32> to vector<256x1xi32>
    %add3A_110 = vector.broadcast %get3A_0 : i32 to vector<256x1xi32>
    %add3A_111 = arith.addi %broadcast_in_dim3A_109, %add3A_110 : vector<256x1xi32>
    %swap3A_112 = arith.constant 0 : index
    %swap3A_113 = arith.constant 3 : index
    %swap3A_114 = vector.load %arg6[%swap3A_112, %swap3A_113] : memref<256x8xi32, #tpu.memory_space<vmem>>, vector<256x1xi32>
    tpu.vector_store %arg6[%swap3A_112, %swap3A_113], %add3A_111 {strides = array<i32>} : memref<256x8xi32, #tpu.memory_space<vmem>>, vector<256x1xi32>,
    return
  }
  func.func @transform_0(%arg0: i32) -> i32 {
    %c0_i32 = arith.constant 0 : i32
    %c0_i32_0 = arith.constant 0 : i32
    return %c0_i32 : i32
  }
  func.func @transform_1(%arg0: i32) -> (i32, i32) {
    %c0_i32 = arith.constant 0 : i32
    %c0_i32_0 = arith.constant 0 : i32
    return %arg0, %c0_i32 : i32, i32
  }
  func.func @transform_2(%arg0: i32) -> (i32, i32) {
    %c0_i32 = arith.constant 0 : i32
    %c0_i32_0 = arith.constant 0 : i32
    return %arg0, %c0_i32 : i32, i32
  }
  func.func @transform_3(%arg0: i32) -> (i32, i32, i32) {
    %c0_i32 = arith.constant 0 : i32
    %c0_i32_0 = arith.constant 0 : i32
    %c0_i32_1 = arith.constant 0 : i32
    return %arg0, %c0_i32, %c0_i32_0 : i32, i32, i32
  }
  func.func @transform_4(%arg0: i32) -> (i32, i32, i32) {
    %c0_i32 = arith.constant 0 : i32
    %c0_i32_0 = arith.constant 0 : i32
    %c0_i32_1 = arith.constant 0 : i32
    return %arg0, %c0_i32, %c0_i32_0 : i32, i32, i32
  }
  func.func @transform_5(%arg0: i32) -> (i32, i32) {
    %c0_i32 = arith.constant 0 : i32
    %c0_i32_0 = arith.constant 0 : i32
    return %arg0, %c0_i32 : i32, i32
  }
}

module attributes {stable_mosaic.version = 14 : i64} {
  func.func @_fps_kernel(%arg0: memref<1xi32, #tpu.memory_space<smem>>, %arg1: memref<8x1xi32, #tpu.memory_space<vmem>>, %arg2: memref<8x5120xf32, #tpu.memory_space<vmem>>, %arg3: memref<8x5120xf32, #tpu.memory_space<vmem>>, %arg4: memref<8x5120xf32, #tpu.memory_space<vmem>>, %arg5: memref<2688x8xi32, #tpu.memory_space<vmem>>) attributes {dimension_semantics = [], scalar_prefetch = 0 : i64, scratch_operands = 0 : i64, tpu.core_type = #tpu.core_type<tc>} {
    %get3A = arith.constant 0 : index
    %get3A_0 = arith.constant 0 : index
    %get3A_1 = vector.load %arg2[%get3A, %get3A_0] : memref<8x5120xf32, #tpu.memory_space<vmem>>, vector<8x5120xf32>
    %get3A_2 = arith.constant 0 : index
    %get3A_3 = arith.constant 0 : index
    %get3A_4 = vector.load %arg3[%get3A_2, %get3A_3] : memref<8x5120xf32, #tpu.memory_space<vmem>>, vector<8x5120xf32>
    %get3A_5 = arith.constant 0 : index
    %get3A_6 = arith.constant 0 : index
    %get3A_7 = vector.load %arg4[%get3A_5, %get3A_6] : memref<8x5120xf32, #tpu.memory_space<vmem>>, vector<8x5120xf32>
    %iota3A = tpu.iota {dimensions = array<i32: 1>} : vector<8x5120xi32>
    %get3A_8 = arith.constant 0 : index
    %get3A_9 = arith.constant 0 : index
    %get3A_10 = vector.load %arg1[%get3A_8, %get3A_9] : memref<8x1xi32, #tpu.memory_space<vmem>>, vector<8x1xi32>
    %lt3A = vector.broadcast %get3A_10 : vector<8x1xi32> to vector<8x5120xi32>
    %lt3A_11 = arith.cmpi slt, %iota3A, %lt3A : vector<8x5120xi32>
    %iota3A_12 = tpu.iota {dimensions = array<i32: 0>} : vector<8x8xi32>
    %iota3A_13 = tpu.iota {dimensions = array<i32: 1>} : vector<8x8xi32>
    %eq3A = arith.cmpi eq, %iota3A_12, %iota3A_13 : vector<8x8xi32>
    %slice3A = vector.extract_strided_slice %get3A_1 {offsets = [0, 0], sizes = [8, 1], strides = [1, 1]} : vector<8x5120xf32> to vector<8x1xf32>
    %slice3A_14 = vector.extract_strided_slice %get3A_4 {offsets = [0, 0], sizes = [8, 1], strides = [1, 1]} : vector<8x5120xf32> to vector<8x1xf32>
    %slice3A_15 = vector.extract_strided_slice %get3A_7 {offsets = [0, 0], sizes = [8, 1], strides = [1, 1]} : vector<8x5120xf32> to vector<8x1xf32>
    %sub3A = vector.broadcast %slice3A : vector<8x1xf32> to vector<8x5120xf32>
    %sub3A_16 = arith.subf %get3A_1, %sub3A : vector<8x5120xf32>
    %sub3A_17 = vector.broadcast %slice3A_14 : vector<8x1xf32> to vector<8x5120xf32>
    %sub3A_18 = arith.subf %get3A_4, %sub3A_17 : vector<8x5120xf32>
    %sub3A_19 = vector.broadcast %slice3A_15 : vector<8x1xf32> to vector<8x5120xf32>
    %sub3A_20 = arith.subf %get3A_7, %sub3A_19 : vector<8x5120xf32>
    %mul3A = arith.mulf %sub3A_16, %sub3A_16 : vector<8x5120xf32>
    %mul3A_21 = arith.mulf %sub3A_18, %sub3A_18 : vector<8x5120xf32>
    %add3A = arith.addf %mul3A, %mul3A_21 : vector<8x5120xf32>
    %mul3A_22 = arith.mulf %sub3A_20, %sub3A_20 : vector<8x5120xf32>
    %add3A_23 = arith.addf %add3A, %mul3A_22 : vector<8x5120xf32>
    %jit3A = arith.constant 0xFF800000 : f32
    %broadcast_in_dim3A = vector.broadcast %jit3A : f32 to vector<8x5120xf32>
    %select_n3A = arith.select %lt3A_11, %add3A_23, %broadcast_in_dim3A : vector<8x5120xi1>, vector<8x5120xf32>
    %broadcast_in_dim3A_24 = arith.constant 0 : i32
    %broadcast_in_dim3A_25 = vector.broadcast %broadcast_in_dim3A_24 : i32 to vector<1x8xi32>
    %swap3A = arith.constant 0 : index
    %swap3A_26 = arith.constant 0 : index
    %swap3A_27 = vector.load %arg5[%swap3A, %swap3A_26] : memref<2688x8xi32, #tpu.memory_space<vmem>>, vector<1x8xi32>
    tpu.vector_store %arg5[%swap3A, %swap3A_26], %broadcast_in_dim3A_25 {strides = array<i32>} : memref<2688x8xi32, #tpu.memory_space<vmem>>, vector<1x8xi32>,
    %concatenate3A = tpu.concatenate %get3A_1, %get3A_4, %get3A_7 in 0 : vector<8x5120xf32>, vector<8x5120xf32>, vector<8x5120xf32> -> vector<24x5120xf32>
    %get3A_28 = arith.constant 0 : index
    %get3A_29 = memref.load %arg0[%get3A_28] : memref<1xi32, #tpu.memory_space<smem>>
    %while3A = arith.constant 1073741824 : i32
    %while3A_30 = arith.constant 0xFF800000 : f32
    %while3A_31 = arith.constant 1 : i32
    %while3A_32 = arith.subi %get3A_29, %while3A_31 : i32
    %while3A_33 = arith.addi %while3A_31, %while3A_32 : i32
    %while3A_34 = arith.constant 1 : i32
    %while3A_35 = arith.divsi %while3A_32, %while3A_34 : i32
    %while3A_36 = arith.muli %while3A_35, %while3A_34 : i32
    %while3A_37 = arith.addi %while3A_31, %while3A_36 : i32
    %while3A_38 = arith.constant 1 : i32
    %while3A_39 = scf.for %while3A_42 = %while3A_31 to %while3A_37 step %while3A_38 iter_args(%while3A_43 = %select_n3A) -> (vector<8x5120xf32>)  : i32 {
      %reduce_max3A = arith.constant dense<0xFF800000> : vector<8xf32>
      %reduce_max3A_44 = vector.multi_reduction <maximumf>, %while3A_43, %reduce_max3A [1] : vector<8x5120xf32> to vector<8xf32>
      %broadcast_in_dim3A_45 = vector.shape_cast %reduce_max3A_44 : vector<8xf32> to vector<8x1xf32>
      %eq3A_46 = vector.broadcast %broadcast_in_dim3A_45 : vector<8x1xf32> to vector<8x5120xf32>
      %eq3A_47 = arith.cmpf oeq, %while3A_43, %eq3A_46 : vector<8x5120xf32>
      %broadcast_in_dim3A_48 = vector.broadcast %while3A : i32 to vector<8x5120xi32>
      %select_n3A_49 = arith.select %eq3A_47, %iota3A, %broadcast_in_dim3A_48 : vector<8x5120xi1>, vector<8x5120xi32>
      %reduce_min3A = arith.constant dense<2147483647> : vector<8xi32>
      %reduce_min3A_50 = vector.multi_reduction <minsi>, %select_n3A_49, %reduce_min3A [1] : vector<8x5120xi32> to vector<8xi32>
      %broadcast_in_dim3A_51 = vector.shape_cast %reduce_min3A_50 : vector<8xi32> to vector<8x1xi32>
      %broadcast_in_dim3A_52 = vector.shape_cast %broadcast_in_dim3A_51 : vector<8x1xi32> to vector<8x1xi32>
      %broadcast_in_dim3A_53 = vector.broadcast %broadcast_in_dim3A_52 : vector<8x1xi32> to vector<8x8xi32>
      %jit3A_54 = arith.constant 0 : i32
      %broadcast_in_dim3A_55 = vector.broadcast %jit3A_54 : i32 to vector<8x8xi32>
      %select_n3A_56 = arith.select %eq3A, %broadcast_in_dim3A_53, %broadcast_in_dim3A_55 : vector<8x8xi1>, vector<8x8xi32>
      %reduce_sum3A = arith.constant dense<0> : vector<8xi32>
      %reduce_sum3A_57 = vector.multi_reduction <add>, %select_n3A_56, %reduce_sum3A [0] : vector<8x8xi32> to vector<8xi32>
      %broadcast_in_dim3A_58 = vector.shape_cast %reduce_sum3A_57 : vector<8xi32> to vector<1x8xi32>
      %swap3A_59 = arith.index_cast %while3A_42 : i32 to index
      %swap3A_60 = arith.constant 0 : index
      %swap3A_61 = vector.load %arg5[%swap3A_59, %swap3A_60] : memref<2688x8xi32, #tpu.memory_space<vmem>>, vector<1x8xi32>
      tpu.vector_store %arg5[%swap3A_59, %swap3A_60], %broadcast_in_dim3A_58 {strides = array<i32>} : memref<2688x8xi32, #tpu.memory_space<vmem>>, vector<1x8xi32>,
      %eq3A_62 = vector.broadcast %broadcast_in_dim3A_51 : vector<8x1xi32> to vector<8x5120xi32>
      %eq3A_63 = arith.cmpi eq, %iota3A, %eq3A_62 : vector<8x5120xi32>
      %concatenate3A_64 = tpu.concatenate %eq3A_63, %eq3A_63, %eq3A_63 in 0 : vector<8x5120xi1>, vector<8x5120xi1>, vector<8x5120xi1> -> vector<24x5120xi1>
      %broadcast_in_dim3A_65 = vector.broadcast %while3A_30 : f32 to vector<24x5120xf32>
      %select_n3A_66 = arith.select %concatenate3A_64, %concatenate3A, %broadcast_in_dim3A_65 : vector<24x5120xi1>, vector<24x5120xf32>
      %reduce_max3A_67 = arith.constant dense<0xFF800000> : vector<24xf32>
      %reduce_max3A_68 = vector.multi_reduction <maximumf>, %select_n3A_66, %reduce_max3A_67 [1] : vector<24x5120xf32> to vector<24xf32>
      %broadcast_in_dim3A_69 = vector.shape_cast %reduce_max3A_68 : vector<24xf32> to vector<24x1xf32>
      %slice3A_70 = vector.extract_strided_slice %broadcast_in_dim3A_69 {offsets = [0, 0], sizes = [8, 1], strides = [1, 1]} : vector<24x1xf32> to vector<8x1xf32>
      %slice3A_71 = vector.extract_strided_slice %broadcast_in_dim3A_69 {offsets = [8, 0], sizes = [8, 1], strides = [1, 1]} : vector<24x1xf32> to vector<8x1xf32>
      %slice3A_72 = vector.extract_strided_slice %broadcast_in_dim3A_69 {offsets = [16, 0], sizes = [8, 1], strides = [1, 1]} : vector<24x1xf32> to vector<8x1xf32>
      %sub3A_73 = vector.broadcast %slice3A_70 : vector<8x1xf32> to vector<8x5120xf32>
      %sub3A_74 = arith.subf %get3A_1, %sub3A_73 : vector<8x5120xf32>
      %sub3A_75 = vector.broadcast %slice3A_71 : vector<8x1xf32> to vector<8x5120xf32>
      %sub3A_76 = arith.subf %get3A_4, %sub3A_75 : vector<8x5120xf32>
      %sub3A_77 = vector.broadcast %slice3A_72 : vector<8x1xf32> to vector<8x5120xf32>
      %sub3A_78 = arith.subf %get3A_7, %sub3A_77 : vector<8x5120xf32>
      %mul3A_79 = arith.mulf %sub3A_74, %sub3A_74 : vector<8x5120xf32>
      %mul3A_80 = arith.mulf %sub3A_76, %sub3A_76 : vector<8x5120xf32>
      %add3A_81 = arith.addf %mul3A_79, %mul3A_80 : vector<8x5120xf32>
      %mul3A_82 = arith.mulf %sub3A_78, %sub3A_78 : vector<8x5120xf32>
      %add3A_83 = arith.addf %add3A_81, %mul3A_82 : vector<8x5120xf32>
      %min3A = arith.minimumf %while3A_43, %add3A_83 : vector<8x5120xf32>
      scf.yield %min3A : vector<8x5120xf32>
    }
    %while3A_40 = arith.constant 1 : i32
    %while3A_41 = scf.for %while3A_42 = %while3A_37 to %while3A_33 step %while3A_40 iter_args(%while3A_43 = %while3A_39) -> (vector<8x5120xf32>)  : i32 {
      %reduce_max3A = arith.constant dense<0xFF800000> : vector<8xf32>
      %reduce_max3A_44 = vector.multi_reduction <maximumf>, %while3A_43, %reduce_max3A [1] : vector<8x5120xf32> to vector<8xf32>
      %broadcast_in_dim3A_45 = vector.shape_cast %reduce_max3A_44 : vector<8xf32> to vector<8x1xf32>
      %eq3A_46 = vector.broadcast %broadcast_in_dim3A_45 : vector<8x1xf32> to vector<8x5120xf32>
      %eq3A_47 = arith.cmpf oeq, %while3A_43, %eq3A_46 : vector<8x5120xf32>
      %broadcast_in_dim3A_48 = vector.broadcast %while3A : i32 to vector<8x5120xi32>
      %select_n3A_49 = arith.select %eq3A_47, %iota3A, %broadcast_in_dim3A_48 : vector<8x5120xi1>, vector<8x5120xi32>
      %reduce_min3A = arith.constant dense<2147483647> : vector<8xi32>
      %reduce_min3A_50 = vector.multi_reduction <minsi>, %select_n3A_49, %reduce_min3A [1] : vector<8x5120xi32> to vector<8xi32>
      %broadcast_in_dim3A_51 = vector.shape_cast %reduce_min3A_50 : vector<8xi32> to vector<8x1xi32>
      %broadcast_in_dim3A_52 = vector.shape_cast %broadcast_in_dim3A_51 : vector<8x1xi32> to vector<8x1xi32>
      %broadcast_in_dim3A_53 = vector.broadcast %broadcast_in_dim3A_52 : vector<8x1xi32> to vector<8x8xi32>
      %jit3A_54 = arith.constant 0 : i32
      %broadcast_in_dim3A_55 = vector.broadcast %jit3A_54 : i32 to vector<8x8xi32>
      %select_n3A_56 = arith.select %eq3A, %broadcast_in_dim3A_53, %broadcast_in_dim3A_55 : vector<8x8xi1>, vector<8x8xi32>
      %reduce_sum3A = arith.constant dense<0> : vector<8xi32>
      %reduce_sum3A_57 = vector.multi_reduction <add>, %select_n3A_56, %reduce_sum3A [0] : vector<8x8xi32> to vector<8xi32>
      %broadcast_in_dim3A_58 = vector.shape_cast %reduce_sum3A_57 : vector<8xi32> to vector<1x8xi32>
      %swap3A_59 = arith.index_cast %while3A_42 : i32 to index
      %swap3A_60 = arith.constant 0 : index
      %swap3A_61 = vector.load %arg5[%swap3A_59, %swap3A_60] : memref<2688x8xi32, #tpu.memory_space<vmem>>, vector<1x8xi32>
      tpu.vector_store %arg5[%swap3A_59, %swap3A_60], %broadcast_in_dim3A_58 {strides = array<i32>} : memref<2688x8xi32, #tpu.memory_space<vmem>>, vector<1x8xi32>,
      %eq3A_62 = vector.broadcast %broadcast_in_dim3A_51 : vector<8x1xi32> to vector<8x5120xi32>
      %eq3A_63 = arith.cmpi eq, %iota3A, %eq3A_62 : vector<8x5120xi32>
      %concatenate3A_64 = tpu.concatenate %eq3A_63, %eq3A_63, %eq3A_63 in 0 : vector<8x5120xi1>, vector<8x5120xi1>, vector<8x5120xi1> -> vector<24x5120xi1>
      %broadcast_in_dim3A_65 = vector.broadcast %while3A_30 : f32 to vector<24x5120xf32>
      %select_n3A_66 = arith.select %concatenate3A_64, %concatenate3A, %broadcast_in_dim3A_65 : vector<24x5120xi1>, vector<24x5120xf32>
      %reduce_max3A_67 = arith.constant dense<0xFF800000> : vector<24xf32>
      %reduce_max3A_68 = vector.multi_reduction <maximumf>, %select_n3A_66, %reduce_max3A_67 [1] : vector<24x5120xf32> to vector<24xf32>
      %broadcast_in_dim3A_69 = vector.shape_cast %reduce_max3A_68 : vector<24xf32> to vector<24x1xf32>
      %slice3A_70 = vector.extract_strided_slice %broadcast_in_dim3A_69 {offsets = [0, 0], sizes = [8, 1], strides = [1, 1]} : vector<24x1xf32> to vector<8x1xf32>
      %slice3A_71 = vector.extract_strided_slice %broadcast_in_dim3A_69 {offsets = [8, 0], sizes = [8, 1], strides = [1, 1]} : vector<24x1xf32> to vector<8x1xf32>
      %slice3A_72 = vector.extract_strided_slice %broadcast_in_dim3A_69 {offsets = [16, 0], sizes = [8, 1], strides = [1, 1]} : vector<24x1xf32> to vector<8x1xf32>
      %sub3A_73 = vector.broadcast %slice3A_70 : vector<8x1xf32> to vector<8x5120xf32>
      %sub3A_74 = arith.subf %get3A_1, %sub3A_73 : vector<8x5120xf32>
      %sub3A_75 = vector.broadcast %slice3A_71 : vector<8x1xf32> to vector<8x5120xf32>
      %sub3A_76 = arith.subf %get3A_4, %sub3A_75 : vector<8x5120xf32>
      %sub3A_77 = vector.broadcast %slice3A_72 : vector<8x1xf32> to vector<8x5120xf32>
      %sub3A_78 = arith.subf %get3A_7, %sub3A_77 : vector<8x5120xf32>
      %mul3A_79 = arith.mulf %sub3A_74, %sub3A_74 : vector<8x5120xf32>
      %mul3A_80 = arith.mulf %sub3A_76, %sub3A_76 : vector<8x5120xf32>
      %add3A_81 = arith.addf %mul3A_79, %mul3A_80 : vector<8x5120xf32>
      %mul3A_82 = arith.mulf %sub3A_78, %sub3A_78 : vector<8x5120xf32>
      %add3A_83 = arith.addf %add3A_81, %mul3A_82 : vector<8x5120xf32>
      %min3A = arith.minimumf %while3A_43, %add3A_83 : vector<8x5120xf32>
      scf.yield %min3A : vector<8x5120xf32>
    }
    return
  }
}

module attributes {stable_mosaic.version = 14 : i64} {
  func.func @_fps_kernel(%arg0: memref<1xi32, #tpu.memory_space<smem>>, %arg1: memref<8x1xi32, #tpu.memory_space<vmem>>, %arg2: memref<8x1024xf32, #tpu.memory_space<vmem>>, %arg3: memref<8x1024xf32, #tpu.memory_space<vmem>>, %arg4: memref<8x1024xf32, #tpu.memory_space<vmem>>, %arg5: memref<640x8xi32, #tpu.memory_space<vmem>>) attributes {dimension_semantics = [], scalar_prefetch = 0 : i64, scratch_operands = 0 : i64, tpu.core_type = #tpu.core_type<tc>} {
    %get3A = arith.constant 0 : index
    %get3A_0 = arith.constant 0 : index
    %get3A_1 = vector.load %arg2[%get3A, %get3A_0] : memref<8x1024xf32, #tpu.memory_space<vmem>>, vector<8x1024xf32>
    %get3A_2 = arith.constant 0 : index
    %get3A_3 = arith.constant 0 : index
    %get3A_4 = vector.load %arg3[%get3A_2, %get3A_3] : memref<8x1024xf32, #tpu.memory_space<vmem>>, vector<8x1024xf32>
    %get3A_5 = arith.constant 0 : index
    %get3A_6 = arith.constant 0 : index
    %get3A_7 = vector.load %arg4[%get3A_5, %get3A_6] : memref<8x1024xf32, #tpu.memory_space<vmem>>, vector<8x1024xf32>
    %iota3A = tpu.iota {dimensions = array<i32: 1>} : vector<8x1024xi32>
    %get3A_8 = arith.constant 0 : index
    %get3A_9 = arith.constant 0 : index
    %get3A_10 = vector.load %arg1[%get3A_8, %get3A_9] : memref<8x1xi32, #tpu.memory_space<vmem>>, vector<8x1xi32>
    %lt3A = vector.broadcast %get3A_10 : vector<8x1xi32> to vector<8x1024xi32>
    %lt3A_11 = arith.cmpi slt, %iota3A, %lt3A : vector<8x1024xi32>
    %iota3A_12 = tpu.iota {dimensions = array<i32: 0>} : vector<8x8xi32>
    %iota3A_13 = tpu.iota {dimensions = array<i32: 1>} : vector<8x8xi32>
    %eq3A = arith.cmpi eq, %iota3A_12, %iota3A_13 : vector<8x8xi32>
    %slice3A = vector.extract_strided_slice %get3A_1 {offsets = [0, 0], sizes = [8, 1], strides = [1, 1]} : vector<8x1024xf32> to vector<8x1xf32>
    %slice3A_14 = vector.extract_strided_slice %get3A_4 {offsets = [0, 0], sizes = [8, 1], strides = [1, 1]} : vector<8x1024xf32> to vector<8x1xf32>
    %slice3A_15 = vector.extract_strided_slice %get3A_7 {offsets = [0, 0], sizes = [8, 1], strides = [1, 1]} : vector<8x1024xf32> to vector<8x1xf32>
    %sub3A = vector.broadcast %slice3A : vector<8x1xf32> to vector<8x1024xf32>
    %sub3A_16 = arith.subf %get3A_1, %sub3A : vector<8x1024xf32>
    %sub3A_17 = vector.broadcast %slice3A_14 : vector<8x1xf32> to vector<8x1024xf32>
    %sub3A_18 = arith.subf %get3A_4, %sub3A_17 : vector<8x1024xf32>
    %sub3A_19 = vector.broadcast %slice3A_15 : vector<8x1xf32> to vector<8x1024xf32>
    %sub3A_20 = arith.subf %get3A_7, %sub3A_19 : vector<8x1024xf32>
    %mul3A = arith.mulf %sub3A_16, %sub3A_16 : vector<8x1024xf32>
    %mul3A_21 = arith.mulf %sub3A_18, %sub3A_18 : vector<8x1024xf32>
    %add3A = arith.addf %mul3A, %mul3A_21 : vector<8x1024xf32>
    %mul3A_22 = arith.mulf %sub3A_20, %sub3A_20 : vector<8x1024xf32>
    %add3A_23 = arith.addf %add3A, %mul3A_22 : vector<8x1024xf32>
    %jit3A = arith.constant 0xFF800000 : f32
    %broadcast_in_dim3A = vector.broadcast %jit3A : f32 to vector<8x1024xf32>
    %select_n3A = arith.select %lt3A_11, %add3A_23, %broadcast_in_dim3A : vector<8x1024xi1>, vector<8x1024xf32>
    %broadcast_in_dim3A_24 = arith.constant 0 : i32
    %broadcast_in_dim3A_25 = vector.broadcast %broadcast_in_dim3A_24 : i32 to vector<1x8xi32>
    %swap3A = arith.constant 0 : index
    %swap3A_26 = arith.constant 0 : index
    %swap3A_27 = vector.load %arg5[%swap3A, %swap3A_26] : memref<640x8xi32, #tpu.memory_space<vmem>>, vector<1x8xi32>
    tpu.vector_store %arg5[%swap3A, %swap3A_26], %broadcast_in_dim3A_25 {strides = array<i32>} : memref<640x8xi32, #tpu.memory_space<vmem>>, vector<1x8xi32>,
    %concatenate3A = tpu.concatenate %get3A_1, %get3A_4, %get3A_7 in 0 : vector<8x1024xf32>, vector<8x1024xf32>, vector<8x1024xf32> -> vector<24x1024xf32>
    %get3A_28 = arith.constant 0 : index
    %get3A_29 = memref.load %arg0[%get3A_28] : memref<1xi32, #tpu.memory_space<smem>>
    %while3A = arith.constant 1073741824 : i32
    %while3A_30 = arith.constant 0xFF800000 : f32
    %while3A_31 = arith.constant 1 : i32
    %while3A_32 = arith.subi %get3A_29, %while3A_31 : i32
    %while3A_33 = arith.addi %while3A_31, %while3A_32 : i32
    %while3A_34 = arith.constant 1 : i32
    %while3A_35 = arith.divsi %while3A_32, %while3A_34 : i32
    %while3A_36 = arith.muli %while3A_35, %while3A_34 : i32
    %while3A_37 = arith.addi %while3A_31, %while3A_36 : i32
    %while3A_38 = arith.constant 1 : i32
    %while3A_39 = scf.for %while3A_42 = %while3A_31 to %while3A_37 step %while3A_38 iter_args(%while3A_43 = %select_n3A) -> (vector<8x1024xf32>)  : i32 {
      %reduce_max3A = arith.constant dense<0xFF800000> : vector<8xf32>
      %reduce_max3A_44 = vector.multi_reduction <maximumf>, %while3A_43, %reduce_max3A [1] : vector<8x1024xf32> to vector<8xf32>
      %broadcast_in_dim3A_45 = vector.shape_cast %reduce_max3A_44 : vector<8xf32> to vector<8x1xf32>
      %eq3A_46 = vector.broadcast %broadcast_in_dim3A_45 : vector<8x1xf32> to vector<8x1024xf32>
      %eq3A_47 = arith.cmpf oeq, %while3A_43, %eq3A_46 : vector<8x1024xf32>
      %broadcast_in_dim3A_48 = vector.broadcast %while3A : i32 to vector<8x1024xi32>
      %select_n3A_49 = arith.select %eq3A_47, %iota3A, %broadcast_in_dim3A_48 : vector<8x1024xi1>, vector<8x1024xi32>
      %reduce_min3A = arith.constant dense<2147483647> : vector<8xi32>
      %reduce_min3A_50 = vector.multi_reduction <minsi>, %select_n3A_49, %reduce_min3A [1] : vector<8x1024xi32> to vector<8xi32>
      %broadcast_in_dim3A_51 = vector.shape_cast %reduce_min3A_50 : vector<8xi32> to vector<8x1xi32>
      %broadcast_in_dim3A_52 = vector.shape_cast %broadcast_in_dim3A_51 : vector<8x1xi32> to vector<8x1xi32>
      %broadcast_in_dim3A_53 = vector.broadcast %broadcast_in_dim3A_52 : vector<8x1xi32> to vector<8x8xi32>
      %jit3A_54 = arith.constant 0 : i32
      %broadcast_in_dim3A_55 = vector.broadcast %jit3A_54 : i32 to vector<8x8xi32>
      %select_n3A_56 = arith.select %eq3A, %broadcast_in_dim3A_53, %broadcast_in_dim3A_55 : vector<8x8xi1>, vector<8x8xi32>
      %reduce_sum3A = arith.constant dense<0> : vector<8xi32>
      %reduce_sum3A_57 = vector.multi_reduction <add>, %select_n3A_56, %reduce_sum3A [0] : vector<8x8xi32> to vector<8xi32>
      %broadcast_in_dim3A_58 = vector.shape_cast %reduce_sum3A_57 : vector<8xi32> to vector<1x8xi32>
      %swap3A_59 = arith.index_cast %while3A_42 : i32 to index
      %swap3A_60 = arith.constant 0 : index
      %swap3A_61 = vector.load %arg5[%swap3A_59, %swap3A_60] : memref<640x8xi32, #tpu.memory_space<vmem>>, vector<1x8xi32>
      tpu.vector_store %arg5[%swap3A_59, %swap3A_60], %broadcast_in_dim3A_58 {strides = array<i32>} : memref<640x8xi32, #tpu.memory_space<vmem>>, vector<1x8xi32>,
      %eq3A_62 = vector.broadcast %broadcast_in_dim3A_51 : vector<8x1xi32> to vector<8x1024xi32>
      %eq3A_63 = arith.cmpi eq, %iota3A, %eq3A_62 : vector<8x1024xi32>
      %concatenate3A_64 = tpu.concatenate %eq3A_63, %eq3A_63, %eq3A_63 in 0 : vector<8x1024xi1>, vector<8x1024xi1>, vector<8x1024xi1> -> vector<24x1024xi1>
      %broadcast_in_dim3A_65 = vector.broadcast %while3A_30 : f32 to vector<24x1024xf32>
      %select_n3A_66 = arith.select %concatenate3A_64, %concatenate3A, %broadcast_in_dim3A_65 : vector<24x1024xi1>, vector<24x1024xf32>
      %reduce_max3A_67 = arith.constant dense<0xFF800000> : vector<24xf32>
      %reduce_max3A_68 = vector.multi_reduction <maximumf>, %select_n3A_66, %reduce_max3A_67 [1] : vector<24x1024xf32> to vector<24xf32>
      %broadcast_in_dim3A_69 = vector.shape_cast %reduce_max3A_68 : vector<24xf32> to vector<24x1xf32>
      %slice3A_70 = vector.extract_strided_slice %broadcast_in_dim3A_69 {offsets = [0, 0], sizes = [8, 1], strides = [1, 1]} : vector<24x1xf32> to vector<8x1xf32>
      %slice3A_71 = vector.extract_strided_slice %broadcast_in_dim3A_69 {offsets = [8, 0], sizes = [8, 1], strides = [1, 1]} : vector<24x1xf32> to vector<8x1xf32>
      %slice3A_72 = vector.extract_strided_slice %broadcast_in_dim3A_69 {offsets = [16, 0], sizes = [8, 1], strides = [1, 1]} : vector<24x1xf32> to vector<8x1xf32>
      %sub3A_73 = vector.broadcast %slice3A_70 : vector<8x1xf32> to vector<8x1024xf32>
      %sub3A_74 = arith.subf %get3A_1, %sub3A_73 : vector<8x1024xf32>
      %sub3A_75 = vector.broadcast %slice3A_71 : vector<8x1xf32> to vector<8x1024xf32>
      %sub3A_76 = arith.subf %get3A_4, %sub3A_75 : vector<8x1024xf32>
      %sub3A_77 = vector.broadcast %slice3A_72 : vector<8x1xf32> to vector<8x1024xf32>
      %sub3A_78 = arith.subf %get3A_7, %sub3A_77 : vector<8x1024xf32>
      %mul3A_79 = arith.mulf %sub3A_74, %sub3A_74 : vector<8x1024xf32>
      %mul3A_80 = arith.mulf %sub3A_76, %sub3A_76 : vector<8x1024xf32>
      %add3A_81 = arith.addf %mul3A_79, %mul3A_80 : vector<8x1024xf32>
      %mul3A_82 = arith.mulf %sub3A_78, %sub3A_78 : vector<8x1024xf32>
      %add3A_83 = arith.addf %add3A_81, %mul3A_82 : vector<8x1024xf32>
      %min3A = arith.minimumf %while3A_43, %add3A_83 : vector<8x1024xf32>
      scf.yield %min3A : vector<8x1024xf32>
    }
    %while3A_40 = arith.constant 1 : i32
    %while3A_41 = scf.for %while3A_42 = %while3A_37 to %while3A_33 step %while3A_40 iter_args(%while3A_43 = %while3A_39) -> (vector<8x1024xf32>)  : i32 {
      %reduce_max3A = arith.constant dense<0xFF800000> : vector<8xf32>
      %reduce_max3A_44 = vector.multi_reduction <maximumf>, %while3A_43, %reduce_max3A [1] : vector<8x1024xf32> to vector<8xf32>
      %broadcast_in_dim3A_45 = vector.shape_cast %reduce_max3A_44 : vector<8xf32> to vector<8x1xf32>
      %eq3A_46 = vector.broadcast %broadcast_in_dim3A_45 : vector<8x1xf32> to vector<8x1024xf32>
      %eq3A_47 = arith.cmpf oeq, %while3A_43, %eq3A_46 : vector<8x1024xf32>
      %broadcast_in_dim3A_48 = vector.broadcast %while3A : i32 to vector<8x1024xi32>
      %select_n3A_49 = arith.select %eq3A_47, %iota3A, %broadcast_in_dim3A_48 : vector<8x1024xi1>, vector<8x1024xi32>
      %reduce_min3A = arith.constant dense<2147483647> : vector<8xi32>
      %reduce_min3A_50 = vector.multi_reduction <minsi>, %select_n3A_49, %reduce_min3A [1] : vector<8x1024xi32> to vector<8xi32>
      %broadcast_in_dim3A_51 = vector.shape_cast %reduce_min3A_50 : vector<8xi32> to vector<8x1xi32>
      %broadcast_in_dim3A_52 = vector.shape_cast %broadcast_in_dim3A_51 : vector<8x1xi32> to vector<8x1xi32>
      %broadcast_in_dim3A_53 = vector.broadcast %broadcast_in_dim3A_52 : vector<8x1xi32> to vector<8x8xi32>
      %jit3A_54 = arith.constant 0 : i32
      %broadcast_in_dim3A_55 = vector.broadcast %jit3A_54 : i32 to vector<8x8xi32>
      %select_n3A_56 = arith.select %eq3A, %broadcast_in_dim3A_53, %broadcast_in_dim3A_55 : vector<8x8xi1>, vector<8x8xi32>
      %reduce_sum3A = arith.constant dense<0> : vector<8xi32>
      %reduce_sum3A_57 = vector.multi_reduction <add>, %select_n3A_56, %reduce_sum3A [0] : vector<8x8xi32> to vector<8xi32>
      %broadcast_in_dim3A_58 = vector.shape_cast %reduce_sum3A_57 : vector<8xi32> to vector<1x8xi32>
      %swap3A_59 = arith.index_cast %while3A_42 : i32 to index
      %swap3A_60 = arith.constant 0 : index
      %swap3A_61 = vector.load %arg5[%swap3A_59, %swap3A_60] : memref<640x8xi32, #tpu.memory_space<vmem>>, vector<1x8xi32>
      tpu.vector_store %arg5[%swap3A_59, %swap3A_60], %broadcast_in_dim3A_58 {strides = array<i32>} : memref<640x8xi32, #tpu.memory_space<vmem>>, vector<1x8xi32>,
      %eq3A_62 = vector.broadcast %broadcast_in_dim3A_51 : vector<8x1xi32> to vector<8x1024xi32>
      %eq3A_63 = arith.cmpi eq, %iota3A, %eq3A_62 : vector<8x1024xi32>
      %concatenate3A_64 = tpu.concatenate %eq3A_63, %eq3A_63, %eq3A_63 in 0 : vector<8x1024xi1>, vector<8x1024xi1>, vector<8x1024xi1> -> vector<24x1024xi1>
      %broadcast_in_dim3A_65 = vector.broadcast %while3A_30 : f32 to vector<24x1024xf32>
      %select_n3A_66 = arith.select %concatenate3A_64, %concatenate3A, %broadcast_in_dim3A_65 : vector<24x1024xi1>, vector<24x1024xf32>
      %reduce_max3A_67 = arith.constant dense<0xFF800000> : vector<24xf32>
      %reduce_max3A_68 = vector.multi_reduction <maximumf>, %select_n3A_66, %reduce_max3A_67 [1] : vector<24x1024xf32> to vector<24xf32>
      %broadcast_in_dim3A_69 = vector.shape_cast %reduce_max3A_68 : vector<24xf32> to vector<24x1xf32>
      %slice3A_70 = vector.extract_strided_slice %broadcast_in_dim3A_69 {offsets = [0, 0], sizes = [8, 1], strides = [1, 1]} : vector<24x1xf32> to vector<8x1xf32>
      %slice3A_71 = vector.extract_strided_slice %broadcast_in_dim3A_69 {offsets = [8, 0], sizes = [8, 1], strides = [1, 1]} : vector<24x1xf32> to vector<8x1xf32>
      %slice3A_72 = vector.extract_strided_slice %broadcast_in_dim3A_69 {offsets = [16, 0], sizes = [8, 1], strides = [1, 1]} : vector<24x1xf32> to vector<8x1xf32>
      %sub3A_73 = vector.broadcast %slice3A_70 : vector<8x1xf32> to vector<8x1024xf32>
      %sub3A_74 = arith.subf %get3A_1, %sub3A_73 : vector<8x1024xf32>
      %sub3A_75 = vector.broadcast %slice3A_71 : vector<8x1xf32> to vector<8x1024xf32>
      %sub3A_76 = arith.subf %get3A_4, %sub3A_75 : vector<8x1024xf32>
      %sub3A_77 = vector.broadcast %slice3A_72 : vector<8x1xf32> to vector<8x1024xf32>
      %sub3A_78 = arith.subf %get3A_7, %sub3A_77 : vector<8x1024xf32>
      %mul3A_79 = arith.mulf %sub3A_74, %sub3A_74 : vector<8x1024xf32>
      %mul3A_80 = arith.mulf %sub3A_76, %sub3A_76 : vector<8x1024xf32>
      %add3A_81 = arith.addf %mul3A_79, %mul3A_80 : vector<8x1024xf32>
      %mul3A_82 = arith.mulf %sub3A_78, %sub3A_78 : vector<8x1024xf32>
      %add3A_83 = arith.addf %add3A_81, %mul3A_82 : vector<8x1024xf32>
      %min3A = arith.minimumf %while3A_43, %add3A_83 : vector<8x1024xf32>
      scf.yield %min3A : vector<8x1024xf32>
    }
    return
  }
}

module attributes {stable_mosaic.version = 14 : i64} {
  func.func @_layer_kernel(%arg0: i32, %arg1: memref<256x80xf32, #tpu.memory_space<vmem>>, %arg2: memref<4x256x80xf32, #tpu.memory_space<vmem>>, %arg3: memref<80x64xf32, #tpu.memory_space<vmem>>, %arg4: memref<80x64xf32, #tpu.memory_space<vmem>>, %arg5: memref<1x64xf32, #tpu.memory_space<vmem>>, %arg6: memref<64x64xf32, #tpu.memory_space<vmem>>, %arg7: memref<1x64xf32, #tpu.memory_space<vmem>>, %arg8: memref<256x64xf32, #tpu.memory_space<vmem>>) attributes {dimension_semantics = [#tpu.dimension_semantics<arbitrary>], iteration_bounds = array<i64: 20>, scalar_prefetch = 0 : i64, scratch_operands = 0 : i64, tpu.core_type = #tpu.core_type<tc>, window_params = [{transform_indices = @transform_0, window_bounds = array<i64: 256, 80>}, {transform_indices = @transform_1, window_bounds = array<i64: 4, 256, 80>}, {pipeline_mode = #tpu.pipeline_mode<synchronous>, transform_indices = @transform_2, window_bounds = array<i64: 80, 64>}, {pipeline_mode = #tpu.pipeline_mode<synchronous>, transform_indices = @transform_3, window_bounds = array<i64: 80, 64>}, {pipeline_mode = #tpu.pipeline_mode<synchronous>, transform_indices = @transform_4, window_bounds = array<i64: 1, 64>}, {pipeline_mode = #tpu.pipeline_mode<synchronous>, transform_indices = @transform_5, window_bounds = array<i64: 64, 64>}, {pipeline_mode = #tpu.pipeline_mode<synchronous>, transform_indices = @transform_6, window_bounds = array<i64: 1, 64>}, {transform_indices = @transform_7, window_bounds = array<i64: 256, 64>}]} {
    %get3A = arith.constant 0 : index
    %get3A_0 = arith.constant 0 : index
    %get3A_1 = vector.load %arg1[%get3A, %get3A_0] : memref<256x80xf32, #tpu.memory_space<vmem>>, vector<256x80xf32>
    %get3A_2 = arith.constant 0 : index
    %get3A_3 = arith.constant 0 : index
    %get3A_4 = vector.load %arg3[%get3A_2, %get3A_3] : memref<80x64xf32, #tpu.memory_space<vmem>>, vector<80x64xf32>
    %dot_general3A = arith.constant dense<0.000000e+00> : vector<256x64xf32>
    %dot_general3A_5 = tpu.matmul %get3A_1, %get3A_4, %dot_general3A {dimension_numbers = #tpu.dot_dimension_numbers<[1], [0], [0], [1], [0, 0, 1, 1], [], []>, transpose_lhs_hint = false} : vector<256x80xf32>, vector<80x64xf32>, vector<256x64xf32> -> vector<256x64xf32>
    %get3A_6 = arith.constant 0 : index
    %get3A_7 = arith.constant 0 : index
    %get3A_8 = vector.load %arg5[%get3A_6, %get3A_7] : memref<1x64xf32, #tpu.memory_space<vmem>>, vector<1x64xf32>
    %add3A = vector.broadcast %get3A_8 : vector<1x64xf32> to vector<256x64xf32>
    %add3A_9 = arith.addf %dot_general3A_5, %add3A : vector<256x64xf32>
    %get3A_10 = arith.constant 0 : index
    %get3A_11 = arith.constant 0 : index
    %get3A_12 = vector.load %arg6[%get3A_10, %get3A_11] : memref<64x64xf32, #tpu.memory_space<vmem>>, vector<64x64xf32>
    %get3A_13 = arith.constant 0 : index
    %get3A_14 = arith.constant 0 : index
    %get3A_15 = vector.load %arg7[%get3A_13, %get3A_14] : memref<1x64xf32, #tpu.memory_space<vmem>>, vector<1x64xf32>
    %get3A_16 = arith.constant 0 : index
    %get3A_17 = arith.constant 0 : index
    %get3A_18 = arith.constant 0 : index
    %get3A_19 = vector.load %arg2[%get3A_16, %get3A_17, %get3A_18] : memref<4x256x80xf32, #tpu.memory_space<vmem>>, vector<1x256x80xf32>
    %get3A_20 = vector.shape_cast %get3A_19 : vector<1x256x80xf32> to vector<256x80xf32>
    %get3A_21 = arith.constant 0 : index
    %get3A_22 = arith.constant 0 : index
    %get3A_23 = vector.load %arg4[%get3A_21, %get3A_22] : memref<80x64xf32, #tpu.memory_space<vmem>>, vector<80x64xf32>
    %dot_general3A_24 = arith.constant dense<0.000000e+00> : vector<256x64xf32>
    %dot_general3A_25 = tpu.matmul %get3A_20, %get3A_23, %dot_general3A_24 {dimension_numbers = #tpu.dot_dimension_numbers<[1], [0], [0], [1], [0, 0, 1, 1], [], []>, transpose_lhs_hint = false} : vector<256x80xf32>, vector<80x64xf32>, vector<256x64xf32> -> vector<256x64xf32>
    %add3A_26 = arith.addf %add3A_9, %dot_general3A_25 : vector<256x64xf32>
    %max3A = arith.constant 0.000000e+00 : f32
    %max3A_27 = vector.broadcast %max3A : f32 to vector<256x64xf32>
    %max3A_28 = arith.maximumf %add3A_26, %max3A_27 : vector<256x64xf32>
    %dot_general3A_29 = arith.constant dense<0.000000e+00> : vector<256x64xf32>
    %dot_general3A_30 = tpu.matmul %max3A_28, %get3A_12, %dot_general3A_29 {dimension_numbers = #tpu.dot_dimension_numbers<[1], [0], [0], [1], [0, 0, 1, 1], [], []>, transpose_lhs_hint = false} : vector<256x64xf32>, vector<64x64xf32>, vector<256x64xf32> -> vector<256x64xf32>
    %add3A_31 = vector.broadcast %get3A_15 : vector<1x64xf32> to vector<256x64xf32>
    %add3A_32 = arith.addf %dot_general3A_30, %add3A_31 : vector<256x64xf32>
    %get3A_33 = arith.constant 1 : index
    %get3A_34 = arith.constant 0 : index
    %get3A_35 = arith.constant 0 : index
    %get3A_36 = vector.load %arg2[%get3A_33, %get3A_34, %get3A_35] : memref<4x256x80xf32, #tpu.memory_space<vmem>>, vector<1x256x80xf32>
    %get3A_37 = vector.shape_cast %get3A_36 : vector<1x256x80xf32> to vector<256x80xf32>
    %get3A_38 = arith.constant 0 : index
    %get3A_39 = arith.constant 0 : index
    %get3A_40 = vector.load %arg4[%get3A_38, %get3A_39] : memref<80x64xf32, #tpu.memory_space<vmem>>, vector<80x64xf32>
    %dot_general3A_41 = arith.constant dense<0.000000e+00> : vector<256x64xf32>
    %dot_general3A_42 = tpu.matmul %get3A_37, %get3A_40, %dot_general3A_41 {dimension_numbers = #tpu.dot_dimension_numbers<[1], [0], [0], [1], [0, 0, 1, 1], [], []>, transpose_lhs_hint = false} : vector<256x80xf32>, vector<80x64xf32>, vector<256x64xf32> -> vector<256x64xf32>
    %add3A_43 = arith.addf %add3A_9, %dot_general3A_42 : vector<256x64xf32>
    %max3A_44 = arith.constant 0.000000e+00 : f32
    %max3A_45 = vector.broadcast %max3A_44 : f32 to vector<256x64xf32>
    %max3A_46 = arith.maximumf %add3A_43, %max3A_45 : vector<256x64xf32>
    %dot_general3A_47 = arith.constant dense<0.000000e+00> : vector<256x64xf32>
    %dot_general3A_48 = tpu.matmul %max3A_46, %get3A_12, %dot_general3A_47 {dimension_numbers = #tpu.dot_dimension_numbers<[1], [0], [0], [1], [0, 0, 1, 1], [], []>, transpose_lhs_hint = false} : vector<256x64xf32>, vector<64x64xf32>, vector<256x64xf32> -> vector<256x64xf32>
    %add3A_49 = vector.broadcast %get3A_15 : vector<1x64xf32> to vector<256x64xf32>
    %add3A_50 = arith.addf %dot_general3A_48, %add3A_49 : vector<256x64xf32>
    %max3A_51 = arith.maximumf %add3A_32, %add3A_50 : vector<256x64xf32>
    %get3A_52 = arith.constant 2 : index
    %get3A_53 = arith.constant 0 : index
    %get3A_54 = arith.constant 0 : index
    %get3A_55 = vector.load %arg2[%get3A_52, %get3A_53, %get3A_54] : memref<4x256x80xf32, #tpu.memory_space<vmem>>, vector<1x256x80xf32>
    %get3A_56 = vector.shape_cast %get3A_55 : vector<1x256x80xf32> to vector<256x80xf32>
    %get3A_57 = arith.constant 0 : index
    %get3A_58 = arith.constant 0 : index
    %get3A_59 = vector.load %arg4[%get3A_57, %get3A_58] : memref<80x64xf32, #tpu.memory_space<vmem>>, vector<80x64xf32>
    %dot_general3A_60 = arith.constant dense<0.000000e+00> : vector<256x64xf32>
    %dot_general3A_61 = tpu.matmul %get3A_56, %get3A_59, %dot_general3A_60 {dimension_numbers = #tpu.dot_dimension_numbers<[1], [0], [0], [1], [0, 0, 1, 1], [], []>, transpose_lhs_hint = false} : vector<256x80xf32>, vector<80x64xf32>, vector<256x64xf32> -> vector<256x64xf32>
    %add3A_62 = arith.addf %add3A_9, %dot_general3A_61 : vector<256x64xf32>
    %max3A_63 = arith.constant 0.000000e+00 : f32
    %max3A_64 = vector.broadcast %max3A_63 : f32 to vector<256x64xf32>
    %max3A_65 = arith.maximumf %add3A_62, %max3A_64 : vector<256x64xf32>
    %dot_general3A_66 = arith.constant dense<0.000000e+00> : vector<256x64xf32>
    %dot_general3A_67 = tpu.matmul %max3A_65, %get3A_12, %dot_general3A_66 {dimension_numbers = #tpu.dot_dimension_numbers<[1], [0], [0], [1], [0, 0, 1, 1], [], []>, transpose_lhs_hint = false} : vector<256x64xf32>, vector<64x64xf32>, vector<256x64xf32> -> vector<256x64xf32>
    %add3A_68 = vector.broadcast %get3A_15 : vector<1x64xf32> to vector<256x64xf32>
    %add3A_69 = arith.addf %dot_general3A_67, %add3A_68 : vector<256x64xf32>
    %max3A_70 = arith.maximumf %max3A_51, %add3A_69 : vector<256x64xf32>
    %get3A_71 = arith.constant 3 : index
    %get3A_72 = arith.constant 0 : index
    %get3A_73 = arith.constant 0 : index
    %get3A_74 = vector.load %arg2[%get3A_71, %get3A_72, %get3A_73] : memref<4x256x80xf32, #tpu.memory_space<vmem>>, vector<1x256x80xf32>
    %get3A_75 = vector.shape_cast %get3A_74 : vector<1x256x80xf32> to vector<256x80xf32>
    %get3A_76 = arith.constant 0 : index
    %get3A_77 = arith.constant 0 : index
    %get3A_78 = vector.load %arg4[%get3A_76, %get3A_77] : memref<80x64xf32, #tpu.memory_space<vmem>>, vector<80x64xf32>
    %dot_general3A_79 = arith.constant dense<0.000000e+00> : vector<256x64xf32>
    %dot_general3A_80 = tpu.matmul %get3A_75, %get3A_78, %dot_general3A_79 {dimension_numbers = #tpu.dot_dimension_numbers<[1], [0], [0], [1], [0, 0, 1, 1], [], []>, transpose_lhs_hint = false} : vector<256x80xf32>, vector<80x64xf32>, vector<256x64xf32> -> vector<256x64xf32>
    %add3A_81 = arith.addf %add3A_9, %dot_general3A_80 : vector<256x64xf32>
    %max3A_82 = arith.constant 0.000000e+00 : f32
    %max3A_83 = vector.broadcast %max3A_82 : f32 to vector<256x64xf32>
    %max3A_84 = arith.maximumf %add3A_81, %max3A_83 : vector<256x64xf32>
    %dot_general3A_85 = arith.constant dense<0.000000e+00> : vector<256x64xf32>
    %dot_general3A_86 = tpu.matmul %max3A_84, %get3A_12, %dot_general3A_85 {dimension_numbers = #tpu.dot_dimension_numbers<[1], [0], [0], [1], [0, 0, 1, 1], [], []>, transpose_lhs_hint = false} : vector<256x64xf32>, vector<64x64xf32>, vector<256x64xf32> -> vector<256x64xf32>
    %add3A_87 = vector.broadcast %get3A_15 : vector<1x64xf32> to vector<256x64xf32>
    %add3A_88 = arith.addf %dot_general3A_86, %add3A_87 : vector<256x64xf32>
    %max3A_89 = arith.maximumf %max3A_70, %add3A_88 : vector<256x64xf32>
    %max3A_90 = arith.constant 0.000000e+00 : f32
    %max3A_91 = vector.broadcast %max3A_90 : f32 to vector<256x64xf32>
    %max3A_92 = arith.maximumf %max3A_89, %max3A_91 : vector<256x64xf32>
    %swap3A = arith.constant 0 : index
    %swap3A_93 = arith.constant 0 : index
    %swap3A_94 = vector.load %arg8[%swap3A, %swap3A_93] : memref<256x64xf32, #tpu.memory_space<vmem>>, vector<256x64xf32>
    tpu.vector_store %arg8[%swap3A, %swap3A_93], %max3A_92 {strides = array<i32>} : memref<256x64xf32, #tpu.memory_space<vmem>>, vector<256x64xf32>,
    return
  }
  func.func @transform_0(%arg0: i32) -> (i32, i32) {
    %c0_i32 = arith.constant 0 : i32
    %c0_i32_0 = arith.constant 0 : i32
    return %arg0, %c0_i32 : i32, i32
  }
  func.func @transform_1(%arg0: i32) -> (i32, i32, i32) {
    %c0_i32 = arith.constant 0 : i32
    %c0_i32_0 = arith.constant 0 : i32
    %c0_i32_1 = arith.constant 0 : i32
    return %c0_i32, %arg0, %c0_i32_0 : i32, i32, i32
  }
  func.func @transform_2(%arg0: i32) -> (i32, i32) {
    %c0_i32 = arith.constant 0 : i32
    %c0_i32_0 = arith.constant 0 : i32
    %c0_i32_1 = arith.constant 0 : i32
    return %c0_i32, %c0_i32_0 : i32, i32
  }
  func.func @transform_3(%arg0: i32) -> (i32, i32) {
    %c0_i32 = arith.constant 0 : i32
    %c0_i32_0 = arith.constant 0 : i32
    %c0_i32_1 = arith.constant 0 : i32
    return %c0_i32, %c0_i32_0 : i32, i32
  }
  func.func @transform_4(%arg0: i32) -> (i32, i32) {
    %c0_i32 = arith.constant 0 : i32
    %c0_i32_0 = arith.constant 0 : i32
    %c0_i32_1 = arith.constant 0 : i32
    return %c0_i32, %c0_i32_0 : i32, i32
  }
  func.func @transform_5(%arg0: i32) -> (i32, i32) {
    %c0_i32 = arith.constant 0 : i32
    %c0_i32_0 = arith.constant 0 : i32
    %c0_i32_1 = arith.constant 0 : i32
    return %c0_i32, %c0_i32_0 : i32, i32
  }
  func.func @transform_6(%arg0: i32) -> (i32, i32) {
    %c0_i32 = arith.constant 0 : i32
    %c0_i32_0 = arith.constant 0 : i32
    %c0_i32_1 = arith.constant 0 : i32
    return %c0_i32, %c0_i32_0 : i32, i32
  }
  func.func @transform_7(%arg0: i32) -> (i32, i32) {
    %c0_i32 = arith.constant 0 : i32
    %c0_i32_0 = arith.constant 0 : i32
    return %arg0, %c0_i32 : i32, i32
  }
}

module attributes {stable_mosaic.version = 14 : i64} {
  func.func @_knn_kernel(%arg0: i32, %arg1: memref<256x4xf32, #tpu.memory_space<vmem>>, %arg2: memref<256x1xi32, #tpu.memory_space<vmem>>, %arg3: memref<4x2560xf32, #tpu.memory_space<vmem>>, %arg4: memref<1x2560xi32, #tpu.memory_space<vmem>>, %arg5: memref<256x8xi32, #tpu.memory_space<vmem>>) attributes {dimension_semantics = [#tpu.dimension_semantics<arbitrary>], iteration_bounds = array<i64: 10>, scalar_prefetch = 0 : i64, scratch_operands = 0 : i64, tpu.core_type = #tpu.core_type<tc>, window_params = [{transform_indices = @transform_0, window_bounds = array<i64: 256, 4>}, {transform_indices = @transform_1, window_bounds = array<i64: 256, 1>}, {pipeline_mode = #tpu.pipeline_mode<synchronous>, transform_indices = @transform_2, window_bounds = array<i64: 4, 2560>}, {pipeline_mode = #tpu.pipeline_mode<synchronous>, transform_indices = @transform_3, window_bounds = array<i64: 1, 2560>}, {transform_indices = @transform_4, window_bounds = array<i64: 256, 8>}]} {
    %iota3A = tpu.iota {dimensions = array<i32: 1>} : vector<256x2560xi32>
    %get3A = arith.constant 0 : index
    %get3A_0 = arith.constant 0 : index
    %get3A_1 = vector.load %arg1[%get3A, %get3A_0] : memref<256x4xf32, #tpu.memory_space<vmem>>, vector<256x1xf32>
    %get3A_2 = arith.constant 0 : index
    %get3A_3 = arith.constant 0 : index
    %get3A_4 = vector.load %arg3[%get3A_2, %get3A_3] : memref<4x2560xf32, #tpu.memory_space<vmem>>, vector<1x2560xf32>
    %sub3A = vector.broadcast %get3A_1 : vector<256x1xf32> to vector<256x2560xf32>
    %sub3A_5 = vector.broadcast %get3A_4 : vector<1x2560xf32> to vector<256x2560xf32>
    %sub3A_6 = arith.subf %sub3A, %sub3A_5 : vector<256x2560xf32>
    %mul3A = arith.mulf %sub3A_6, %sub3A_6 : vector<256x2560xf32>
    %get3A_7 = arith.constant 0 : index
    %get3A_8 = arith.constant 1 : index
    %get3A_9 = vector.load %arg1[%get3A_7, %get3A_8] : memref<256x4xf32, #tpu.memory_space<vmem>>, vector<256x1xf32>
    %get3A_10 = arith.constant 1 : index
    %get3A_11 = arith.constant 0 : index
    %get3A_12 = vector.load %arg3[%get3A_10, %get3A_11] : memref<4x2560xf32, #tpu.memory_space<vmem>>, vector<1x2560xf32>
    %sub3A_13 = vector.broadcast %get3A_9 : vector<256x1xf32> to vector<256x2560xf32>
    %sub3A_14 = vector.broadcast %get3A_12 : vector<1x2560xf32> to vector<256x2560xf32>
    %sub3A_15 = arith.subf %sub3A_13, %sub3A_14 : vector<256x2560xf32>
    %mul3A_16 = arith.mulf %sub3A_15, %sub3A_15 : vector<256x2560xf32>
    %add3A = arith.addf %mul3A, %mul3A_16 : vector<256x2560xf32>
    %get3A_17 = arith.constant 0 : index
    %get3A_18 = arith.constant 2 : index
    %get3A_19 = vector.load %arg1[%get3A_17, %get3A_18] : memref<256x4xf32, #tpu.memory_space<vmem>>, vector<256x1xf32>
    %get3A_20 = arith.constant 2 : index
    %get3A_21 = arith.constant 0 : index
    %get3A_22 = vector.load %arg3[%get3A_20, %get3A_21] : memref<4x2560xf32, #tpu.memory_space<vmem>>, vector<1x2560xf32>
    %sub3A_23 = vector.broadcast %get3A_19 : vector<256x1xf32> to vector<256x2560xf32>
    %sub3A_24 = vector.broadcast %get3A_22 : vector<1x2560xf32> to vector<256x2560xf32>
    %sub3A_25 = arith.subf %sub3A_23, %sub3A_24 : vector<256x2560xf32>
    %mul3A_26 = arith.mulf %sub3A_25, %sub3A_25 : vector<256x2560xf32>
    %add3A_27 = arith.addf %add3A, %mul3A_26 : vector<256x2560xf32>
    %get3A_28 = arith.constant 0 : index
    %get3A_29 = arith.constant 0 : index
    %get3A_30 = vector.load %arg2[%get3A_28, %get3A_29] : memref<256x1xi32, #tpu.memory_space<vmem>>, vector<256x1xi32>
    %get3A_31 = arith.constant 0 : index
    %get3A_32 = arith.constant 0 : index
    %get3A_33 = vector.load %arg4[%get3A_31, %get3A_32] : memref<1x2560xi32, #tpu.memory_space<vmem>>, vector<1x2560xi32>
    %eq3A = vector.broadcast %get3A_30 : vector<256x1xi32> to vector<256x2560xi32>
    %eq3A_34 = vector.broadcast %get3A_33 : vector<1x2560xi32> to vector<256x2560xi32>
    %eq3A_35 = arith.cmpi eq, %eq3A, %eq3A_34 : vector<256x2560xi32>
    %jit3A = arith.constant 3.000000e+38 : f32
    %broadcast_in_dim3A = vector.broadcast %jit3A : f32 to vector<256x2560xf32>
    %select_n3A = arith.select %eq3A_35, %add3A_27, %broadcast_in_dim3A : vector<256x2560xi1>, vector<256x2560xf32>
    %reduce_min3A = arith.constant dense<0x7F800000> : vector<256xf32>
    %reduce_min3A_36 = vector.multi_reduction <minimumf>, %select_n3A, %reduce_min3A [1] : vector<256x2560xf32> to vector<256xf32>
    %broadcast_in_dim3A_37 = vector.shape_cast %reduce_min3A_36 : vector<256xf32> to vector<256x1xf32>
    %eq3A_38 = vector.broadcast %broadcast_in_dim3A_37 : vector<256x1xf32> to vector<256x2560xf32>
    %eq3A_39 = arith.cmpf oeq, %select_n3A, %eq3A_38 : vector<256x2560xf32>
    %jit3A_40 = arith.constant 1073741824 : i32
    %broadcast_in_dim3A_41 = vector.broadcast %jit3A_40 : i32 to vector<256x2560xi32>
    %select_n3A_42 = arith.select %eq3A_39, %iota3A, %broadcast_in_dim3A_41 : vector<256x2560xi1>, vector<256x2560xi32>
    %reduce_min3A_43 = arith.constant dense<2147483647> : vector<256xi32>
    %reduce_min3A_44 = vector.multi_reduction <minsi>, %select_n3A_42, %reduce_min3A_43 [1] : vector<256x2560xi32> to vector<256xi32>
    %broadcast_in_dim3A_45 = vector.shape_cast %reduce_min3A_44 : vector<256xi32> to vector<256x1xi32>
    %swap3A = arith.constant 0 : index
    %swap3A_46 = arith.constant 0 : index
    %swap3A_47 = vector.load %arg5[%swap3A, %swap3A_46] : memref<256x8xi32, #tpu.memory_space<vmem>>, vector<256x1xi32>
    tpu.vector_store %arg5[%swap3A, %swap3A_46], %broadcast_in_dim3A_45 {strides = array<i32>} : memref<256x8xi32, #tpu.memory_space<vmem>>, vector<256x1xi32>,
    %eq3A_48 = vector.broadcast %broadcast_in_dim3A_45 : vector<256x1xi32> to vector<256x2560xi32>
    %eq3A_49 = arith.cmpi eq, %iota3A, %eq3A_48 : vector<256x2560xi32>
    %jit3A_50 = arith.constant 0x7F800000 : f32
    %broadcast_in_dim3A_51 = vector.broadcast %jit3A_50 : f32 to vector<256x2560xf32>
    %select_n3A_52 = arith.select %eq3A_49, %broadcast_in_dim3A_51, %select_n3A : vector<256x2560xi1>, vector<256x2560xf32>
    %reduce_min3A_53 = arith.constant dense<0x7F800000> : vector<256xf32>
    %reduce_min3A_54 = vector.multi_reduction <minimumf>, %select_n3A_52, %reduce_min3A_53 [1] : vector<256x2560xf32> to vector<256xf32>
    %broadcast_in_dim3A_55 = vector.shape_cast %reduce_min3A_54 : vector<256xf32> to vector<256x1xf32>
    %eq3A_56 = vector.broadcast %broadcast_in_dim3A_55 : vector<256x1xf32> to vector<256x2560xf32>
    %eq3A_57 = arith.cmpf oeq, %select_n3A_52, %eq3A_56 : vector<256x2560xf32>
    %jit3A_58 = arith.constant 1073741824 : i32
    %broadcast_in_dim3A_59 = vector.broadcast %jit3A_58 : i32 to vector<256x2560xi32>
    %select_n3A_60 = arith.select %eq3A_57, %iota3A, %broadcast_in_dim3A_59 : vector<256x2560xi1>, vector<256x2560xi32>
    %reduce_min3A_61 = arith.constant dense<2147483647> : vector<256xi32>
    %reduce_min3A_62 = vector.multi_reduction <minsi>, %select_n3A_60, %reduce_min3A_61 [1] : vector<256x2560xi32> to vector<256xi32>
    %broadcast_in_dim3A_63 = vector.shape_cast %reduce_min3A_62 : vector<256xi32> to vector<256x1xi32>
    %swap3A_64 = arith.constant 0 : index
    %swap3A_65 = arith.constant 1 : index
    %swap3A_66 = vector.load %arg5[%swap3A_64, %swap3A_65] : memref<256x8xi32, #tpu.memory_space<vmem>>, vector<256x1xi32>
    tpu.vector_store %arg5[%swap3A_64, %swap3A_65], %broadcast_in_dim3A_63 {strides = array<i32>} : memref<256x8xi32, #tpu.memory_space<vmem>>, vector<256x1xi32>,
    %eq3A_67 = vector.broadcast %broadcast_in_dim3A_63 : vector<256x1xi32> to vector<256x2560xi32>
    %eq3A_68 = arith.cmpi eq, %iota3A, %eq3A_67 : vector<256x2560xi32>
    %jit3A_69 = arith.constant 0x7F800000 : f32
    %broadcast_in_dim3A_70 = vector.broadcast %jit3A_69 : f32 to vector<256x2560xf32>
    %select_n3A_71 = arith.select %eq3A_68, %broadcast_in_dim3A_70, %select_n3A_52 : vector<256x2560xi1>, vector<256x2560xf32>
    %reduce_min3A_72 = arith.constant dense<0x7F800000> : vector<256xf32>
    %reduce_min3A_73 = vector.multi_reduction <minimumf>, %select_n3A_71, %reduce_min3A_72 [1] : vector<256x2560xf32> to vector<256xf32>
    %broadcast_in_dim3A_74 = vector.shape_cast %reduce_min3A_73 : vector<256xf32> to vector<256x1xf32>
    %eq3A_75 = vector.broadcast %broadcast_in_dim3A_74 : vector<256x1xf32> to vector<256x2560xf32>
    %eq3A_76 = arith.cmpf oeq, %select_n3A_71, %eq3A_75 : vector<256x2560xf32>
    %jit3A_77 = arith.constant 1073741824 : i32
    %broadcast_in_dim3A_78 = vector.broadcast %jit3A_77 : i32 to vector<256x2560xi32>
    %select_n3A_79 = arith.select %eq3A_76, %iota3A, %broadcast_in_dim3A_78 : vector<256x2560xi1>, vector<256x2560xi32>
    %reduce_min3A_80 = arith.constant dense<2147483647> : vector<256xi32>
    %reduce_min3A_81 = vector.multi_reduction <minsi>, %select_n3A_79, %reduce_min3A_80 [1] : vector<256x2560xi32> to vector<256xi32>
    %broadcast_in_dim3A_82 = vector.shape_cast %reduce_min3A_81 : vector<256xi32> to vector<256x1xi32>
    %swap3A_83 = arith.constant 0 : index
    %swap3A_84 = arith.constant 2 : index
    %swap3A_85 = vector.load %arg5[%swap3A_83, %swap3A_84] : memref<256x8xi32, #tpu.memory_space<vmem>>, vector<256x1xi32>
    tpu.vector_store %arg5[%swap3A_83, %swap3A_84], %broadcast_in_dim3A_82 {strides = array<i32>} : memref<256x8xi32, #tpu.memory_space<vmem>>, vector<256x1xi32>,
    return
  }
  func.func @transform_0(%arg0: i32) -> (i32, i32) {
    %c0_i32 = arith.constant 0 : i32
    %c0_i32_0 = arith.constant 0 : i32
    return %arg0, %c0_i32 : i32, i32
  }
  func.func @transform_1(%arg0: i32) -> (i32, i32) {
    %c0_i32 = arith.constant 0 : i32
    %c0_i32_0 = arith.constant 0 : i32
    return %arg0, %c0_i32 : i32, i32
  }
  func.func @transform_2(%arg0: i32) -> (i32, i32) {
    %c0_i32 = arith.constant 0 : i32
    %c0_i32_0 = arith.constant 0 : i32
    %c0_i32_1 = arith.constant 0 : i32
    return %c0_i32, %c0_i32_0 : i32, i32
  }
  func.func @transform_3(%arg0: i32) -> (i32, i32) {
    %c0_i32 = arith.constant 0 : i32
    %c0_i32_0 = arith.constant 0 : i32
    %c0_i32_1 = arith.constant 0 : i32
    return %c0_i32, %c0_i32_0 : i32, i32
  }
  func.func @transform_4(%arg0: i32) -> (i32, i32) {
    %c0_i32 = arith.constant 0 : i32
    %c0_i32_0 = arith.constant 0 : i32
    return %arg0, %c0_i32 : i32, i32
  }
}

module attributes {stable_mosaic.version = 14 : i64} {
  func.func @_knn_win_kernel(%arg0: i32, %arg1: memref<10xi32, #tpu.memory_space<smem>>, %arg2: memref<256x4xf32, #tpu.memory_space<vmem>>, %arg3: memref<256x1xi32, #tpu.memory_space<vmem>>, %arg4: memref<1x4x1024xf32, #tpu.memory_space<vmem>>, %arg5: memref<1x1x1024xi32, #tpu.memory_space<vmem>>, %arg6: memref<256x8xi32, #tpu.memory_space<vmem>>) attributes {dimension_semantics = [#tpu.dimension_semantics<arbitrary>], iteration_bounds = array<i64: 10>, scalar_prefetch = 0 : i64, scratch_operands = 0 : i64, tpu.core_type = #tpu.core_type<tc>, window_params = [{transform_indices = @transform_0, window_bounds = array<i64: 10>}, {transform_indices = @transform_1, window_bounds = array<i64: 256, 4>}, {transform_indices = @transform_2, window_bounds = array<i64: 256, 1>}, {transform_indices = @transform_3, window_bounds = array<i64: 1, 4, 1024>}, {transform_indices = @transform_4, window_bounds = array<i64: 1, 1, 1024>}, {transform_indices = @transform_5, window_bounds = array<i64: 256, 8>}]} {
    %get3A = arith.index_cast %arg0 : i32 to index
    %get3A_0 = memref.load %arg1[%get3A] : memref<10xi32, #tpu.memory_space<smem>>
    %iota3A = tpu.iota {dimensions = array<i32: 1>} : vector<256x1024xi32>
    %get3A_1 = arith.constant 0 : index
    %get3A_2 = arith.constant 0 : index
    %get3A_3 = arith.constant 0 : index
    %get3A_4 = vector.load %arg4[%get3A_1, %get3A_2, %get3A_3] : memref<1x4x1024xf32, #tpu.memory_space<vmem>>, vector<1x4x1024xf32>
    %get3A_5 = vector.shape_cast %get3A_4 : vector<1x4x1024xf32> to vector<4x1024xf32>
    %get3A_6 = arith.constant 0 : index
    %get3A_7 = arith.constant 0 : index
    %get3A_8 = vector.load %arg2[%get3A_6, %get3A_7] : memref<256x4xf32, #tpu.memory_space<vmem>>, vector<256x1xf32>
    %slice3A = vector.extract_strided_slice %get3A_5 {offsets = [0, 0], sizes = [1, 1024], strides = [1, 1]} : vector<4x1024xf32> to vector<1x1024xf32>
    %sub3A = vector.broadcast %get3A_8 : vector<256x1xf32> to vector<256x1024xf32>
    %sub3A_9 = vector.broadcast %slice3A : vector<1x1024xf32> to vector<256x1024xf32>
    %sub3A_10 = arith.subf %sub3A, %sub3A_9 : vector<256x1024xf32>
    %mul3A = arith.mulf %sub3A_10, %sub3A_10 : vector<256x1024xf32>
    %get3A_11 = arith.constant 0 : index
    %get3A_12 = arith.constant 1 : index
    %get3A_13 = vector.load %arg2[%get3A_11, %get3A_12] : memref<256x4xf32, #tpu.memory_space<vmem>>, vector<256x1xf32>
    %slice3A_14 = vector.extract_strided_slice %get3A_5 {offsets = [1, 0], sizes = [1, 1024], strides = [1, 1]} : vector<4x1024xf32> to vector<1x1024xf32>
    %sub3A_15 = vector.broadcast %get3A_13 : vector<256x1xf32> to vector<256x1024xf32>
    %sub3A_16 = vector.broadcast %slice3A_14 : vector<1x1024xf32> to vector<256x1024xf32>
    %sub3A_17 = arith.subf %sub3A_15, %sub3A_16 : vector<256x1024xf32>
    %mul3A_18 = arith.mulf %sub3A_17, %sub3A_17 : vector<256x1024xf32>
    %add3A = arith.addf %mul3A, %mul3A_18 : vector<256x1024xf32>
    %get3A_19 = arith.constant 0 : index
    %get3A_20 = arith.constant 2 : index
    %get3A_21 = vector.load %arg2[%get3A_19, %get3A_20] : memref<256x4xf32, #tpu.memory_space<vmem>>, vector<256x1xf32>
    %slice3A_22 = vector.extract_strided_slice %get3A_5 {offsets = [2, 0], sizes = [1, 1024], strides = [1, 1]} : vector<4x1024xf32> to vector<1x1024xf32>
    %sub3A_23 = vector.broadcast %get3A_21 : vector<256x1xf32> to vector<256x1024xf32>
    %sub3A_24 = vector.broadcast %slice3A_22 : vector<1x1024xf32> to vector<256x1024xf32>
    %sub3A_25 = arith.subf %sub3A_23, %sub3A_24 : vector<256x1024xf32>
    %mul3A_26 = arith.mulf %sub3A_25, %sub3A_25 : vector<256x1024xf32>
    %add3A_27 = arith.addf %add3A, %mul3A_26 : vector<256x1024xf32>
    %get3A_28 = arith.constant 0 : index
    %get3A_29 = arith.constant 0 : index
    %get3A_30 = vector.load %arg3[%get3A_28, %get3A_29] : memref<256x1xi32, #tpu.memory_space<vmem>>, vector<256x1xi32>
    %get3A_31 = arith.constant 0 : index
    %get3A_32 = arith.constant 0 : index
    %get3A_33 = arith.constant 0 : index
    %get3A_34 = vector.load %arg5[%get3A_31, %get3A_32, %get3A_33] : memref<1x1x1024xi32, #tpu.memory_space<vmem>>, vector<1x1x1024xi32>
    %get3A_35 = vector.shape_cast %get3A_34 : vector<1x1x1024xi32> to vector<1x1024xi32>
    %eq3A = vector.broadcast %get3A_30 : vector<256x1xi32> to vector<256x1024xi32>
    %eq3A_36 = vector.broadcast %get3A_35 : vector<1x1024xi32> to vector<256x1024xi32>
    %eq3A_37 = arith.cmpi eq, %eq3A, %eq3A_36 : vector<256x1024xi32>
    %jit3A = arith.constant 3.000000e+38 : f32
    %broadcast_in_dim3A = vector.broadcast %jit3A : f32 to vector<256x1024xf32>
    %select_n3A = arith.select %eq3A_37, %add3A_27, %broadcast_in_dim3A : vector<256x1024xi1>, vector<256x1024xf32>
    %reduce_min3A = arith.constant dense<0x7F800000> : vector<256xf32>
    %reduce_min3A_38 = vector.multi_reduction <minimumf>, %select_n3A, %reduce_min3A [1] : vector<256x1024xf32> to vector<256xf32>
    %broadcast_in_dim3A_39 = vector.shape_cast %reduce_min3A_38 : vector<256xf32> to vector<256x1xf32>
    %eq3A_40 = vector.broadcast %broadcast_in_dim3A_39 : vector<256x1xf32> to vector<256x1024xf32>
    %eq3A_41 = arith.cmpf oeq, %select_n3A, %eq3A_40 : vector<256x1024xf32>
    %jit3A_42 = arith.constant 1073741824 : i32
    %broadcast_in_dim3A_43 = vector.broadcast %jit3A_42 : i32 to vector<256x1024xi32>
    %select_n3A_44 = arith.select %eq3A_41, %iota3A, %broadcast_in_dim3A_43 : vector<256x1024xi1>, vector<256x1024xi32>
    %reduce_min3A_45 = arith.constant dense<2147483647> : vector<256xi32>
    %reduce_min3A_46 = vector.multi_reduction <minsi>, %select_n3A_44, %reduce_min3A_45 [1] : vector<256x1024xi32> to vector<256xi32>
    %broadcast_in_dim3A_47 = vector.shape_cast %reduce_min3A_46 : vector<256xi32> to vector<256x1xi32>
    %add3A_48 = vector.broadcast %get3A_0 : i32 to vector<256x1xi32>
    %add3A_49 = arith.addi %broadcast_in_dim3A_47, %add3A_48 : vector<256x1xi32>
    %swap3A = arith.constant 0 : index
    %swap3A_50 = arith.constant 0 : index
    %swap3A_51 = vector.load %arg6[%swap3A, %swap3A_50] : memref<256x8xi32, #tpu.memory_space<vmem>>, vector<256x1xi32>
    tpu.vector_store %arg6[%swap3A, %swap3A_50], %add3A_49 {strides = array<i32>} : memref<256x8xi32, #tpu.memory_space<vmem>>, vector<256x1xi32>,
    %eq3A_52 = vector.broadcast %broadcast_in_dim3A_47 : vector<256x1xi32> to vector<256x1024xi32>
    %eq3A_53 = arith.cmpi eq, %iota3A, %eq3A_52 : vector<256x1024xi32>
    %jit3A_54 = arith.constant 0x7F800000 : f32
    %broadcast_in_dim3A_55 = vector.broadcast %jit3A_54 : f32 to vector<256x1024xf32>
    %select_n3A_56 = arith.select %eq3A_53, %broadcast_in_dim3A_55, %select_n3A : vector<256x1024xi1>, vector<256x1024xf32>
    %reduce_min3A_57 = arith.constant dense<0x7F800000> : vector<256xf32>
    %reduce_min3A_58 = vector.multi_reduction <minimumf>, %select_n3A_56, %reduce_min3A_57 [1] : vector<256x1024xf32> to vector<256xf32>
    %broadcast_in_dim3A_59 = vector.shape_cast %reduce_min3A_58 : vector<256xf32> to vector<256x1xf32>
    %eq3A_60 = vector.broadcast %broadcast_in_dim3A_59 : vector<256x1xf32> to vector<256x1024xf32>
    %eq3A_61 = arith.cmpf oeq, %select_n3A_56, %eq3A_60 : vector<256x1024xf32>
    %jit3A_62 = arith.constant 1073741824 : i32
    %broadcast_in_dim3A_63 = vector.broadcast %jit3A_62 : i32 to vector<256x1024xi32>
    %select_n3A_64 = arith.select %eq3A_61, %iota3A, %broadcast_in_dim3A_63 : vector<256x1024xi1>, vector<256x1024xi32>
    %reduce_min3A_65 = arith.constant dense<2147483647> : vector<256xi32>
    %reduce_min3A_66 = vector.multi_reduction <minsi>, %select_n3A_64, %reduce_min3A_65 [1] : vector<256x1024xi32> to vector<256xi32>
    %broadcast_in_dim3A_67 = vector.shape_cast %reduce_min3A_66 : vector<256xi32> to vector<256x1xi32>
    %add3A_68 = vector.broadcast %get3A_0 : i32 to vector<256x1xi32>
    %add3A_69 = arith.addi %broadcast_in_dim3A_67, %add3A_68 : vector<256x1xi32>
    %swap3A_70 = arith.constant 0 : index
    %swap3A_71 = arith.constant 1 : index
    %swap3A_72 = vector.load %arg6[%swap3A_70, %swap3A_71] : memref<256x8xi32, #tpu.memory_space<vmem>>, vector<256x1xi32>
    tpu.vector_store %arg6[%swap3A_70, %swap3A_71], %add3A_69 {strides = array<i32>} : memref<256x8xi32, #tpu.memory_space<vmem>>, vector<256x1xi32>,
    %eq3A_73 = vector.broadcast %broadcast_in_dim3A_67 : vector<256x1xi32> to vector<256x1024xi32>
    %eq3A_74 = arith.cmpi eq, %iota3A, %eq3A_73 : vector<256x1024xi32>
    %jit3A_75 = arith.constant 0x7F800000 : f32
    %broadcast_in_dim3A_76 = vector.broadcast %jit3A_75 : f32 to vector<256x1024xf32>
    %select_n3A_77 = arith.select %eq3A_74, %broadcast_in_dim3A_76, %select_n3A_56 : vector<256x1024xi1>, vector<256x1024xf32>
    %reduce_min3A_78 = arith.constant dense<0x7F800000> : vector<256xf32>
    %reduce_min3A_79 = vector.multi_reduction <minimumf>, %select_n3A_77, %reduce_min3A_78 [1] : vector<256x1024xf32> to vector<256xf32>
    %broadcast_in_dim3A_80 = vector.shape_cast %reduce_min3A_79 : vector<256xf32> to vector<256x1xf32>
    %eq3A_81 = vector.broadcast %broadcast_in_dim3A_80 : vector<256x1xf32> to vector<256x1024xf32>
    %eq3A_82 = arith.cmpf oeq, %select_n3A_77, %eq3A_81 : vector<256x1024xf32>
    %jit3A_83 = arith.constant 1073741824 : i32
    %broadcast_in_dim3A_84 = vector.broadcast %jit3A_83 : i32 to vector<256x1024xi32>
    %select_n3A_85 = arith.select %eq3A_82, %iota3A, %broadcast_in_dim3A_84 : vector<256x1024xi1>, vector<256x1024xi32>
    %reduce_min3A_86 = arith.constant dense<2147483647> : vector<256xi32>
    %reduce_min3A_87 = vector.multi_reduction <minsi>, %select_n3A_85, %reduce_min3A_86 [1] : vector<256x1024xi32> to vector<256xi32>
    %broadcast_in_dim3A_88 = vector.shape_cast %reduce_min3A_87 : vector<256xi32> to vector<256x1xi32>
    %add3A_89 = vector.broadcast %get3A_0 : i32 to vector<256x1xi32>
    %add3A_90 = arith.addi %broadcast_in_dim3A_88, %add3A_89 : vector<256x1xi32>
    %swap3A_91 = arith.constant 0 : index
    %swap3A_92 = arith.constant 2 : index
    %swap3A_93 = vector.load %arg6[%swap3A_91, %swap3A_92] : memref<256x8xi32, #tpu.memory_space<vmem>>, vector<256x1xi32>
    tpu.vector_store %arg6[%swap3A_91, %swap3A_92], %add3A_90 {strides = array<i32>} : memref<256x8xi32, #tpu.memory_space<vmem>>, vector<256x1xi32>,
    return
  }
  func.func @transform_0(%arg0: i32) -> i32 {
    %c0_i32 = arith.constant 0 : i32
    %c0_i32_0 = arith.constant 0 : i32
    return %c0_i32 : i32
  }
  func.func @transform_1(%arg0: i32) -> (i32, i32) {
    %c0_i32 = arith.constant 0 : i32
    %c0_i32_0 = arith.constant 0 : i32
    return %arg0, %c0_i32 : i32, i32
  }
  func.func @transform_2(%arg0: i32) -> (i32, i32) {
    %c0_i32 = arith.constant 0 : i32
    %c0_i32_0 = arith.constant 0 : i32
    return %arg0, %c0_i32 : i32, i32
  }
  func.func @transform_3(%arg0: i32) -> (i32, i32, i32) {
    %c0_i32 = arith.constant 0 : i32
    %c0_i32_0 = arith.constant 0 : i32
    %c0_i32_1 = arith.constant 0 : i32
    return %arg0, %c0_i32, %c0_i32_0 : i32, i32, i32
  }
  func.func @transform_4(%arg0: i32) -> (i32, i32, i32) {
    %c0_i32 = arith.constant 0 : i32
    %c0_i32_0 = arith.constant 0 : i32
    %c0_i32_1 = arith.constant 0 : i32
    return %arg0, %c0_i32, %c0_i32_0 : i32, i32, i32
  }
  func.func @transform_5(%arg0: i32) -> (i32, i32) {
    %c0_i32 = arith.constant 0 : i32
    %c0_i32_0 = arith.constant 0 : i32
    return %arg0, %c0_i32 : i32, i32
  }
}

module attributes {stable_mosaic.version = 14 : i64} {
  func.func @_layer_kernel(%arg0: i32, %arg1: memref<256x80xf32, #tpu.memory_space<vmem>>, %arg2: memref<3x256x80xf32, #tpu.memory_space<vmem>>, %arg3: memref<80x64xf32, #tpu.memory_space<vmem>>, %arg4: memref<80x64xf32, #tpu.memory_space<vmem>>, %arg5: memref<1x64xf32, #tpu.memory_space<vmem>>, %arg6: memref<64x64xf32, #tpu.memory_space<vmem>>, %arg7: memref<1x64xf32, #tpu.memory_space<vmem>>, %arg8: memref<256x64xf32, #tpu.memory_space<vmem>>) attributes {dimension_semantics = [#tpu.dimension_semantics<arbitrary>], iteration_bounds = array<i64: 10>, scalar_prefetch = 0 : i64, scratch_operands = 0 : i64, tpu.core_type = #tpu.core_type<tc>, window_params = [{transform_indices = @transform_0, window_bounds = array<i64: 256, 80>}, {transform_indices = @transform_1, window_bounds = array<i64: 3, 256, 80>}, {pipeline_mode = #tpu.pipeline_mode<synchronous>, transform_indices = @transform_2, window_bounds = array<i64: 80, 64>}, {pipeline_mode = #tpu.pipeline_mode<synchronous>, transform_indices = @transform_3, window_bounds = array<i64: 80, 64>}, {pipeline_mode = #tpu.pipeline_mode<synchronous>, transform_indices = @transform_4, window_bounds = array<i64: 1, 64>}, {pipeline_mode = #tpu.pipeline_mode<synchronous>, transform_indices = @transform_5, window_bounds = array<i64: 64, 64>}, {pipeline_mode = #tpu.pipeline_mode<synchronous>, transform_indices = @transform_6, window_bounds = array<i64: 1, 64>}, {transform_indices = @transform_7, window_bounds = array<i64: 256, 64>}]} {
    %get3A = arith.constant 0 : index
    %get3A_0 = arith.constant 0 : index
    %get3A_1 = vector.load %arg1[%get3A, %get3A_0] : memref<256x80xf32, #tpu.memory_space<vmem>>, vector<256x80xf32>
    %get3A_2 = arith.constant 0 : index
    %get3A_3 = arith.constant 0 : index
    %get3A_4 = vector.load %arg3[%get3A_2, %get3A_3] : memref<80x64xf32, #tpu.memory_space<vmem>>, vector<80x64xf32>
    %dot_general3A = arith.constant dense<0.000000e+00> : vector<256x64xf32>
    %dot_general3A_5 = tpu.matmul %get3A_1, %get3A_4, %dot_general3A {dimension_numbers = #tpu.dot_dimension_numbers<[1], [0], [0], [1], [0, 0, 1, 1], [], []>, transpose_lhs_hint = false} : vector<256x80xf32>, vector<80x64xf32>, vector<256x64xf32> -> vector<256x64xf32>
    %get3A_6 = arith.constant 0 : index
    %get3A_7 = arith.constant 0 : index
    %get3A_8 = vector.load %arg5[%get3A_6, %get3A_7] : memref<1x64xf32, #tpu.memory_space<vmem>>, vector<1x64xf32>
    %add3A = vector.broadcast %get3A_8 : vector<1x64xf32> to vector<256x64xf32>
    %add3A_9 = arith.addf %dot_general3A_5, %add3A : vector<256x64xf32>
    %get3A_10 = arith.constant 0 : index
    %get3A_11 = arith.constant 0 : index
    %get3A_12 = vector.load %arg6[%get3A_10, %get3A_11] : memref<64x64xf32, #tpu.memory_space<vmem>>, vector<64x64xf32>
    %get3A_13 = arith.constant 0 : index
    %get3A_14 = arith.constant 0 : index
    %get3A_15 = vector.load %arg7[%get3A_13, %get3A_14] : memref<1x64xf32, #tpu.memory_space<vmem>>, vector<1x64xf32>
    %get3A_16 = arith.constant 0 : index
    %get3A_17 = arith.constant 0 : index
    %get3A_18 = arith.constant 0 : index
    %get3A_19 = vector.load %arg2[%get3A_16, %get3A_17, %get3A_18] : memref<3x256x80xf32, #tpu.memory_space<vmem>>, vector<1x256x80xf32>
    %get3A_20 = vector.shape_cast %get3A_19 : vector<1x256x80xf32> to vector<256x80xf32>
    %get3A_21 = arith.constant 0 : index
    %get3A_22 = arith.constant 0 : index
    %get3A_23 = vector.load %arg4[%get3A_21, %get3A_22] : memref<80x64xf32, #tpu.memory_space<vmem>>, vector<80x64xf32>
    %dot_general3A_24 = arith.constant dense<0.000000e+00> : vector<256x64xf32>
    %dot_general3A_25 = tpu.matmul %get3A_20, %get3A_23, %dot_general3A_24 {dimension_numbers = #tpu.dot_dimension_numbers<[1], [0], [0], [1], [0, 0, 1, 1], [], []>, transpose_lhs_hint = false} : vector<256x80xf32>, vector<80x64xf32>, vector<256x64xf32> -> vector<256x64xf32>
    %add3A_26 = arith.addf %add3A_9, %dot_general3A_25 : vector<256x64xf32>
    %max3A = arith.constant 0.000000e+00 : f32
    %max3A_27 = vector.broadcast %max3A : f32 to vector<256x64xf32>
    %max3A_28 = arith.maximumf %add3A_26, %max3A_27 : vector<256x64xf32>
    %dot_general3A_29 = arith.constant dense<0.000000e+00> : vector<256x64xf32>
    %dot_general3A_30 = tpu.matmul %max3A_28, %get3A_12, %dot_general3A_29 {dimension_numbers = #tpu.dot_dimension_numbers<[1], [0], [0], [1], [0, 0, 1, 1], [], []>, transpose_lhs_hint = false} : vector<256x64xf32>, vector<64x64xf32>, vector<256x64xf32> -> vector<256x64xf32>
    %add3A_31 = vector.broadcast %get3A_15 : vector<1x64xf32> to vector<256x64xf32>
    %add3A_32 = arith.addf %dot_general3A_30, %add3A_31 : vector<256x64xf32>
    %get3A_33 = arith.constant 1 : index
    %get3A_34 = arith.constant 0 : index
    %get3A_35 = arith.constant 0 : index
    %get3A_36 = vector.load %arg2[%get3A_33, %get3A_34, %get3A_35] : memref<3x256x80xf32, #tpu.memory_space<vmem>>, vector<1x256x80xf32>
    %get3A_37 = vector.shape_cast %get3A_36 : vector<1x256x80xf32> to vector<256x80xf32>
    %get3A_38 = arith.constant 0 : index
    %get3A_39 = arith.constant 0 : index
    %get3A_40 = vector.load %arg4[%get3A_38, %get3A_39] : memref<80x64xf32, #tpu.memory_space<vmem>>, vector<80x64xf32>
    %dot_general3A_41 = arith.constant dense<0.000000e+00> : vector<256x64xf32>
    %dot_general3A_42 = tpu.matmul %get3A_37, %get3A_40, %dot_general3A_41 {dimension_numbers = #tpu.dot_dimension_numbers<[1], [0], [0], [1], [0, 0, 1, 1], [], []>, transpose_lhs_hint = false} : vector<256x80xf32>, vector<80x64xf32>, vector<256x64xf32> -> vector<256x64xf32>
    %add3A_43 = arith.addf %add3A_9, %dot_general3A_42 : vector<256x64xf32>
    %max3A_44 = arith.constant 0.000000e+00 : f32
    %max3A_45 = vector.broadcast %max3A_44 : f32 to vector<256x64xf32>
    %max3A_46 = arith.maximumf %add3A_43, %max3A_45 : vector<256x64xf32>
    %dot_general3A_47 = arith.constant dense<0.000000e+00> : vector<256x64xf32>
    %dot_general3A_48 = tpu.matmul %max3A_46, %get3A_12, %dot_general3A_47 {dimension_numbers = #tpu.dot_dimension_numbers<[1], [0], [0], [1], [0, 0, 1, 1], [], []>, transpose_lhs_hint = false} : vector<256x64xf32>, vector<64x64xf32>, vector<256x64xf32> -> vector<256x64xf32>
    %add3A_49 = vector.broadcast %get3A_15 : vector<1x64xf32> to vector<256x64xf32>
    %add3A_50 = arith.addf %dot_general3A_48, %add3A_49 : vector<256x64xf32>
    %max3A_51 = arith.maximumf %add3A_32, %add3A_50 : vector<256x64xf32>
    %get3A_52 = arith.constant 2 : index
    %get3A_53 = arith.constant 0 : index
    %get3A_54 = arith.constant 0 : index
    %get3A_55 = vector.load %arg2[%get3A_52, %get3A_53, %get3A_54] : memref<3x256x80xf32, #tpu.memory_space<vmem>>, vector<1x256x80xf32>
    %get3A_56 = vector.shape_cast %get3A_55 : vector<1x256x80xf32> to vector<256x80xf32>
    %get3A_57 = arith.constant 0 : index
    %get3A_58 = arith.constant 0 : index
    %get3A_59 = vector.load %arg4[%get3A_57, %get3A_58] : memref<80x64xf32, #tpu.memory_space<vmem>>, vector<80x64xf32>
    %dot_general3A_60 = arith.constant dense<0.000000e+00> : vector<256x64xf32>
    %dot_general3A_61 = tpu.matmul %get3A_56, %get3A_59, %dot_general3A_60 {dimension_numbers = #tpu.dot_dimension_numbers<[1], [0], [0], [1], [0, 0, 1, 1], [], []>, transpose_lhs_hint = false} : vector<256x80xf32>, vector<80x64xf32>, vector<256x64xf32> -> vector<256x64xf32>
    %add3A_62 = arith.addf %add3A_9, %dot_general3A_61 : vector<256x64xf32>
    %max3A_63 = arith.constant 0.000000e+00 : f32
    %max3A_64 = vector.broadcast %max3A_63 : f32 to vector<256x64xf32>
    %max3A_65 = arith.maximumf %add3A_62, %max3A_64 : vector<256x64xf32>
    %dot_general3A_66 = arith.constant dense<0.000000e+00> : vector<256x64xf32>
    %dot_general3A_67 = tpu.matmul %max3A_65, %get3A_12, %dot_general3A_66 {dimension_numbers = #tpu.dot_dimension_numbers<[1], [0], [0], [1], [0, 0, 1, 1], [], []>, transpose_lhs_hint = false} : vector<256x64xf32>, vector<64x64xf32>, vector<256x64xf32> -> vector<256x64xf32>
    %add3A_68 = vector.broadcast %get3A_15 : vector<1x64xf32> to vector<256x64xf32>
    %add3A_69 = arith.addf %dot_general3A_67, %add3A_68 : vector<256x64xf32>
    %max3A_70 = arith.maximumf %max3A_51, %add3A_69 : vector<256x64xf32>
    %max3A_71 = arith.constant 0.000000e+00 : f32
    %max3A_72 = vector.broadcast %max3A_71 : f32 to vector<256x64xf32>
    %max3A_73 = arith.maximumf %max3A_70, %max3A_72 : vector<256x64xf32>
    %swap3A = arith.constant 0 : index
    %swap3A_74 = arith.constant 0 : index
    %swap3A_75 = vector.load %arg8[%swap3A, %swap3A_74] : memref<256x64xf32, #tpu.memory_space<vmem>>, vector<256x64xf32>
    tpu.vector_store %arg8[%swap3A, %swap3A_74], %max3A_73 {strides = array<i32>} : memref<256x64xf32, #tpu.memory_space<vmem>>, vector<256x64xf32>,
    return
  }
  func.func @transform_0(%arg0: i32) -> (i32, i32) {
    %c0_i32 = arith.constant 0 : i32
    %c0_i32_0 = arith.constant 0 : i32
    return %arg0, %c0_i32 : i32, i32
  }
  func.func @transform_1(%arg0: i32) -> (i32, i32, i32) {
    %c0_i32 = arith.constant 0 : i32
    %c0_i32_0 = arith.constant 0 : i32
    %c0_i32_1 = arith.constant 0 : i32
    return %c0_i32, %arg0, %c0_i32_0 : i32, i32, i32
  }
  func.func @transform_2(%arg0: i32) -> (i32, i32) {
    %c0_i32 = arith.constant 0 : i32
    %c0_i32_0 = arith.constant 0 : i32
    %c0_i32_1 = arith.constant 0 : i32
    return %c0_i32, %c0_i32_0 : i32, i32
  }
  func.func @transform_3(%arg0: i32) -> (i32, i32) {
    %c0_i32 = arith.constant 0 : i32
    %c0_i32_0 = arith.constant 0 : i32
    %c0_i32_1 = arith.constant 0 : i32
    return %c0_i32, %c0_i32_0 : i32, i32
  }
  func.func @transform_4(%arg0: i32) -> (i32, i32) {
    %c0_i32 = arith.constant 0 : i32
    %c0_i32_0 = arith.constant 0 : i32
    %c0_i32_1 = arith.constant 0 : i32
    return %c0_i32, %c0_i32_0 : i32, i32
  }
  func.func @transform_5(%arg0: i32) -> (i32, i32) {
    %c0_i32 = arith.constant 0 : i32
    %c0_i32_0 = arith.constant 0 : i32
    %c0_i32_1 = arith.constant 0 : i32
    return %c0_i32, %c0_i32_0 : i32, i32
  }
  func.func @transform_6(%arg0: i32) -> (i32, i32) {
    %c0_i32 = arith.constant 0 : i32
    %c0_i32_0 = arith.constant 0 : i32
    %c0_i32_1 = arith.constant 0 : i32
    return %c0_i32, %c0_i32_0 : i32, i32
  }
  func.func @transform_7(%arg0: i32) -> (i32, i32) {
    %c0_i32 = arith.constant 0 : i32
    %c0_i32_0 = arith.constant 0 : i32
    return %arg0, %c0_i32 : i32, i32
  }
}

module attributes {stable_mosaic.version = 14 : i64} {
  func.func @_head_kernel(%arg0: memref<2560x64xf32, #tpu.memory_space<vmem>>, %arg1: memref<2560x1xi32, #tpu.memory_space<vmem>>, %arg2: memref<64x8xf32, #tpu.memory_space<vmem>>, %arg3: memref<1x8xf32, #tpu.memory_space<vmem>>, %arg4: memref<8x8xf32, #tpu.memory_space<vmem>>) attributes {dimension_semantics = [], scalar_prefetch = 0 : i64, scratch_operands = 0 : i64, tpu.core_type = #tpu.core_type<tc>} {
    %get3A = arith.constant 0 : index
    %get3A_0 = arith.constant 0 : index
    %get3A_1 = vector.load %arg0[%get3A, %get3A_0] : memref<2560x64xf32, #tpu.memory_space<vmem>>, vector<2560x64xf32>
    %get3A_2 = arith.constant 0 : index
    %get3A_3 = arith.constant 0 : index
    %get3A_4 = vector.load %arg1[%get3A_2, %get3A_3] : memref<2560x1xi32, #tpu.memory_space<vmem>>, vector<2560x1xi32>
    %eq3A = arith.constant 0 : i32
    %eq3A_5 = vector.broadcast %eq3A : i32 to vector<2560x1xi32>
    %eq3A_6 = arith.cmpi eq, %get3A_4, %eq3A_5 : vector<2560x1xi32>
    %jit3A = arith.constant 0xFF800000 : f32
    %broadcast_in_dim3A = vector.shape_cast %eq3A_6 : vector<2560x1xi1> to vector<2560x1xi1>
    %broadcast_in_dim3A_7 = vector.broadcast %broadcast_in_dim3A : vector<2560x1xi1> to vector<2560x64xi1>
    %broadcast_in_dim3A_8 = vector.broadcast %jit3A : f32 to vector<2560x64xf32>
    %select_n3A = arith.select %broadcast_in_dim3A_7, %get3A_1, %broadcast_in_dim3A_8 : vector<2560x64xi1>, vector<2560x64xf32>
    %reduce_max3A = arith.constant dense<0xFF800000> : vector<64xf32>
    %reduce_max3A_9 = vector.multi_reduction <maximumf>, %select_n3A, %reduce_max3A [0] : vector<2560x64xf32> to vector<64xf32>
    %broadcast_in_dim3A_10 = vector.shape_cast %reduce_max3A_9 : vector<64xf32> to vector<1x64xf32>
    %get3A_11 = arith.constant 0 : index
    %get3A_12 = arith.constant 0 : index
    %get3A_13 = vector.load %arg1[%get3A_11, %get3A_12] : memref<2560x1xi32, #tpu.memory_space<vmem>>, vector<2560x1xi32>
    %eq3A_14 = arith.constant 1 : i32
    %eq3A_15 = vector.broadcast %eq3A_14 : i32 to vector<2560x1xi32>
    %eq3A_16 = arith.cmpi eq, %get3A_13, %eq3A_15 : vector<2560x1xi32>
    %jit3A_17 = arith.constant 0xFF800000 : f32
    %broadcast_in_dim3A_18 = vector.shape_cast %eq3A_16 : vector<2560x1xi1> to vector<2560x1xi1>
    %broadcast_in_dim3A_19 = vector.broadcast %broadcast_in_dim3A_18 : vector<2560x1xi1> to vector<2560x64xi1>
    %broadcast_in_dim3A_20 = vector.broadcast %jit3A_17 : f32 to vector<2560x64xf32>
    %select_n3A_21 = arith.select %broadcast_in_dim3A_19, %get3A_1, %broadcast_in_dim3A_20 : vector<2560x64xi1>, vector<2560x64xf32>
    %reduce_max3A_22 = arith.constant dense<0xFF800000> : vector<64xf32>
    %reduce_max3A_23 = vector.multi_reduction <maximumf>, %select_n3A_21, %reduce_max3A_22 [0] : vector<2560x64xf32> to vector<64xf32>
    %broadcast_in_dim3A_24 = vector.shape_cast %reduce_max3A_23 : vector<64xf32> to vector<1x64xf32>
    %get3A_25 = arith.constant 0 : index
    %get3A_26 = arith.constant 0 : index
    %get3A_27 = vector.load %arg1[%get3A_25, %get3A_26] : memref<2560x1xi32, #tpu.memory_space<vmem>>, vector<2560x1xi32>
    %eq3A_28 = arith.constant 2 : i32
    %eq3A_29 = vector.broadcast %eq3A_28 : i32 to vector<2560x1xi32>
    %eq3A_30 = arith.cmpi eq, %get3A_27, %eq3A_29 : vector<2560x1xi32>
    %jit3A_31 = arith.constant 0xFF800000 : f32
    %broadcast_in_dim3A_32 = vector.shape_cast %eq3A_30 : vector<2560x1xi1> to vector<2560x1xi1>
    %broadcast_in_dim3A_33 = vector.broadcast %broadcast_in_dim3A_32 : vector<2560x1xi1> to vector<2560x64xi1>
    %broadcast_in_dim3A_34 = vector.broadcast %jit3A_31 : f32 to vector<2560x64xf32>
    %select_n3A_35 = arith.select %broadcast_in_dim3A_33, %get3A_1, %broadcast_in_dim3A_34 : vector<2560x64xi1>, vector<2560x64xf32>
    %reduce_max3A_36 = arith.constant dense<0xFF800000> : vector<64xf32>
    %reduce_max3A_37 = vector.multi_reduction <maximumf>, %select_n3A_35, %reduce_max3A_36 [0] : vector<2560x64xf32> to vector<64xf32>
    %broadcast_in_dim3A_38 = vector.shape_cast %reduce_max3A_37 : vector<64xf32> to vector<1x64xf32>
    %get3A_39 = arith.constant 0 : index
    %get3A_40 = arith.constant 0 : index
    %get3A_41 = vector.load %arg1[%get3A_39, %get3A_40] : memref<2560x1xi32, #tpu.memory_space<vmem>>, vector<2560x1xi32>
    %eq3A_42 = arith.constant 3 : i32
    %eq3A_43 = vector.broadcast %eq3A_42 : i32 to vector<2560x1xi32>
    %eq3A_44 = arith.cmpi eq, %get3A_41, %eq3A_43 : vector<2560x1xi32>
    %jit3A_45 = arith.constant 0xFF800000 : f32
    %broadcast_in_dim3A_46 = vector.shape_cast %eq3A_44 : vector<2560x1xi1> to vector<2560x1xi1>
    %broadcast_in_dim3A_47 = vector.broadcast %broadcast_in_dim3A_46 : vector<2560x1xi1> to vector<2560x64xi1>
    %broadcast_in_dim3A_48 = vector.broadcast %jit3A_45 : f32 to vector<2560x64xf32>
    %select_n3A_49 = arith.select %broadcast_in_dim3A_47, %get3A_1, %broadcast_in_dim3A_48 : vector<2560x64xi1>, vector<2560x64xf32>
    %reduce_max3A_50 = arith.constant dense<0xFF800000> : vector<64xf32>
    %reduce_max3A_51 = vector.multi_reduction <maximumf>, %select_n3A_49, %reduce_max3A_50 [0] : vector<2560x64xf32> to vector<64xf32>
    %broadcast_in_dim3A_52 = vector.shape_cast %reduce_max3A_51 : vector<64xf32> to vector<1x64xf32>
    %get3A_53 = arith.constant 0 : index
    %get3A_54 = arith.constant 0 : index
    %get3A_55 = vector.load %arg1[%get3A_53, %get3A_54] : memref<2560x1xi32, #tpu.memory_space<vmem>>, vector<2560x1xi32>
    %eq3A_56 = arith.constant 4 : i32
    %eq3A_57 = vector.broadcast %eq3A_56 : i32 to vector<2560x1xi32>
    %eq3A_58 = arith.cmpi eq, %get3A_55, %eq3A_57 : vector<2560x1xi32>
    %jit3A_59 = arith.constant 0xFF800000 : f32
    %broadcast_in_dim3A_60 = vector.shape_cast %eq3A_58 : vector<2560x1xi1> to vector<2560x1xi1>
    %broadcast_in_dim3A_61 = vector.broadcast %broadcast_in_dim3A_60 : vector<2560x1xi1> to vector<2560x64xi1>
    %broadcast_in_dim3A_62 = vector.broadcast %jit3A_59 : f32 to vector<2560x64xf32>
    %select_n3A_63 = arith.select %broadcast_in_dim3A_61, %get3A_1, %broadcast_in_dim3A_62 : vector<2560x64xi1>, vector<2560x64xf32>
    %reduce_max3A_64 = arith.constant dense<0xFF800000> : vector<64xf32>
    %reduce_max3A_65 = vector.multi_reduction <maximumf>, %select_n3A_63, %reduce_max3A_64 [0] : vector<2560x64xf32> to vector<64xf32>
    %broadcast_in_dim3A_66 = vector.shape_cast %reduce_max3A_65 : vector<64xf32> to vector<1x64xf32>
    %get3A_67 = arith.constant 0 : index
    %get3A_68 = arith.constant 0 : index
    %get3A_69 = vector.load %arg1[%get3A_67, %get3A_68] : memref<2560x1xi32, #tpu.memory_space<vmem>>, vector<2560x1xi32>
    %eq3A_70 = arith.constant 5 : i32
    %eq3A_71 = vector.broadcast %eq3A_70 : i32 to vector<2560x1xi32>
    %eq3A_72 = arith.cmpi eq, %get3A_69, %eq3A_71 : vector<2560x1xi32>
    %jit3A_73 = arith.constant 0xFF800000 : f32
    %broadcast_in_dim3A_74 = vector.shape_cast %eq3A_72 : vector<2560x1xi1> to vector<2560x1xi1>
    %broadcast_in_dim3A_75 = vector.broadcast %broadcast_in_dim3A_74 : vector<2560x1xi1> to vector<2560x64xi1>
    %broadcast_in_dim3A_76 = vector.broadcast %jit3A_73 : f32 to vector<2560x64xf32>
    %select_n3A_77 = arith.select %broadcast_in_dim3A_75, %get3A_1, %broadcast_in_dim3A_76 : vector<2560x64xi1>, vector<2560x64xf32>
    %reduce_max3A_78 = arith.constant dense<0xFF800000> : vector<64xf32>
    %reduce_max3A_79 = vector.multi_reduction <maximumf>, %select_n3A_77, %reduce_max3A_78 [0] : vector<2560x64xf32> to vector<64xf32>
    %broadcast_in_dim3A_80 = vector.shape_cast %reduce_max3A_79 : vector<64xf32> to vector<1x64xf32>
    %get3A_81 = arith.constant 0 : index
    %get3A_82 = arith.constant 0 : index
    %get3A_83 = vector.load %arg1[%get3A_81, %get3A_82] : memref<2560x1xi32, #tpu.memory_space<vmem>>, vector<2560x1xi32>
    %eq3A_84 = arith.constant 6 : i32
    %eq3A_85 = vector.broadcast %eq3A_84 : i32 to vector<2560x1xi32>
    %eq3A_86 = arith.cmpi eq, %get3A_83, %eq3A_85 : vector<2560x1xi32>
    %jit3A_87 = arith.constant 0xFF800000 : f32
    %broadcast_in_dim3A_88 = vector.shape_cast %eq3A_86 : vector<2560x1xi1> to vector<2560x1xi1>
    %broadcast_in_dim3A_89 = vector.broadcast %broadcast_in_dim3A_88 : vector<2560x1xi1> to vector<2560x64xi1>
    %broadcast_in_dim3A_90 = vector.broadcast %jit3A_87 : f32 to vector<2560x64xf32>
    %select_n3A_91 = arith.select %broadcast_in_dim3A_89, %get3A_1, %broadcast_in_dim3A_90 : vector<2560x64xi1>, vector<2560x64xf32>
    %reduce_max3A_92 = arith.constant dense<0xFF800000> : vector<64xf32>
    %reduce_max3A_93 = vector.multi_reduction <maximumf>, %select_n3A_91, %reduce_max3A_92 [0] : vector<2560x64xf32> to vector<64xf32>
    %broadcast_in_dim3A_94 = vector.shape_cast %reduce_max3A_93 : vector<64xf32> to vector<1x64xf32>
    %get3A_95 = arith.constant 0 : index
    %get3A_96 = arith.constant 0 : index
    %get3A_97 = vector.load %arg1[%get3A_95, %get3A_96] : memref<2560x1xi32, #tpu.memory_space<vmem>>, vector<2560x1xi32>
    %eq3A_98 = arith.constant 7 : i32
    %eq3A_99 = vector.broadcast %eq3A_98 : i32 to vector<2560x1xi32>
    %eq3A_100 = arith.cmpi eq, %get3A_97, %eq3A_99 : vector<2560x1xi32>
    %jit3A_101 = arith.constant 0xFF800000 : f32
    %broadcast_in_dim3A_102 = vector.shape_cast %eq3A_100 : vector<2560x1xi1> to vector<2560x1xi1>
    %broadcast_in_dim3A_103 = vector.broadcast %broadcast_in_dim3A_102 : vector<2560x1xi1> to vector<2560x64xi1>
    %broadcast_in_dim3A_104 = vector.broadcast %jit3A_101 : f32 to vector<2560x64xf32>
    %select_n3A_105 = arith.select %broadcast_in_dim3A_103, %get3A_1, %broadcast_in_dim3A_104 : vector<2560x64xi1>, vector<2560x64xf32>
    %reduce_max3A_106 = arith.constant dense<0xFF800000> : vector<64xf32>
    %reduce_max3A_107 = vector.multi_reduction <maximumf>, %select_n3A_105, %reduce_max3A_106 [0] : vector<2560x64xf32> to vector<64xf32>
    %broadcast_in_dim3A_108 = vector.shape_cast %reduce_max3A_107 : vector<64xf32> to vector<1x64xf32>
    %concatenate3A = tpu.concatenate %broadcast_in_dim3A_10, %broadcast_in_dim3A_24, %broadcast_in_dim3A_38, %broadcast_in_dim3A_52, %broadcast_in_dim3A_66, %broadcast_in_dim3A_80, %broadcast_in_dim3A_94, %broadcast_in_dim3A_108 in 0 : vector<1x64xf32>, vector<1x64xf32>, vector<1x64xf32>, vector<1x64xf32>, vector<1x64xf32>, vector<1x64xf32>, vector<1x64xf32>, vector<1x64xf32> -> vector<8x64xf32>
    %get3A_109 = arith.constant 0 : index
    %get3A_110 = arith.constant 0 : index
    %get3A_111 = vector.load %arg2[%get3A_109, %get3A_110] : memref<64x8xf32, #tpu.memory_space<vmem>>, vector<64x8xf32>
    %dot_general3A = arith.constant dense<0.000000e+00> : vector<8x8xf32>
    %dot_general3A_112 = tpu.matmul %concatenate3A, %get3A_111, %dot_general3A {dimension_numbers = #tpu.dot_dimension_numbers<[1], [0], [0], [1], [0, 0, 1, 1], [], []>, transpose_lhs_hint = false} : vector<8x64xf32>, vector<64x8xf32>, vector<8x8xf32> -> vector<8x8xf32>
    %get3A_113 = arith.constant 0 : index
    %get3A_114 = arith.constant 0 : index
    %get3A_115 = vector.load %arg3[%get3A_113, %get3A_114] : memref<1x8xf32, #tpu.memory_space<vmem>>, vector<1x8xf32>
    %add3A = vector.broadcast %get3A_115 : vector<1x8xf32> to vector<8x8xf32>
    %add3A_116 = arith.addf %dot_general3A_112, %add3A : vector<8x8xf32>
    %swap3A = arith.constant 0 : index
    %swap3A_117 = arith.constant 0 : index
    %swap3A_118 = vector.load %arg4[%swap3A, %swap3A_117] : memref<8x8xf32, #tpu.memory_space<vmem>>, vector<8x8xf32>
    tpu.vector_store %arg4[%swap3A, %swap3A_117], %add3A_116 {strides = array<i32>} : memref<8x8xf32, #tpu.memory_space<vmem>>, vector<8x8xf32>,
    return
  }
}

</mosaic_0001>

<sc_bundles>
// kernel: kernel.11.cloned.1.call-start
scs
__scs_entry_jumppad:
0x0: {  	(pc) =	sbr.rel $0x88, $3  }
0x1: {  	(tag) =	ssettag $0x0;
	lr =	simm.s32 $0x1  }
0x2: {  	[smem:$0x3F91] =	sst lr;
	_ =	strace $0xD0000000  }
0x3: {  	_ = 	snop  }
0x4: {  	_ = 	snop  }
0x5: {  	_ = 	snop  }
0x6: {  	_ = 	snop  }
0x7: {  	_ = 	snop  }
__scs_overlays_trampoline_lowered:
0x8: {  	[smem:$0x3FA0] =	sst s0  }
0x9: {  	[smem:$0x3FA1] =	sst s1  }
0xa: {  	[smem:$0x3FA2] =	sst s2  }
0xb: {  	[smem:$0x3FA3] =	sst s3  }
0xc: {  	[smem:$0x3FA4] =	sst s4  }
0xd: {  	[smem:$0x3FA5] =	sst s5  }
0xe: {  	[smem:$0x3FA6] =	sst s6  }
0xf: {  	[smem:$0x3FA7] =	sst s7  }
0x10: {  	[smem:$0x3FA8] =	sst s8  }
0x11: {  	[smem:$0x3FA9] =	sst s9;
	s0 =	simm.s32 @!p0 $0x0  }
0x12: {  	s1 =	sld [smem:$0x3F8F];
	s0 =	simm.s32 @p0 $0x1  }
0x13: {  	[smem:$0x3FAA] =	sst s0;
	s0 =	simm.s32 @!p1 $0x0  }
0x14: {  	s2 =	sld [smem:$0x3F8E];
	s0 =	simm.s32 @p1 $0x1  }
0x15: {  	[smem:$0x3FAB] =	sst s0;
	s0 =	simm.s32 @!p2 $0x0  }
0x16: {  	s3 =	sld [smem:$0x3FDB];
	s0 =	simm.s32 @p2 $0x1  }
0x17: {  	s4 =	simm.s32 $0x1BF5;
	[smem:$0x3FAD] =	sst s0  }
0x18: {  	s0 =	sld [smem:$0x3F90];
	_ =	swait.ge [sflag:s4], $0x0  }
0x19: {  	s7 =	sld [smem:$0x3F91]  }
0x1a: {  	s8 =	sadd.s32 $0xFFFFE003, lr  }
0x1b: {  	s9 =	sadd.s32 $0xFFFFFEF7, lr;
	s5 =	simm.s32 $0xFFFFFFFF;
	p2 =	slt.u32 s8, $0xFFFFF086  }
0x1c: {  	p1 =	slt.u32 s9, $0xF7A;
	s5 =	simm.s32 @!p2 $0x0  }
0x1d: {  	s5 =	simm.s32 @p1 $0x1;
	p0 =	seq.s32 s7, s2  }
0x1e: {  	s7 =	smul.u32 @!p0 $0xF7A, s2;
	p2 =	seq.s32 @!p0 s5, $0x0  }
0x1f: {  	s9 =	smul.u32 $0xF7A, s1;
	s8 =	simm.s32 @!p0 $0x1BF5;
	p2 =	por !p2, p0  }
0x20: {  	[sflag:s8] =	ssyncset.s32 @!p0 $0xFFFFF086;
	s6 =	sadd.s32 @!p0 s3, s7;
	s7 =	simm.s32 @!p0 $0x108  }
0x21: {  	s3 =	sadd.s32 s3, s9;
	s6 =	sadd.s32 @!p0 $0x88, s6;
	s7 =	simm.s32 @p2 $0x1082  }
0x22: {  	[simem:s7], [sflag:s8] =	dma.local @!p0 [hbm:s6], $0xF7A  }
0x23: {  	s9 =	sor.u32 $0xD0000000, s2;
	s6 =	simm.s32 $0x108;
	_ =	swait.ge @!p0 [sflag:s8], $0x0  }
0x24: {  	s3 =	sadd.s32 $0x88, s3;
	s6 =	simm.s32 @!p1 $0x1082;
	[sflag:s4] =	ssyncset.s32 $0xFFFFF086  }
0x25: {  	[simem:s6], [sflag:s4] =	dma.local [hbm:s3], $0xF7A  }
0x26: {  	[smem:$0x3F91] =	sst s1;
	(tag) =	ssettag s2;
	_ =	strace s9  }
0x27: {  	s1 =	sld [smem:$0x3FA1]  }
0x28: {  	s2 =	sld [smem:$0x3FA2]  }
0x29: {  	s4 =	sld [smem:$0x3FA4]  }
0x2a: {  	p0 =	seq.s32 s5, $0x0;
	s5 =	sld [smem:$0x3FA5]  }
0x2b: {  	s6 =	sld [smem:$0x3FA6]  }
0x2c: {  	s7 =	sld [smem:$0x3FA7]  }
0x2d: {  	s3 =	simm.s32 $0x108;
	s8 =	sld [smem:$0x3FA8]  }
0x2e: {  	s3 =	simm.s32 @!p0 $0x1082;
	s9 =	sld [smem:$0x3FA9]  }
0x2f: {  	lr =	sadd.s32 s0, s3;
	s0 =	sld [smem:$0x3FA0]  }
0x30: {  	s3 =	sld [smem:$0x3FA3]  }
0x31: {  	[smem:$0x3FAC] =	sst s10  }
0x32: {  	s10 =	sld [smem:$0x3FAA];
	_ =	sdelay $0x3  }
0x33: {  	p0 =	seq.s32 s10, $0x1;
	s10 =	sld [smem:$0x3FAC];
	_ =	sdelay $0x3  }
0x34: {  	[smem:$0x3FAC] =	sst s10  }
0x35: {  	s10 =	sld [smem:$0x3FAB];
	_ =	sdelay $0x3  }
0x36: {  	p1 =	seq.s32 s10, $0x1;
	s10 =	sld [smem:$0x3FAC];
	_ =	sdelay $0x3  }
0x37: {  	[smem:$0x3FAC] =	sst s10  }
0x38: {  	s10 =	sld [smem:$0x3FAD]  }
0x39: {  	_ = 	snop;
	(pc) =	sbr.ind lr, $3  }
0x3a: {  	_ = 	snop  }
0x3b: {  	_ = 	snop  }
0x3c: {  	p2 =	seq.s32 s10, $0x1;
	s10 =	sld [smem:$0x3FAC]  }
0x3d: {  	_ =	shalt  }
0x3e: {  	_ =	shalt  }
0x3f: {  	_ =	shalt  }
0x40: {  	_ =	shalt  }
0x41: {  	_ =	shalt  }
0x42: {  	_ =	shalt  }
0x43: {  	_ =	shalt  }
0x44: {  	_ =	shalt  }
0x45: {  	_ =	shalt  }
0x46: {  	_ =	shalt  }
0x47: {  	_ =	shalt  }
0x48: {  	_ =	shalt  }
0x49: {  	_ =	shalt  }
0x4a: {  	_ =	shalt  }
0x4b: {  	_ =	shalt  }
0x4c: {  	_ =	shalt  }
0x4d: {  	_ =	shalt  }
0x4e: {  	_ =	shalt  }
0x4f: {  	_ =	shalt  }
0x50: {  	_ =	shalt  }
0x51: {  	_ =	shalt  }
0x52: {  	_ =	shalt  }
0x53: {  	_ =	shalt  }
0x54: {  	_ =	shalt  }
0x55: {  	_ =	shalt  }
0x56: {  	_ =	shalt  }
0x57: {  	_ =	shalt  }
0x58: {  	_ =	shalt  }
0x59: {  	_ =	shalt  }
0x5a: {  	_ =	shalt  }
0x5b: {  	_ =	shalt  }
0x5c: {  	_ =	shalt  }
0x5d: {  	_ =	shalt  }
0x5e: {  	_ =	shalt  }
0x5f: {  	_ =	shalt  }
0x60: {  	_ =	shalt  }
0x61: {  	_ =	shalt  }
0x62: {  	_ =	shalt  }
0x63: {  	_ =	shalt  }
0x64: {  	_ =	shalt  }
0x65: {  	_ =	shalt  }
0x66: {  	_ =	shalt  }
0x67: {  	_ =	shalt  }
0x68: {  	_ =	shalt  }
0x69: {  	_ =	shalt  }
0x6a: {  	_ =	shalt  }
0x6b: {  	_ =	shalt  }
0x6c: {  	_ =	shalt  }
0x6d: {  	_ =	shalt  }
0x6e: {  	_ =	shalt  }
0x6f: {  	_ =	shalt  }
0x70: {  	_ =	shalt  }
0x71: {  	_ =	shalt  }
0x72: {  	_ =	shalt  }
0x73: {  	_ =	shalt  }
0x74: {  	_ =	shalt  }
0x75: {  	_ =	shalt  }
0x76: {  	_ =	shalt  }
0x77: {  	_ =	shalt  }
0x78: {  	_ =	shalt  }
0x79: {  	_ =	shalt  }
0x7a: {  	_ =	shalt  }
0x7b: {  	_ =	shalt  }
0x7c: {  	_ =	shalt  }
0x7d: {  	_ =	shalt  }
0x7e: {  	_ =	shalt  }
0x7f: {  	_ =	shalt  }
0x80: {  	_ =	shalt  }
0x81: {  	_ =	shalt  }
0x82: {  	_ =	shalt  }
0x83: {  	_ =	shalt  }
0x84: {  	_ =	shalt  }
0x85: {  	_ =	shalt  }
0x86: {  	_ =	shalt  }
0x87: {  	_ =	shalt  }
.Lfunc_end0:
.L_simem_size_0:
called_computation_lowered:
.L_overlay_start_0:
0x88: {  	s2 =	sld [smem:$0x3FD9]  }
0x89: {  	s3 =	sld [smem:$0x3FFE];
	_ =	sdelay $0x1  }
0x8a: {  	s1 =	srdreg.scid  }
0x8b: {  	s0 =	sand.u32 $0x1, s1  }
0x8c: {  	s16 =	sshll.u32 s0, $0xA;
	s2 =	sadd.s32 s3, s2  }
0x8d: {  	s2 =	sadd.s32 s2, s16  }
0x8e: {  	[smem:$0x3FB8] =	sst s2  }
0x8f: {  	_ = 	snop  }
0x90: {  	(tm) =	ssettm $0x1  }
0x91: {  	s17 =	sld [smem:$0x3FFB];
	_ =	sdelay $0x3  }
0x92: {  	_ =	strace s17  }
0x93: {  	s2 =	sld [smem:$0x3FFC];
	_ =	sdelay $0x3  }
0x94: {  	_ =	strace s2  }
0x95: {  	s2 =	sld [smem:$0x3FFD];
	_ =	sdelay $0x3  }
0x96: {  	_ =	strace s2  }
0x97: {  	_ =	strace $0x8FFFFFFF  }
0x98: {  	s18 =	sld [smem:$0x3FDB];
	_ =	sdelay $0x1  }
0x99: {  	s19 =	simm.s32 $_scs_section_size  }
0x9a: {  	s4 =	simm.s32 $_size__tile_overlayer_lowered;
	s5 =	simm.s32 $_tile_overlayer_lowered  }
0x9b: {  	s22 =	simm.s32 $0x1BFF;
	s21 =	sshll.u32 s5, $0x1;
	s2 =	sadd.s32 s19, s18  }
0x9c: {  	s6 =	simm.s32 $0x0;
	s20 =	sshll.u32 s4, $0x1;
	s4 =	sadd.s32 s21, s2  }
0x9d: {  	[timem:s6], [sflag:s22] =	dma.local [hbm:s4], s20  }
0x9e: {  	_ =	swait.ge [sflag:s22], s20  }
0x9f: {  	s3 =	ssub.s32 $0x0, s20;
	[sflag:s22] =	ssyncset.done $0x0  }
0xa0: {  	[sflag:s22] =	ssyncadd.s32 s3;
	_ =	sdelay $0x1  }
0xa1: {  	s23 =	simm.s32 $0x1B8B  }
0xa2: {  	_ =	swait.ge [sflag:s23], $0x1  }
0xa3: {  	[sflag:s23] =	ssyncset.done $0x0  }
0xa4: {  	s25 =	simm.s32 $0x1B8E;
	s24 =	sld [smem:$0x3FFE];
	[sflag:s23] =	ssyncadd.s32 $0xFFFFFFFF  }
0xa5: {  	s26 =	simm.s32 $execute0_lowered;
	[smem:$0x3FD2] =	sst s25  }
0xa6: {  	s4 =	sshll.u32 s26, $0x1;
	_ =	strace $0x80000046;
	[dreg:$0x1] =	wrdreg $0xFFFFFFFF  }
0xa7: {  	s28 =	simm.s32 $_size_execute0_lowered;
	s2 =	sadd.s32 s2, s4;
	[dreg:$0x0] =	wrdreg $0x0  }
0xa8: {  	s4 =	sshll.u32 s28, $0x1;
	[dreg:$0x2] =	wrdreg s2  }
0xa9: {  	[dreg:$0x3] =	wrdreg s4  }
0xaa: {  	[dreg:$0x4] =	wrdreg $0xC0  }
0xab: {  	_ =	task [dreg:s6], $0x5FFFF  }
0xac: {  	[dreg:$0x1] =	wrdreg $0xFFFFFFFF  }
0xad: {  	[dreg:$0x0] =	wrdreg $0x60  }
0xae: {  	[dreg:$0x2] =	wrdreg s24  }
0xaf: {  	[dreg:$0x3] =	wrdreg $0x9  }
0xb0: {  	_ =	task.clear_ibuf [dreg:s6], $0x4FFFF;
	_ =	strace $0x90000046  }
0xb1: {  	s29 =	simm.s32 $0x9;
	_ =	strace $0x80000048  }
0xb2: {  	_ =	swait.ge [sflag:s29], $0x1  }
0xb3: {  	[sflag:s29] =	ssyncadd.s32 $0xFFFFFFFF  }
0xb4: {  	_ =	strace $0x90000048  }
0xb5: {  	_ =	sfence  }
0xb6: {  	s30 =	sld [smem:$0x0];
	_ =	sdelay $0x2  }
0xb7: {  	s31 =	sshll.u32 s1, $0xD;
	s1 =	sshrl.u32 s1, $0x2  }
0xb8: {  	s3 =	sand.u32 $0x4000, s31;
	s1 =	sadd.s32 s1, s30  }
0xb9: {  	s0 =	sor.u32 s3, s0;
	s1 =	sshll.u32 s1, $0x11  }
0xba: {  	s0 =	sor.u32 s1, s0  }
0xbb: {  	s0 =	sadd.s32 $0x8F2B, s0  }
0xbc: {  	[sflag:s0] =	ssyncadd.remote.s32 $0x1  }
0xbd: {  	_ =	sfence.sel $0xFFFF  }
0xbe: {  	[dreg:$0x0] =	wrdreg $0xFFFFFFFF;
	(pc) =	sbr.abs _section_cstart, $3  }
0xbf: {  	[dreg:$0x1] =	wrdreg $0xFFFFFFFF  }
0xc0: {  	_ =	task.clear_ibuf [dreg:s6], $0x2FFFF;
	_ =	strace $0x9FFFFFFF  }
0xc1: {  	(tm) =	ssettm $0x7FFFFFFF  }
tec
execute0_lowered:
.L_overlay_start_1:
0x0: {  	(tag) =	ssettag $0x1  }
0x1: {  	s1 =	srdreg.scid;
	s0 =	stileid.u32  }
0x2: {  	s6 =	sand.u32 $0x1, s1;
	s30 =	sshll.u32 s0, $0x1  }
0x3: {  	s8 =	rddreg [dreg:$0x0];
	s7 =	sor.u32 s6, s30  }
0x4: {  	s2 =	simm.s32 $0x0;
	s1 =	rddreg [dreg:$0x1];
	s3 =	smul.u32 $0xF0, s7  }
0x5: {  	[smem:$0x7FF] =	sst s2;
	s5 =	sadd.s32 $0x8A00, s8  }
0x6: {  	_ =	strace $0x80000047;
	s10 =	ssub.s32 $0x2, s6;
	s3 =	sadd.s32 s3, s8  }
0x7: {  	s6 =	simm.s32 $0x780;
	s4 =	sadd.s32 $0x30C00, s3;
	s3 =	simm.s32 $0x2  }
0x8: {  	[tilespmem:s2], [sflag:$0x2] =	stream.linear.gather [hbm4b:s4+s2], $0x780, $0x38;
	[tilespmem:$0x7F80] =	vst v63  }
0x9: {  	s9 =	smul.u32 $0xF00, s7;
	s11 =	sshrl.u32 s10, $0x1;
	_ =	swait.ge [sflag:s3], $0x780  }
0xa: {  	s7 =	simm.s32 $0x1;
	s31 =	ssub.s32 s10, s11;
	[sflag:s3] =	ssyncset.done $0x0  }
0xb: {  	s8 =	sadd.s32 s9, s8;
	s9 =	smax.u32 s31, $0x1;
	[sflag:s3] =	ssyncadd.s32 $0xFFFFF880  }
0xc: {  	[tilespmem:s6], [sflag:$0x1] =	stream.indirect.gather [hbm4b:s5+s6], $0x10, s2, s6, $0xb8;
	[tilespmem:$0x7F80] =	vst v63  }
0xd: {  	p0 =	sne.s32 s9, $0x1;
	_ =	swait.ge [sflag:s7], $0x7800  }
.Ltmp0:
0xe: {  	[sflag:s7] =	ssyncset.done $0x0;
	(pc) =	sbr.rel @!p0 .LBB2_2-.Ltmp0, $4  }
0xf: {  	s8 =	sadd.s32 $0xDA00, s8;
	[sflag:s7] =	ssyncadd.s32 $0xFFFF8800  }
0x10: {  	[hbm4b:s8+s2] =	stream.linear.scatter [tilespmem:s6], [sflag:$0x2], $0x7800, $0x38;
	[tilespmem:$0x7F80] =	vst v63  }
0x11: {  	_ =	swait.ge [sflag:s3], $0x7800  }
0x12: {  	s9 =	sadd.s32 $0xFFFFFFFF, s9;
	[sflag:s3] =	ssyncset.done $0x0  }
.LBB2_1:
0x13: {  	p0 =	sne.s32 s9, $0x1;
	s9 =	sadd.s32 $0xFFFFFFFF, s9;
	[sflag:s3] =	ssyncadd.s32 $0xFFFF8800  }
0x14: {  	[tilespmem:s2], [sflag:$0x2] =	stream.linear.gather [hbm4b:s4+s2], $0x780, $0x38;
	[tilespmem:$0x7F80] =	vst v63  }
0x15: {  	_ =	swait.ge [sflag:s3], $0x780  }
0x16: {  	[sflag:s3] =	ssyncset.done $0x0  }
0x17: {  	[sflag:s3] =	ssyncadd.s32 $0xFFFFF880  }
0x18: {  	[tilespmem:s6], [sflag:$0x1] =	stream.indirect.gather [hbm4b:s5+s6], $0x10, s2, s6, $0xb8;
	[tilespmem:$0x7F80] =	vst v63  }
0x19: {  	_ =	swait.ge [sflag:s7], $0x7800  }
.Ltmp1:
0x1a: {  	[sflag:s7] =	ssyncset.done $0x0;
	(pc) =	sbr.rel @p0 .LBB2_1-.Ltmp1, $4  }
0x1b: {  	[sflag:s7] =	ssyncadd.s32 $0xFFFF8800  }
0x1c: {  	[hbm4b:s8+s2] =	stream.linear.scatter [tilespmem:s6], [sflag:$0x2], $0x7800, $0x38;
	[tilespmem:$0x7F80] =	vst v63  }
0x1d: {  	_ =	swait.ge [sflag:s3], $0x7800  }
0x1e: {  	[sflag:s3] =	ssyncset.done $0x0  }
.LBB2_2:
0x1f: {  	[sflag:s3] =	ssyncadd.s32 $0xFFFF8800  }
0x20: {  	_ =	sfence.sel $0x180000  }
0x21: {  	[bflag:$0x0] =	sbarrier.arrive $0xFFFF  }
0x22: {  	p0 =	sne.s32 s0, $0x0;
	_ =	strace $0x90000047  }
0x23: {  	s0 =	sadd.s32 @!p0 $0x100000, s1;
	[bflag:$0x2] =	sbarrier.arrive $0xFFFF  }
0x24: {  	[sflag:s0] =	ssyncadd.tile.s32 @!p0 $0x1;
	_ =	shalt  }
.Lfunc_end2:
_tile_overlayer_lowered:
.L_overlay_start_2:
0x25: {  	(tag) =	ssettag $0x2  }
0x26: {  	s0 =	rddreg [dreg:$0x0];
	s2 =	stileid.u32  }
0x27: {  	s1 =	rddreg [dreg:$0x1];
	p0 =	sne.s32 s2, $0x0  }
0x28: {  	s3 =	rddreg [dreg:$0x2];
	[bflag:$0x3] =	sbarrier.arrive $0xFFFF;
	s2 =	simm.s32 @!p0 $0x1C02  }
0x29: {  	[timem:s3], [sflag:s2] =	dma.local @!p0 [hbm:s0], s1  }
0x2a: {  	s0 =	simm.s32 @!p0 $0x2  }
0x2b: {  	_ =	swait.ge @!p0 [sflag:s0], s1  }
0x2c: {  	s1 =	ssub.s32 @!p0 $0x0, s1;
	[sflag:s0] =	ssyncset.done @!p0 $0x0  }
0x2d: {  	[sflag:s0] =	ssyncadd.s32 @!p0 s1  }
0x2e: {  	[bflag:$0x3] =	sbarrier.arrive $0xFFFF  }
0x2f: {  	_ =	shalt  }

// kernel: kernel.14.cloned.1.call-start
scs
__scs_entry_jumppad:
0x0: {  	(pc) =	sbr.rel $0x88, $3  }
0x1: {  	(tag) =	ssettag $0x0;
	lr =	simm.s32 $0x1  }
0x2: {  	[smem:$0x3F91] =	sst lr;
	_ =	strace $0xD0000000  }
0x3: {  	_ = 	snop  }
0x4: {  	_ = 	snop  }
0x5: {  	_ = 	snop  }
0x6: {  	_ = 	snop  }
0x7: {  	_ = 	snop  }
__scs_overlays_trampoline_lowered:
0x8: {  	[smem:$0x3FA0] =	sst s0  }
0x9: {  	[smem:$0x3FA1] =	sst s1  }
0xa: {  	[smem:$0x3FA2] =	sst s2  }
0xb: {  	[smem:$0x3FA3] =	sst s3  }
0xc: {  	[smem:$0x3FA4] =	sst s4  }
0xd: {  	[smem:$0x3FA5] =	sst s5  }
0xe: {  	[smem:$0x3FA6] =	sst s6  }
0xf: {  	[smem:$0x3FA7] =	sst s7  }
0x10: {  	[smem:$0x3FA8] =	sst s8  }
0x11: {  	[smem:$0x3FA9] =	sst s9;
	s0 =	simm.s32 @!p0 $0x0  }
0x12: {  	s1 =	sld [smem:$0x3F8F];
	s0 =	simm.s32 @p0 $0x1  }
0x13: {  	[smem:$0x3FAA] =	sst s0;
	s0 =	simm.s32 @!p1 $0x0  }
0x14: {  	s2 =	sld [smem:$0x3F8E];
	s0 =	simm.s32 @p1 $0x1  }
0x15: {  	[smem:$0x3FAB] =	sst s0;
	s0 =	simm.s32 @!p2 $0x0  }
0x16: {  	s3 =	sld [smem:$0x3FDB];
	s0 =	simm.s32 @p2 $0x1  }
0x17: {  	s4 =	simm.s32 $0x1BF5;
	[smem:$0x3FAD] =	sst s0  }
0x18: {  	s0 =	sld [smem:$0x3F90];
	_ =	swait.ge [sflag:s4], $0x0  }
0x19: {  	s7 =	sld [smem:$0x3F91]  }
0x1a: {  	s8 =	sadd.s32 $0xFFFFE003, lr  }
0x1b: {  	s9 =	sadd.s32 $0xFFFFFEF7, lr;
	s5 =	simm.s32 $0xFFFFFFFF;
	p2 =	slt.u32 s8, $0xFFFFF086  }
0x1c: {  	p1 =	slt.u32 s9, $0xF7A;
	s5 =	simm.s32 @!p2 $0x0  }
0x1d: {  	s5 =	simm.s32 @p1 $0x1;
	p0 =	seq.s32 s7, s2  }
0x1e: {  	s7 =	smul.u32 @!p0 $0xF7A, s2;
	p2 =	seq.s32 @!p0 s5, $0x0  }
0x1f: {  	s9 =	smul.u32 $0xF7A, s1;
	s8 =	simm.s32 @!p0 $0x1BF5;
	p2 =	por !p2, p0  }
0x20: {  	[sflag:s8] =	ssyncset.s32 @!p0 $0xFFFFF086;
	s6 =	sadd.s32 @!p0 s3, s7;
	s7 =	simm.s32 @!p0 $0x108  }
0x21: {  	s3 =	sadd.s32 s3, s9;
	s6 =	sadd.s32 @!p0 $0x88, s6;
	s7 =	simm.s32 @p2 $0x1082  }
0x22: {  	[simem:s7], [sflag:s8] =	dma.local @!p0 [hbm:s6], $0xF7A  }
0x23: {  	s9 =	sor.u32 $0xD0000000, s2;
	s6 =	simm.s32 $0x108;
	_ =	swait.ge @!p0 [sflag:s8], $0x0  }
0x24: {  	s3 =	sadd.s32 $0x88, s3;
	s6 =	simm.s32 @!p1 $0x1082;
	[sflag:s4] =	ssyncset.s32 $0xFFFFF086  }
0x25: {  	[simem:s6], [sflag:s4] =	dma.local [hbm:s3], $0xF7A  }
0x26: {  	[smem:$0x3F91] =	sst s1;
	(tag) =	ssettag s2;
	_ =	strace s9  }
0x27: {  	s1 =	sld [smem:$0x3FA1]  }
0x28: {  	s2 =	sld [smem:$0x3FA2]  }
0x29: {  	s4 =	sld [smem:$0x3FA4]  }
0x2a: {  	p0 =	seq.s32 s5, $0x0;
	s5 =	sld [smem:$0x3FA5]  }
0x2b: {  	s6 =	sld [smem:$0x3FA6]  }
0x2c: {  	s7 =	sld [smem:$0x3FA7]  }
0x2d: {  	s3 =	simm.s32 $0x108;
	s8 =	sld [smem:$0x3FA8]  }
0x2e: {  	s3 =	simm.s32 @!p0 $0x1082;
	s9 =	sld [smem:$0x3FA9]  }
0x2f: {  	lr =	sadd.s32 s0, s3;
	s0 =	sld [smem:$0x3FA0]  }
0x30: {  	s3 =	sld [smem:$0x3FA3]  }
0x31: {  	[smem:$0x3FAC] =	sst s10  }
0x32: {  	s10 =	sld [smem:$0x3FAA];
	_ =	sdelay $0x3  }
0x33: {  	p0 =	seq.s32 s10, $0x1;
	s10 =	sld [smem:$0x3FAC];
	_ =	sdelay $0x3  }
0x34: {  	[smem:$0x3FAC] =	sst s10  }
0x35: {  	s10 =	sld [smem:$0x3FAB];
	_ =	sdelay $0x3  }
0x36: {  	p1 =	seq.s32 s10, $0x1;
	s10 =	sld [smem:$0x3FAC];
	_ =	sdelay $0x3  }
0x37: {  	[smem:$0x3FAC] =	sst s10  }
0x38: {  	s10 =	sld [smem:$0x3FAD]  }
0x39: {  	_ = 	snop;
	(pc) =	sbr.ind lr, $3  }
0x3a: {  	_ = 	snop  }
0x3b: {  	_ = 	snop  }
0x3c: {  	p2 =	seq.s32 s10, $0x1;
	s10 =	sld [smem:$0x3FAC]  }
0x3d: {  	_ =	shalt  }
0x3e: {  	_ =	shalt  }
0x3f: {  	_ =	shalt  }
0x40: {  	_ =	shalt  }
0x41: {  	_ =	shalt  }
0x42: {  	_ =	shalt  }
0x43: {  	_ =	shalt  }
0x44: {  	_ =	shalt  }
0x45: {  	_ =	shalt  }
0x46: {  	_ =	shalt  }
0x47: {  	_ =	shalt  }
0x48: {  	_ =	shalt  }
0x49: {  	_ =	shalt  }
0x4a: {  	_ =	shalt  }
0x4b: {  	_ =	shalt  }
0x4c: {  	_ =	shalt  }
0x4d: {  	_ =	shalt  }
0x4e: {  	_ =	shalt  }
0x4f: {  	_ =	shalt  }
0x50: {  	_ =	shalt  }
0x51: {  	_ =	shalt  }
0x52: {  	_ =	shalt  }
0x53: {  	_ =	shalt  }
0x54: {  	_ =	shalt  }
0x55: {  	_ =	shalt  }
0x56: {  	_ =	shalt  }
0x57: {  	_ =	shalt  }
0x58: {  	_ =	shalt  }
0x59: {  	_ =	shalt  }
0x5a: {  	_ =	shalt  }
0x5b: {  	_ =	shalt  }
0x5c: {  	_ =	shalt  }
0x5d: {  	_ =	shalt  }
0x5e: {  	_ =	shalt  }
0x5f: {  	_ =	shalt  }
0x60: {  	_ =	shalt  }
0x61: {  	_ =	shalt  }
0x62: {  	_ =	shalt  }
0x63: {  	_ =	shalt  }
0x64: {  	_ =	shalt  }
0x65: {  	_ =	shalt  }
0x66: {  	_ =	shalt  }
0x67: {  	_ =	shalt  }
0x68: {  	_ =	shalt  }
0x69: {  	_ =	shalt  }
0x6a: {  	_ =	shalt  }
0x6b: {  	_ =	shalt  }
0x6c: {  	_ =	shalt  }
0x6d: {  	_ =	shalt  }
0x6e: {  	_ =	shalt  }
0x6f: {  	_ =	shalt  }
0x70: {  	_ =	shalt  }
0x71: {  	_ =	shalt  }
0x72: {  	_ =	shalt  }
0x73: {  	_ =	shalt  }
0x74: {  	_ =	shalt  }
0x75: {  	_ =	shalt  }
0x76: {  	_ =	shalt  }
0x77: {  	_ =	shalt  }
0x78: {  	_ =	shalt  }
0x79: {  	_ =	shalt  }
0x7a: {  	_ =	shalt  }
0x7b: {  	_ =	shalt  }
0x7c: {  	_ =	shalt  }
0x7d: {  	_ =	shalt  }
0x7e: {  	_ =	shalt  }
0x7f: {  	_ =	shalt  }
0x80: {  	_ =	shalt  }
0x81: {  	_ =	shalt  }
0x82: {  	_ =	shalt  }
0x83: {  	_ =	shalt  }
0x84: {  	_ =	shalt  }
0x85: {  	_ =	shalt  }
0x86: {  	_ =	shalt  }
0x87: {  	_ =	shalt  }
.Lfunc_end0:
.L_simem_size_0:
called_computation.1_lowered:
.L_overlay_start_0:
0x88: {  	s2 =	sld [smem:$0x3FD9]  }
0x89: {  	s3 =	sld [smem:$0x3FFE];
	_ =	sdelay $0x1  }
0x8a: {  	s1 =	srdreg.scid  }
0x8b: {  	s0 =	sand.u32 $0x1, s1  }
0x8c: {  	s16 =	sshll.u32 s0, $0xA;
	s2 =	sadd.s32 s3, s2  }
0x8d: {  	s2 =	sadd.s32 s2, s16  }
0x8e: {  	[smem:$0x3FB8] =	sst s2  }
0x8f: {  	_ = 	snop  }
0x90: {  	(tm) =	ssettm $0x1  }
0x91: {  	s17 =	sld [smem:$0x3FFB];
	_ =	sdelay $0x3  }
0x92: {  	_ =	strace s17  }
0x93: {  	s2 =	sld [smem:$0x3FFC];
	_ =	sdelay $0x3  }
0x94: {  	_ =	strace s2  }
0x95: {  	s2 =	sld [smem:$0x3FFD];
	_ =	sdelay $0x3  }
0x96: {  	_ =	strace s2  }
0x97: {  	_ =	strace $0x8FFFFFFF  }
0x98: {  	s18 =	sld [smem:$0x3FDB];
	_ =	sdelay $0x1  }
0x99: {  	s19 =	simm.s32 $_scs_section_size  }
0x9a: {  	s4 =	simm.s32 $_size__tile_overlayer_lowered;
	s5 =	simm.s32 $_tile_overlayer_lowered  }
0x9b: {  	s22 =	simm.s32 $0x1BFF;
	s21 =	sshll.u32 s5, $0x1;
	s2 =	sadd.s32 s19, s18  }
0x9c: {  	s6 =	simm.s32 $0x0;
	s20 =	sshll.u32 s4, $0x1;
	s4 =	sadd.s32 s21, s2  }
0x9d: {  	[timem:s6], [sflag:s22] =	dma.local [hbm:s4], s20  }
0x9e: {  	_ =	swait.ge [sflag:s22], s20  }
0x9f: {  	s3 =	ssub.s32 $0x0, s20;
	[sflag:s22] =	ssyncset.done $0x0  }
0xa0: {  	[sflag:s22] =	ssyncadd.s32 s3;
	_ =	sdelay $0x1  }
0xa1: {  	s23 =	simm.s32 $0x1B8B  }
0xa2: {  	_ =	swait.ge [sflag:s23], $0x1  }
0xa3: {  	[sflag:s23] =	ssyncset.done $0x0  }
0xa4: {  	s25 =	simm.s32 $0x1B8E;
	s24 =	sld [smem:$0x3FFE];
	[sflag:s23] =	ssyncadd.s32 $0xFFFFFFFF  }
0xa5: {  	s26 =	simm.s32 $execute0_lowered;
	[smem:$0x3FD2] =	sst s25  }
0xa6: {  	s4 =	sshll.u32 s26, $0x1;
	_ =	strace $0x80000049;
	[dreg:$0x1] =	wrdreg $0xFFFFFFFF  }
0xa7: {  	s28 =	simm.s32 $_size_execute0_lowered;
	s2 =	sadd.s32 s2, s4;
	[dreg:$0x0] =	wrdreg $0x0  }
0xa8: {  	s4 =	sshll.u32 s28, $0x1;
	[dreg:$0x2] =	wrdreg s2  }
0xa9: {  	[dreg:$0x3] =	wrdreg s4  }
0xaa: {  	[dreg:$0x4] =	wrdreg $0xC0  }
0xab: {  	_ =	task [dreg:s6], $0x5FFFF  }
0xac: {  	[dreg:$0x1] =	wrdreg $0xFFFFFFFF  }
0xad: {  	[dreg:$0x0] =	wrdreg $0x60  }
0xae: {  	[dreg:$0x2] =	wrdreg s24  }
0xaf: {  	[dreg:$0x3] =	wrdreg $0x9  }
0xb0: {  	_ =	task.clear_ibuf [dreg:s6], $0x4FFFF;
	_ =	strace $0x90000049  }
0xb1: {  	s29 =	simm.s32 $0x9;
	_ =	strace $0x8000004B  }
0xb2: {  	_ =	swait.ge [sflag:s29], $0x1  }
0xb3: {  	[sflag:s29] =	ssyncadd.s32 $0xFFFFFFFF  }
0xb4: {  	_ =	strace $0x9000004B  }
0xb5: {  	_ =	sfence  }
0xb6: {  	s30 =	sld [smem:$0x0];
	_ =	sdelay $0x2  }
0xb7: {  	s31 =	sshll.u32 s1, $0xD;
	s1 =	sshrl.u32 s1, $0x2  }
0xb8: {  	s3 =	sand.u32 $0x4000, s31;
	s1 =	sadd.s32 s1, s30  }
0xb9: {  	s0 =	sor.u32 s3, s0;
	s1 =	sshll.u32 s1, $0x11  }
0xba: {  	s0 =	sor.u32 s1, s0  }
0xbb: {  	s0 =	sadd.s32 $0x8F2B, s0  }
0xbc: {  	[sflag:s0] =	ssyncadd.remote.s32 $0x1  }
0xbd: {  	_ =	sfence.sel $0xFFFF  }
0xbe: {  	[dreg:$0x0] =	wrdreg $0xFFFFFFFF;
	(pc) =	sbr.abs _section_cstart, $3  }
0xbf: {  	[dreg:$0x1] =	wrdreg $0xFFFFFFFF  }
0xc0: {  	_ =	task.clear_ibuf [dreg:s6], $0x2FFFF;
	_ =	strace $0x9FFFFFFF  }
0xc1: {  	(tm) =	ssettm $0x7FFFFFFF  }
tec
execute0_lowered:
.L_overlay_start_1:
0x0: {  	(tag) =	ssettag $0x1  }
0x1: {  	s1 =	srdreg.scid;
	s0 =	stileid.u32  }
0x2: {  	s6 =	sand.u32 $0x1, s1;
	s30 =	sshll.u32 s0, $0x1  }
0x3: {  	s8 =	rddreg [dreg:$0x0];
	s7 =	sor.u32 s6, s30  }
0x4: {  	s2 =	simm.s32 $0x0;
	s1 =	rddreg [dreg:$0x1];
	s3 =	smul.u32 $0x14, s7  }
0x5: {  	[smem:$0x7FF] =	sst s2;
	s5 =	sadd.s32 $0x8A00, s8  }
0x6: {  	_ =	strace $0x8000004A;
	s10 =	ssub.s32 $0x2, s6;
	s3 =	sadd.s32 s3, s8  }
0x7: {  	s6 =	simm.s32 $0xA0;
	s4 =	sadd.s32 $0x2C200, s3;
	s3 =	simm.s32 $0x2  }
0x8: {  	[tilespmem:s2], [sflag:$0x2] =	stream.linear.gather [hbm4b:s4+s2], $0xA0, $0x38;
	[tilespmem:$0x32A0] =	vst v63  }
0x9: {  	s9 =	smul.u32 $0x640, s7;
	s11 =	sshrl.u32 s10, $0x1;
	_ =	swait.ge [sflag:s3], $0xA0  }
0xa: {  	s7 =	simm.s32 $0x1;
	s31 =	ssub.s32 s10, s11;
	[sflag:s3] =	ssyncset.done $0x0  }
0xb: {  	s8 =	sadd.s32 s9, s8;
	s9 =	smax.u32 s31, $0x1;
	[sflag:s3] =	ssyncadd.s32 $0xFFFFFF60  }
0xc: {  	[tilespmem:s6], [sflag:$0x1] =	stream.indirect.gather [hbm4b:s5+s6], $0x50, s2, s6, $0xb8;
	[tilespmem:$0x32A0] =	vst v63  }
0xd: {  	p0 =	sne.s32 s9, $0x1;
	_ =	swait.ge [sflag:s7], $0x3200  }
.Ltmp0:
0xe: {  	[sflag:s7] =	ssyncset.done $0x0;
	(pc) =	sbr.rel @!p0 .LBB2_2-.Ltmp0, $4  }
0xf: {  	s8 =	sadd.s32 $0x2C600, s8;
	[sflag:s7] =	ssyncadd.s32 $0xFFFFCE00  }
0x10: {  	[hbm4b:s8+s2] =	stream.linear.scatter [tilespmem:s6], [sflag:$0x2], $0x3200, $0x38;
	[tilespmem:$0x32A0] =	vst v63  }
0x11: {  	_ =	swait.ge [sflag:s3], $0x3200  }
0x12: {  	s9 =	sadd.s32 $0xFFFFFFFF, s9;
	[sflag:s3] =	ssyncset.done $0x0  }
.LBB2_1:
0x13: {  	p0 =	sne.s32 s9, $0x1;
	s9 =	sadd.s32 $0xFFFFFFFF, s9;
	[sflag:s3] =	ssyncadd.s32 $0xFFFFCE00  }
0x14: {  	[tilespmem:s2], [sflag:$0x2] =	stream.linear.gather [hbm4b:s4+s2], $0xA0, $0x38;
	[tilespmem:$0x32A0] =	vst v63  }
0x15: {  	_ =	swait.ge [sflag:s3], $0xA0  }
0x16: {  	[sflag:s3] =	ssyncset.done $0x0  }
0x17: {  	[sflag:s3] =	ssyncadd.s32 $0xFFFFFF60  }
0x18: {  	[tilespmem:s6], [sflag:$0x1] =	stream.indirect.gather [hbm4b:s5+s6], $0x50, s2, s6, $0xb8;
	[tilespmem:$0x32A0] =	vst v63  }
0x19: {  	_ =	swait.ge [sflag:s7], $0x3200  }
.Ltmp1:
0x1a: {  	[sflag:s7] =	ssyncset.done $0x0;
	(pc) =	sbr.rel @p0 .LBB2_1-.Ltmp1, $4  }
0x1b: {  	[sflag:s7] =	ssyncadd.s32 $0xFFFFCE00  }
0x1c: {  	[hbm4b:s8+s2] =	stream.linear.scatter [tilespmem:s6], [sflag:$0x2], $0x3200, $0x38;
	[tilespmem:$0x32A0] =	vst v63  }
0x1d: {  	_ =	swait.ge [sflag:s3], $0x3200  }
0x1e: {  	[sflag:s3] =	ssyncset.done $0x0  }
.LBB2_2:
0x1f: {  	[sflag:s3] =	ssyncadd.s32 $0xFFFFCE00  }
0x20: {  	_ =	sfence.sel $0x180000  }
0x21: {  	[bflag:$0x0] =	sbarrier.arrive $0xFFFF  }
0x22: {  	p0 =	sne.s32 s0, $0x0;
	_ =	strace $0x9000004A  }
0x23: {  	s0 =	sadd.s32 @!p0 $0x100000, s1;
	[bflag:$0x2] =	sbarrier.arrive $0xFFFF  }
0x24: {  	[sflag:s0] =	ssyncadd.tile.s32 @!p0 $0x1;
	_ =	shalt  }
.Lfunc_end2:
_tile_overlayer_lowered:
.L_overlay_start_2:
0x25: {  	(tag) =	ssettag $0x2  }
0x26: {  	s0 =	rddreg [dreg:$0x0];
	s2 =	stileid.u32  }
0x27: {  	s1 =	rddreg [dreg:$0x1];
	p0 =	sne.s32 s2, $0x0  }
0x28: {  	s3 =	rddreg [dreg:$0x2];
	[bflag:$0x3] =	sbarrier.arrive $0xFFFF;
	s2 =	simm.s32 @!p0 $0x1C02  }
0x29: {  	[timem:s3], [sflag:s2] =	dma.local @!p0 [hbm:s0], s1  }
0x2a: {  	s0 =	simm.s32 @!p0 $0x2  }
0x2b: {  	_ =	swait.ge @!p0 [sflag:s0], s1  }
0x2c: {  	s1 =	ssub.s32 @!p0 $0x0, s1;
	[sflag:s0] =	ssyncset.done @!p0 $0x0  }
0x2d: {  	[sflag:s0] =	ssyncadd.s32 @!p0 s1  }
0x2e: {  	[bflag:$0x3] =	sbarrier.arrive $0xFFFF  }
0x2f: {  	_ =	shalt  }

// kernel: kernel.17.cloned.1.call-start
scs
__scs_entry_jumppad:
0x0: {  	(pc) =	sbr.rel $0x88, $3  }
0x1: {  	(tag) =	ssettag $0x0;
	lr =	simm.s32 $0x1  }
0x2: {  	[smem:$0x3F91] =	sst lr;
	_ =	strace $0xD0000000  }
0x3: {  	_ = 	snop  }
0x4: {  	_ = 	snop  }
0x5: {  	_ = 	snop  }
0x6: {  	_ = 	snop  }
0x7: {  	_ = 	snop  }
__scs_overlays_trampoline_lowered:
0x8: {  	[smem:$0x3FA0] =	sst s0  }
0x9: {  	[smem:$0x3FA1] =	sst s1  }
0xa: {  	[smem:$0x3FA2] =	sst s2  }
0xb: {  	[smem:$0x3FA3] =	sst s3  }
0xc: {  	[smem:$0x3FA4] =	sst s4  }
0xd: {  	[smem:$0x3FA5] =	sst s5  }
0xe: {  	[smem:$0x3FA6] =	sst s6  }
0xf: {  	[smem:$0x3FA7] =	sst s7  }
0x10: {  	[smem:$0x3FA8] =	sst s8  }
0x11: {  	[smem:$0x3FA9] =	sst s9;
	s0 =	simm.s32 @!p0 $0x0  }
0x12: {  	s1 =	sld [smem:$0x3F8F];
	s0 =	simm.s32 @p0 $0x1  }
0x13: {  	[smem:$0x3FAA] =	sst s0;
	s0 =	simm.s32 @!p1 $0x0  }
0x14: {  	s2 =	sld [smem:$0x3F8E];
	s0 =	simm.s32 @p1 $0x1  }
0x15: {  	[smem:$0x3FAB] =	sst s0;
	s0 =	simm.s32 @!p2 $0x0  }
0x16: {  	s3 =	sld [smem:$0x3FDB];
	s0 =	simm.s32 @p2 $0x1  }
0x17: {  	s4 =	simm.s32 $0x1BF5;
	[smem:$0x3FAD] =	sst s0  }
0x18: {  	s0 =	sld [smem:$0x3F90];
	_ =	swait.ge [sflag:s4], $0x0  }
0x19: {  	s7 =	sld [smem:$0x3F91]  }
0x1a: {  	s8 =	sadd.s32 $0xFFFFE003, lr  }
0x1b: {  	s9 =	sadd.s32 $0xFFFFFEF7, lr;
	s5 =	simm.s32 $0xFFFFFFFF;
	p2 =	slt.u32 s8, $0xFFFFF086  }
0x1c: {  	p1 =	slt.u32 s9, $0xF7A;
	s5 =	simm.s32 @!p2 $0x0  }
0x1d: {  	s5 =	simm.s32 @p1 $0x1;
	p0 =	seq.s32 s7, s2  }
0x1e: {  	s7 =	smul.u32 @!p0 $0xF7A, s2;
	p2 =	seq.s32 @!p0 s5, $0x0  }
0x1f: {  	s9 =	smul.u32 $0xF7A, s1;
	s8 =	simm.s32 @!p0 $0x1BF5;
	p2 =	por !p2, p0  }
0x20: {  	[sflag:s8] =	ssyncset.s32 @!p0 $0xFFFFF086;
	s6 =	sadd.s32 @!p0 s3, s7;
	s7 =	simm.s32 @!p0 $0x108  }
0x21: {  	s3 =	sadd.s32 s3, s9;
	s6 =	sadd.s32 @!p0 $0x88, s6;
	s7 =	simm.s32 @p2 $0x1082  }
0x22: {  	[simem:s7], [sflag:s8] =	dma.local @!p0 [hbm:s6], $0xF7A  }
0x23: {  	s9 =	sor.u32 $0xD0000000, s2;
	s6 =	simm.s32 $0x108;
	_ =	swait.ge @!p0 [sflag:s8], $0x0  }
0x24: {  	s3 =	sadd.s32 $0x88, s3;
	s6 =	simm.s32 @!p1 $0x1082;
	[sflag:s4] =	ssyncset.s32 $0xFFFFF086  }
0x25: {  	[simem:s6], [sflag:s4] =	dma.local [hbm:s3], $0xF7A  }
0x26: {  	[smem:$0x3F91] =	sst s1;
	(tag) =	ssettag s2;
	_ =	strace s9  }
0x27: {  	s1 =	sld [smem:$0x3FA1]  }
0x28: {  	s2 =	sld [smem:$0x3FA2]  }
0x29: {  	s4 =	sld [smem:$0x3FA4]  }
0x2a: {  	p0 =	seq.s32 s5, $0x0;
	s5 =	sld [smem:$0x3FA5]  }
0x2b: {  	s6 =	sld [smem:$0x3FA6]  }
0x2c: {  	s7 =	sld [smem:$0x3FA7]  }
0x2d: {  	s3 =	simm.s32 $0x108;
	s8 =	sld [smem:$0x3FA8]  }
0x2e: {  	s3 =	simm.s32 @!p0 $0x1082;
	s9 =	sld [smem:$0x3FA9]  }
0x2f: {  	lr =	sadd.s32 s0, s3;
	s0 =	sld [smem:$0x3FA0]  }
0x30: {  	s3 =	sld [smem:$0x3FA3]  }
0x31: {  	[smem:$0x3FAC] =	sst s10  }
0x32: {  	s10 =	sld [smem:$0x3FAA];
	_ =	sdelay $0x3  }
0x33: {  	p0 =	seq.s32 s10, $0x1;
	s10 =	sld [smem:$0x3FAC];
	_ =	sdelay $0x3  }
0x34: {  	[smem:$0x3FAC] =	sst s10  }
0x35: {  	s10 =	sld [smem:$0x3FAB];
	_ =	sdelay $0x3  }
0x36: {  	p1 =	seq.s32 s10, $0x1;
	s10 =	sld [smem:$0x3FAC];
	_ =	sdelay $0x3  }
0x37: {  	[smem:$0x3FAC] =	sst s10  }
0x38: {  	s10 =	sld [smem:$0x3FAD]  }
0x39: {  	_ = 	snop;
	(pc) =	sbr.ind lr, $3  }
0x3a: {  	_ = 	snop  }
0x3b: {  	_ = 	snop  }
0x3c: {  	p2 =	seq.s32 s10, $0x1;
	s10 =	sld [smem:$0x3FAC]  }
0x3d: {  	_ =	shalt  }
0x3e: {  	_ =	shalt  }
0x3f: {  	_ =	shalt  }
0x40: {  	_ =	shalt  }
0x41: {  	_ =	shalt  }
0x42: {  	_ =	shalt  }
0x43: {  	_ =	shalt  }
0x44: {  	_ =	shalt  }
0x45: {  	_ =	shalt  }
0x46: {  	_ =	shalt  }
0x47: {  	_ =	shalt  }
0x48: {  	_ =	shalt  }
0x49: {  	_ =	shalt  }
0x4a: {  	_ =	shalt  }
0x4b: {  	_ =	shalt  }
0x4c: {  	_ =	shalt  }
0x4d: {  	_ =	shalt  }
0x4e: {  	_ =	shalt  }
0x4f: {  	_ =	shalt  }
0x50: {  	_ =	shalt  }
0x51: {  	_ =	shalt  }
0x52: {  	_ =	shalt  }
0x53: {  	_ =	shalt  }
0x54: {  	_ =	shalt  }
0x55: {  	_ =	shalt  }
0x56: {  	_ =	shalt  }
0x57: {  	_ =	shalt  }
0x58: {  	_ =	shalt  }
0x59: {  	_ =	shalt  }
0x5a: {  	_ =	shalt  }
0x5b: {  	_ =	shalt  }
0x5c: {  	_ =	shalt  }
0x5d: {  	_ =	shalt  }
0x5e: {  	_ =	shalt  }
0x5f: {  	_ =	shalt  }
0x60: {  	_ =	shalt  }
0x61: {  	_ =	shalt  }
0x62: {  	_ =	shalt  }
0x63: {  	_ =	shalt  }
0x64: {  	_ =	shalt  }
0x65: {  	_ =	shalt  }
0x66: {  	_ =	shalt  }
0x67: {  	_ =	shalt  }
0x68: {  	_ =	shalt  }
0x69: {  	_ =	shalt  }
0x6a: {  	_ =	shalt  }
0x6b: {  	_ =	shalt  }
0x6c: {  	_ =	shalt  }
0x6d: {  	_ =	shalt  }
0x6e: {  	_ =	shalt  }
0x6f: {  	_ =	shalt  }
0x70: {  	_ =	shalt  }
0x71: {  	_ =	shalt  }
0x72: {  	_ =	shalt  }
0x73: {  	_ =	shalt  }
0x74: {  	_ =	shalt  }
0x75: {  	_ =	shalt  }
0x76: {  	_ =	shalt  }
0x77: {  	_ =	shalt  }
0x78: {  	_ =	shalt  }
0x79: {  	_ =	shalt  }
0x7a: {  	_ =	shalt  }
0x7b: {  	_ =	shalt  }
0x7c: {  	_ =	shalt  }
0x7d: {  	_ =	shalt  }
0x7e: {  	_ =	shalt  }
0x7f: {  	_ =	shalt  }
0x80: {  	_ =	shalt  }
0x81: {  	_ =	shalt  }
0x82: {  	_ =	shalt  }
0x83: {  	_ =	shalt  }
0x84: {  	_ =	shalt  }
0x85: {  	_ =	shalt  }
0x86: {  	_ =	shalt  }
0x87: {  	_ =	shalt  }
.Lfunc_end0:
.L_simem_size_0:
called_computation.2_lowered:
.L_overlay_start_0:
0x88: {  	s2 =	sld [smem:$0x3FD9]  }
0x89: {  	s3 =	sld [smem:$0x3FFE];
	_ =	sdelay $0x1  }
0x8a: {  	s1 =	srdreg.scid  }
0x8b: {  	s0 =	sand.u32 $0x1, s1  }
0x8c: {  	s16 =	sshll.u32 s0, $0xA;
	s2 =	sadd.s32 s3, s2  }
0x8d: {  	s2 =	sadd.s32 s2, s16  }
0x8e: {  	[smem:$0x3FB8] =	sst s2  }
0x8f: {  	_ = 	snop  }
0x90: {  	(tm) =	ssettm $0x1  }
0x91: {  	s17 =	sld [smem:$0x3FFB];
	_ =	sdelay $0x3  }
0x92: {  	_ =	strace s17  }
0x93: {  	s2 =	sld [smem:$0x3FFC];
	_ =	sdelay $0x3  }
0x94: {  	_ =	strace s2  }
0x95: {  	s2 =	sld [smem:$0x3FFD];
	_ =	sdelay $0x3  }
0x96: {  	_ =	strace s2  }
0x97: {  	_ =	strace $0x8FFFFFFF  }
0x98: {  	s18 =	sld [smem:$0x3FDB];
	_ =	sdelay $0x1  }
0x99: {  	s19 =	simm.s32 $_scs_section_size  }
0x9a: {  	s4 =	simm.s32 $_size__tile_overlayer_lowered;
	s5 =	simm.s32 $_tile_overlayer_lowered  }
0x9b: {  	s22 =	simm.s32 $0x1BFF;
	s21 =	sshll.u32 s5, $0x1;
	s2 =	sadd.s32 s19, s18  }
0x9c: {  	s6 =	simm.s32 $0x0;
	s20 =	sshll.u32 s4, $0x1;
	s4 =	sadd.s32 s21, s2  }
0x9d: {  	[timem:s6], [sflag:s22] =	dma.local [hbm:s4], s20  }
0x9e: {  	_ =	swait.ge [sflag:s22], s20  }
0x9f: {  	s3 =	ssub.s32 $0x0, s20;
	[sflag:s22] =	ssyncset.done $0x0  }
0xa0: {  	[sflag:s22] =	ssyncadd.s32 s3;
	_ =	sdelay $0x1  }
0xa1: {  	s23 =	simm.s32 $0x1B8B  }
0xa2: {  	_ =	swait.ge [sflag:s23], $0x1  }
0xa3: {  	[sflag:s23] =	ssyncset.done $0x0  }
0xa4: {  	s25 =	simm.s32 $0x1B8E;
	s24 =	sld [smem:$0x3FFE];
	[sflag:s23] =	ssyncadd.s32 $0xFFFFFFFF  }
0xa5: {  	s26 =	simm.s32 $execute0_lowered;
	[smem:$0x3FD2] =	sst s25  }
0xa6: {  	s4 =	sshll.u32 s26, $0x1;
	_ =	strace $0x8000004C;
	[dreg:$0x1] =	wrdreg $0xFFFFFFFF  }
0xa7: {  	s28 =	simm.s32 $_size_execute0_lowered;
	s2 =	sadd.s32 s2, s4;
	[dreg:$0x0] =	wrdreg $0x0  }
0xa8: {  	s4 =	sshll.u32 s28, $0x1;
	[dreg:$0x2] =	wrdreg s2  }
0xa9: {  	[dreg:$0x3] =	wrdreg s4  }
0xaa: {  	[dreg:$0x4] =	wrdreg $0xC0  }
0xab: {  	_ =	task [dreg:s6], $0x5FFFF  }
0xac: {  	[dreg:$0x1] =	wrdreg $0xFFFFFFFF  }
0xad: {  	[dreg:$0x0] =	wrdreg $0x60  }
0xae: {  	[dreg:$0x2] =	wrdreg s24  }
0xaf: {  	[dreg:$0x3] =	wrdreg $0x9  }
0xb0: {  	_ =	task.clear_ibuf [dreg:s6], $0x4FFFF;
	_ =	strace $0x9000004C  }
0xb1: {  	s29 =	simm.s32 $0x9;
	_ =	strace $0x8000004E  }
0xb2: {  	_ =	swait.ge [sflag:s29], $0x1  }
0xb3: {  	[sflag:s29] =	ssyncadd.s32 $0xFFFFFFFF  }
0xb4: {  	_ =	strace $0x9000004E  }
0xb5: {  	_ =	sfence  }
0xb6: {  	s30 =	sld [smem:$0x0];
	_ =	sdelay $0x2  }
0xb7: {  	s31 =	sshll.u32 s1, $0xD;
	s1 =	sshrl.u32 s1, $0x2  }
0xb8: {  	s3 =	sand.u32 $0x4000, s31;
	s1 =	sadd.s32 s1, s30  }
0xb9: {  	s0 =	sor.u32 s3, s0;
	s1 =	sshll.u32 s1, $0x11  }
0xba: {  	s0 =	sor.u32 s1, s0  }
0xbb: {  	s0 =	sadd.s32 $0x8F2B, s0  }
0xbc: {  	[sflag:s0] =	ssyncadd.remote.s32 $0x1  }
0xbd: {  	_ =	sfence.sel $0xFFFF  }
0xbe: {  	[dreg:$0x0] =	wrdreg $0xFFFFFFFF;
	(pc) =	sbr.abs _section_cstart, $3  }
0xbf: {  	[dreg:$0x1] =	wrdreg $0xFFFFFFFF  }
0xc0: {  	_ =	task.clear_ibuf [dreg:s6], $0x2FFFF;
	_ =	strace $0x9FFFFFFF  }
0xc1: {  	(tm) =	ssettm $0x7FFFFFFF  }
tec
execute0_lowered:
.L_overlay_start_1:
0x0: {  	(tag) =	ssettag $0x1  }
0x1: {  	s1 =	srdreg.scid;
	s0 =	stileid.u32  }
0x2: {  	s6 =	sand.u32 $0x1, s1;
	s30 =	sshll.u32 s0, $0x1  }
0x3: {  	s8 =	rddreg [dreg:$0x0];
	s7 =	sor.u32 s6, s30  }
0x4: {  	s2 =	simm.s32 $0x0;
	s1 =	rddreg [dreg:$0x1];
	s3 =	smul.u32 $0x50, s7  }
0x5: {  	[smem:$0x7FF] =	sst s2;
	s5 =	sadd.s32 $0x2C600, s8  }
0x6: {  	_ =	strace $0x8000004D;
	s10 =	ssub.s32 $0x2, s6;
	s3 =	sadd.s32 s3, s8  }
0x7: {  	s6 =	simm.s32 $0x280;
	s4 =	sadd.s32 $0x8A00, s3;
	s3 =	simm.s32 $0x2  }
0x8: {  	[tilespmem:s2], [sflag:$0x2] =	stream.linear.gather [hbm4b:s4+s2], $0x280, $0x38;
	[tilespmem:$0xCA80] =	vst v63  }
0x9: {  	s9 =	smul.u32 $0x1900, s7;
	s11 =	sshrl.u32 s10, $0x1;
	_ =	swait.ge [sflag:s3], $0x280  }
0xa: {  	s7 =	simm.s32 $0x1;
	s31 =	ssub.s32 s10, s11;
	[sflag:s3] =	ssyncset.done $0x0  }
0xb: {  	s8 =	sadd.s32 s9, s8;
	s9 =	smax.u32 s31, $0x1;
	[sflag:s3] =	ssyncadd.s32 $0xFFFFFD80  }
0xc: {  	[tilespmem:s6], [sflag:$0x1] =	stream.indirect.gather [hbm4b:s5+s6], $0x50, s2, s6, $0xb8;
	[tilespmem:$0xCA80] =	vst v63  }
0xd: {  	p0 =	sne.s32 s9, $0x1;
	_ =	swait.ge [sflag:s7], $0xC800  }
.Ltmp0:
0xe: {  	[sflag:s7] =	ssyncset.done $0x0;
	(pc) =	sbr.rel @!p0 .LBB2_2-.Ltmp0, $4  }
0xf: {  	s8 =	sadd.s32 $0x38E00, s8;
	[sflag:s7] =	ssyncadd.s32 $0xFFFF3800  }
0x10: {  	[hbm4b:s8+s2] =	stream.linear.scatter [tilespmem:s6], [sflag:$0x2], $0xC800, $0x38;
	[tilespmem:$0xCA80] =	vst v63  }
0x11: {  	_ =	swait.ge [sflag:s3], $0xC800  }
0x12: {  	s9 =	sadd.s32 $0xFFFFFFFF, s9;
	[sflag:s3] =	ssyncset.done $0x0  }
.LBB2_1:
0x13: {  	p0 =	sne.s32 s9, $0x1;
	s9 =	sadd.s32 $0xFFFFFFFF, s9;
	[sflag:s3] =	ssyncadd.s32 $0xFFFF3800  }
0x14: {  	[tilespmem:s2], [sflag:$0x2] =	stream.linear.gather [hbm4b:s4+s2], $0x280, $0x38;
	[tilespmem:$0xCA80] =	vst v63  }
0x15: {  	_ =	swait.ge [sflag:s3], $0x280  }
0x16: {  	[sflag:s3] =	ssyncset.done $0x0  }
0x17: {  	[sflag:s3] =	ssyncadd.s32 $0xFFFFFD80  }
0x18: {  	[tilespmem:s6], [sflag:$0x1] =	stream.indirect.gather [hbm4b:s5+s6], $0x50, s2, s6, $0xb8;
	[tilespmem:$0xCA80] =	vst v63  }
0x19: {  	_ =	swait.ge [sflag:s7], $0xC800  }
.Ltmp1:
0x1a: {  	[sflag:s7] =	ssyncset.done $0x0;
	(pc) =	sbr.rel @p0 .LBB2_1-.Ltmp1, $4  }
0x1b: {  	[sflag:s7] =	ssyncadd.s32 $0xFFFF3800  }
0x1c: {  	[hbm4b:s8+s2] =	stream.linear.scatter [tilespmem:s6], [sflag:$0x2], $0xC800, $0x38;
	[tilespmem:$0xCA80] =	vst v63  }
0x1d: {  	_ =	swait.ge [sflag:s3], $0xC800  }
0x1e: {  	[sflag:s3] =	ssyncset.done $0x0  }
.LBB2_2:
0x1f: {  	[sflag:s3] =	ssyncadd.s32 $0xFFFF3800  }
0x20: {  	_ =	sfence.sel $0x180000  }
0x21: {  	[bflag:$0x0] =	sbarrier.arrive $0xFFFF  }
0x22: {  	p0 =	sne.s32 s0, $0x0;
	_ =	strace $0x9000004D  }
0x23: {  	s0 =	sadd.s32 @!p0 $0x100000, s1;
	[bflag:$0x2] =	sbarrier.arrive $0xFFFF  }
0x24: {  	[sflag:s0] =	ssyncadd.tile.s32 @!p0 $0x1;
	_ =	shalt  }
.Lfunc_end2:
_tile_overlayer_lowered:
.L_overlay_start_2:
0x25: {  	(tag) =	ssettag $0x2  }
0x26: {  	s0 =	rddreg [dreg:$0x0];
	s2 =	stileid.u32  }
0x27: {  	s1 =	rddreg [dreg:$0x1];
	p0 =	sne.s32 s2, $0x0  }
0x28: {  	s3 =	rddreg [dreg:$0x2];
	[bflag:$0x3] =	sbarrier.arrive $0xFFFF;
	s2 =	simm.s32 @!p0 $0x1C02  }
0x29: {  	[timem:s3], [sflag:s2] =	dma.local @!p0 [hbm:s0], s1  }
0x2a: {  	s0 =	simm.s32 @!p0 $0x2  }
0x2b: {  	_ =	swait.ge @!p0 [sflag:s0], s1  }
0x2c: {  	s1 =	ssub.s32 @!p0 $0x0, s1;
	[sflag:s0] =	ssyncset.done @!p0 $0x0  }
0x2d: {  	[sflag:s0] =	ssyncadd.s32 @!p0 s1  }
0x2e: {  	[bflag:$0x3] =	sbarrier.arrive $0xFFFF  }
0x2f: {  	_ =	shalt  }

// kernel: kernel.20.cloned.1.call-start
scs
__scs_entry_jumppad:
0x0: {  	(pc) =	sbr.rel $0x88, $3  }
0x1: {  	(tag) =	ssettag $0x0;
	lr =	simm.s32 $0x1  }
0x2: {  	[smem:$0x3F91] =	sst lr;
	_ =	strace $0xD0000000  }
0x3: {  	_ = 	snop  }
0x4: {  	_ = 	snop  }
0x5: {  	_ = 	snop  }
0x6: {  	_ = 	snop  }
0x7: {  	_ = 	snop  }
__scs_overlays_trampoline_lowered:
0x8: {  	[smem:$0x3FA0] =	sst s0  }
0x9: {  	[smem:$0x3FA1] =	sst s1  }
0xa: {  	[smem:$0x3FA2] =	sst s2  }
0xb: {  	[smem:$0x3FA3] =	sst s3  }
0xc: {  	[smem:$0x3FA4] =	sst s4  }
0xd: {  	[smem:$0x3FA5] =	sst s5  }
0xe: {  	[smem:$0x3FA6] =	sst s6  }
0xf: {  	[smem:$0x3FA7] =	sst s7  }
0x10: {  	[smem:$0x3FA8] =	sst s8  }
0x11: {  	[smem:$0x3FA9] =	sst s9;
	s0 =	simm.s32 @!p0 $0x0  }
0x12: {  	s1 =	sld [smem:$0x3F8F];
	s0 =	simm.s32 @p0 $0x1  }
0x13: {  	[smem:$0x3FAA] =	sst s0;
	s0 =	simm.s32 @!p1 $0x0  }
0x14: {  	s2 =	sld [smem:$0x3F8E];
	s0 =	simm.s32 @p1 $0x1  }
0x15: {  	[smem:$0x3FAB] =	sst s0;
	s0 =	simm.s32 @!p2 $0x0  }
0x16: {  	s3 =	sld [smem:$0x3FDB];
	s0 =	simm.s32 @p2 $0x1  }
0x17: {  	s4 =	simm.s32 $0x1BF5;
	[smem:$0x3FAD] =	sst s0  }
0x18: {  	s0 =	sld [smem:$0x3F90];
	_ =	swait.ge [sflag:s4], $0x0  }
0x19: {  	s7 =	sld [smem:$0x3F91]  }
0x1a: {  	s8 =	sadd.s32 $0xFFFFE003, lr  }
0x1b: {  	s9 =	sadd.s32 $0xFFFFFEF7, lr;
	s5 =	simm.s32 $0xFFFFFFFF;
	p2 =	slt.u32 s8, $0xFFFFF086  }
0x1c: {  	p1 =	slt.u32 s9, $0xF7A;
	s5 =	simm.s32 @!p2 $0x0  }
0x1d: {  	s5 =	simm.s32 @p1 $0x1;
	p0 =	seq.s32 s7, s2  }
0x1e: {  	s7 =	smul.u32 @!p0 $0xF7A, s2;
	p2 =	seq.s32 @!p0 s5, $0x0  }
0x1f: {  	s9 =	smul.u32 $0xF7A, s1;
	s8 =	simm.s32 @!p0 $0x1BF5;
	p2 =	por !p2, p0  }
0x20: {  	[sflag:s8] =	ssyncset.s32 @!p0 $0xFFFFF086;
	s6 =	sadd.s32 @!p0 s3, s7;
	s7 =	simm.s32 @!p0 $0x108  }
0x21: {  	s3 =	sadd.s32 s3, s9;
	s6 =	sadd.s32 @!p0 $0x88, s6;
	s7 =	simm.s32 @p2 $0x1082  }
0x22: {  	[simem:s7], [sflag:s8] =	dma.local @!p0 [hbm:s6], $0xF7A  }
0x23: {  	s9 =	sor.u32 $0xD0000000, s2;
	s6 =	simm.s32 $0x108;
	_ =	swait.ge @!p0 [sflag:s8], $0x0  }
0x24: {  	s3 =	sadd.s32 $0x88, s3;
	s6 =	simm.s32 @!p1 $0x1082;
	[sflag:s4] =	ssyncset.s32 $0xFFFFF086  }
0x25: {  	[simem:s6], [sflag:s4] =	dma.local [hbm:s3], $0xF7A  }
0x26: {  	[smem:$0x3F91] =	sst s1;
	(tag) =	ssettag s2;
	_ =	strace s9  }
0x27: {  	s1 =	sld [smem:$0x3FA1]  }
0x28: {  	s2 =	sld [smem:$0x3FA2]  }
0x29: {  	s4 =	sld [smem:$0x3FA4]  }
0x2a: {  	p0 =	seq.s32 s5, $0x0;
	s5 =	sld [smem:$0x3FA5]  }
0x2b: {  	s6 =	sld [smem:$0x3FA6]  }
0x2c: {  	s7 =	sld [smem:$0x3FA7]  }
0x2d: {  	s3 =	simm.s32 $0x108;
	s8 =	sld [smem:$0x3FA8]  }
0x2e: {  	s3 =	simm.s32 @!p0 $0x1082;
	s9 =	sld [smem:$0x3FA9]  }
0x2f: {  	lr =	sadd.s32 s0, s3;
	s0 =	sld [smem:$0x3FA0]  }
0x30: {  	s3 =	sld [smem:$0x3FA3]  }
0x31: {  	[smem:$0x3FAC] =	sst s10  }
0x32: {  	s10 =	sld [smem:$0x3FAA];
	_ =	sdelay $0x3  }
0x33: {  	p0 =	seq.s32 s10, $0x1;
	s10 =	sld [smem:$0x3FAC];
	_ =	sdelay $0x3  }
0x34: {  	[smem:$0x3FAC] =	sst s10  }
0x35: {  	s10 =	sld [smem:$0x3FAB];
	_ =	sdelay $0x3  }
0x36: {  	p1 =	seq.s32 s10, $0x1;
	s10 =	sld [smem:$0x3FAC];
	_ =	sdelay $0x3  }
0x37: {  	[smem:$0x3FAC] =	sst s10  }
0x38: {  	s10 =	sld [smem:$0x3FAD]  }
0x39: {  	_ = 	snop;
	(pc) =	sbr.ind lr, $3  }
0x3a: {  	_ = 	snop  }
0x3b: {  	_ = 	snop  }
0x3c: {  	p2 =	seq.s32 s10, $0x1;
	s10 =	sld [smem:$0x3FAC]  }
0x3d: {  	_ =	shalt  }
0x3e: {  	_ =	shalt  }
0x3f: {  	_ =	shalt  }
0x40: {  	_ =	shalt  }
0x41: {  	_ =	shalt  }
0x42: {  	_ =	shalt  }
0x43: {  	_ =	shalt  }
0x44: {  	_ =	shalt  }
0x45: {  	_ =	shalt  }
0x46: {  	_ =	shalt  }
0x47: {  	_ =	shalt  }
0x48: {  	_ =	shalt  }
0x49: {  	_ =	shalt  }
0x4a: {  	_ =	shalt  }
0x4b: {  	_ =	shalt  }
0x4c: {  	_ =	shalt  }
0x4d: {  	_ =	shalt  }
0x4e: {  	_ =	shalt  }
0x4f: {  	_ =	shalt  }
0x50: {  	_ =	shalt  }
0x51: {  	_ =	shalt  }
0x52: {  	_ =	shalt  }
0x53: {  	_ =	shalt  }
0x54: {  	_ =	shalt  }
0x55: {  	_ =	shalt  }
0x56: {  	_ =	shalt  }
0x57: {  	_ =	shalt  }
0x58: {  	_ =	shalt  }
0x59: {  	_ =	shalt  }
0x5a: {  	_ =	shalt  }
0x5b: {  	_ =	shalt  }
0x5c: {  	_ =	shalt  }
0x5d: {  	_ =	shalt  }
0x5e: {  	_ =	shalt  }
0x5f: {  	_ =	shalt  }
0x60: {  	_ =	shalt  }
0x61: {  	_ =	shalt  }
0x62: {  	_ =	shalt  }
0x63: {  	_ =	shalt  }
0x64: {  	_ =	shalt  }
0x65: {  	_ =	shalt  }
0x66: {  	_ =	shalt  }
0x67: {  	_ =	shalt  }
0x68: {  	_ =	shalt  }
0x69: {  	_ =	shalt  }
0x6a: {  	_ =	shalt  }
0x6b: {  	_ =	shalt  }
0x6c: {  	_ =	shalt  }
0x6d: {  	_ =	shalt  }
0x6e: {  	_ =	shalt  }
0x6f: {  	_ =	shalt  }
0x70: {  	_ =	shalt  }
0x71: {  	_ =	shalt  }
0x72: {  	_ =	shalt  }
0x73: {  	_ =	shalt  }
0x74: {  	_ =	shalt  }
0x75: {  	_ =	shalt  }
0x76: {  	_ =	shalt  }
0x77: {  	_ =	shalt  }
0x78: {  	_ =	shalt  }
0x79: {  	_ =	shalt  }
0x7a: {  	_ =	shalt  }
0x7b: {  	_ =	shalt  }
0x7c: {  	_ =	shalt  }
0x7d: {  	_ =	shalt  }
0x7e: {  	_ =	shalt  }
0x7f: {  	_ =	shalt  }
0x80: {  	_ =	shalt  }
0x81: {  	_ =	shalt  }
0x82: {  	_ =	shalt  }
0x83: {  	_ =	shalt  }
0x84: {  	_ =	shalt  }
0x85: {  	_ =	shalt  }
0x86: {  	_ =	shalt  }
0x87: {  	_ =	shalt  }
.Lfunc_end0:
.L_simem_size_0:
called_computation.3_lowered:
.L_overlay_start_0:
0x88: {  	s2 =	sld [smem:$0x3FD9]  }
0x89: {  	s3 =	sld [smem:$0x3FFE];
	_ =	sdelay $0x1  }
0x8a: {  	s1 =	srdreg.scid  }
0x8b: {  	s0 =	sand.u32 $0x1, s1  }
0x8c: {  	s16 =	sshll.u32 s0, $0xA;
	s2 =	sadd.s32 s3, s2  }
0x8d: {  	s2 =	sadd.s32 s2, s16  }
0x8e: {  	[smem:$0x3FB8] =	sst s2  }
0x8f: {  	_ = 	snop  }
0x90: {  	(tm) =	ssettm $0x1  }
0x91: {  	s17 =	sld [smem:$0x3FFB];
	_ =	sdelay $0x3  }
0x92: {  	_ =	strace s17  }
0x93: {  	s2 =	sld [smem:$0x3FFC];
	_ =	sdelay $0x3  }
0x94: {  	_ =	strace s2  }
0x95: {  	s2 =	sld [smem:$0x3FFD];
	_ =	sdelay $0x3  }
0x96: {  	_ =	strace s2  }
0x97: {  	_ =	strace $0x8FFFFFFF  }
0x98: {  	s18 =	sld [smem:$0x3FDB];
	_ =	sdelay $0x1  }
0x99: {  	s19 =	simm.s32 $_scs_section_size  }
0x9a: {  	s4 =	simm.s32 $_size__tile_overlayer_lowered;
	s5 =	simm.s32 $_tile_overlayer_lowered  }
0x9b: {  	s22 =	simm.s32 $0x1BFF;
	s21 =	sshll.u32 s5, $0x1;
	s2 =	sadd.s32 s19, s18  }
0x9c: {  	s6 =	simm.s32 $0x0;
	s20 =	sshll.u32 s4, $0x1;
	s4 =	sadd.s32 s21, s2  }
0x9d: {  	[timem:s6], [sflag:s22] =	dma.local [hbm:s4], s20  }
0x9e: {  	_ =	swait.ge [sflag:s22], s20  }
0x9f: {  	s3 =	ssub.s32 $0x0, s20;
	[sflag:s22] =	ssyncset.done $0x0  }
0xa0: {  	[sflag:s22] =	ssyncadd.s32 s3;
	_ =	sdelay $0x1  }
0xa1: {  	s23 =	simm.s32 $0x1B8B  }
0xa2: {  	_ =	swait.ge [sflag:s23], $0x1  }
0xa3: {  	[sflag:s23] =	ssyncset.done $0x0  }
0xa4: {  	s25 =	simm.s32 $0x1B8E;
	s24 =	sld [smem:$0x3FFE];
	[sflag:s23] =	ssyncadd.s32 $0xFFFFFFFF  }
0xa5: {  	s26 =	simm.s32 $execute0_lowered;
	[smem:$0x3FD2] =	sst s25  }
0xa6: {  	s4 =	sshll.u32 s26, $0x1;
	_ =	strace $0x8000004F;
	[dreg:$0x1] =	wrdreg $0xFFFFFFFF  }
0xa7: {  	s28 =	simm.s32 $_size_execute0_lowered;
	s2 =	sadd.s32 s2, s4;
	[dreg:$0x0] =	wrdreg $0x0  }
0xa8: {  	s4 =	sshll.u32 s28, $0x1;
	[dreg:$0x2] =	wrdreg s2  }
0xa9: {  	[dreg:$0x3] =	wrdreg s4  }
0xaa: {  	[dreg:$0x4] =	wrdreg $0xC0  }
0xab: {  	_ =	task [dreg:s6], $0x5FFFF  }
0xac: {  	[dreg:$0x1] =	wrdreg $0xFFFFFFFF  }
0xad: {  	[dreg:$0x0] =	wrdreg $0x60  }
0xae: {  	[dreg:$0x2] =	wrdreg s24  }
0xaf: {  	[dreg:$0x3] =	wrdreg $0x9  }
0xb0: {  	_ =	task.clear_ibuf [dreg:s6], $0x4FFFF;
	_ =	strace $0x9000004F  }
0xb1: {  	s29 =	simm.s32 $0x9;
	_ =	strace $0x80000051  }
0xb2: {  	_ =	swait.ge [sflag:s29], $0x1  }
0xb3: {  	[sflag:s29] =	ssyncadd.s32 $0xFFFFFFFF  }
0xb4: {  	_ =	strace $0x90000051  }
0xb5: {  	_ =	sfence  }
0xb6: {  	s30 =	sld [smem:$0x0];
	_ =	sdelay $0x2  }
0xb7: {  	s31 =	sshll.u32 s1, $0xD;
	s1 =	sshrl.u32 s1, $0x2  }
0xb8: {  	s3 =	sand.u32 $0x4000, s31;
	s1 =	sadd.s32 s1, s30  }
0xb9: {  	s0 =	sor.u32 s3, s0;
	s1 =	sshll.u32 s1, $0x11  }
0xba: {  	s0 =	sor.u32 s1, s0  }
0xbb: {  	s0 =	sadd.s32 $0x8F2B, s0  }
0xbc: {  	[sflag:s0] =	ssyncadd.remote.s32 $0x1  }
0xbd: {  	_ =	sfence.sel $0xFFFF  }
0xbe: {  	[dreg:$0x0] =	wrdreg $0xFFFFFFFF;
	(pc) =	sbr.abs _section_cstart, $3  }
0xbf: {  	[dreg:$0x1] =	wrdreg $0xFFFFFFFF  }
0xc0: {  	_ =	task.clear_ibuf [dreg:s6], $0x2FFFF;
	_ =	strace $0x9FFFFFFF  }
0xc1: {  	(tm) =	ssettm $0x7FFFFFFF  }
tec
execute0_lowered:
.L_overlay_start_1:
0x0: {  	(tag) =	ssettag $0x1  }
0x1: {  	s1 =	srdreg.scid;
	s0 =	stileid.u32  }
0x2: {  	s6 =	sand.u32 $0x1, s1;
	s30 =	sshll.u32 s0, $0x1  }
0x3: {  	s8 =	rddreg [dreg:$0x0];
	s7 =	sor.u32 s6, s30  }
0x4: {  	s2 =	simm.s32 $0x0;
	s1 =	rddreg [dreg:$0x1];
	s3 =	smul.u32 $0xA, s7  }
0x5: {  	[smem:$0x7FF] =	sst s2;
	s5 =	sadd.s32 $0x9600, s8  }
0x6: {  	_ =	strace $0x80000050;
	s10 =	ssub.s32 $0x2, s6;
	s3 =	sadd.s32 s3, s8  }
0x7: {  	s6 =	simm.s32 $0x50;
	s4 =	sadd.s32 $0x9400, s3;
	s3 =	simm.s32 $0x2  }
0x8: {  	[tilespmem:s2], [sflag:$0x2] =	stream.linear.gather [hbm4b:s4+s2], $0x50, $0x38;
	[tilespmem:$0x1950] =	vst v63  }
0x9: {  	s9 =	smul.u32 $0x320, s7;
	s11 =	sshrl.u32 s10, $0x1;
	_ =	swait.ge [sflag:s3], $0x50  }
0xa: {  	s7 =	simm.s32 $0x1;
	s31 =	ssub.s32 s10, s11;
	[sflag:s3] =	ssyncset.done $0x0  }
0xb: {  	s8 =	sadd.s32 s9, s8;
	s9 =	smax.u32 s31, $0x1;
	[sflag:s3] =	ssyncadd.s32 $0xFFFFFFB0  }
0xc: {  	[tilespmem:s6], [sflag:$0x1] =	stream.indirect.gather [hbm4b:s5+s6], $0x50, s2, s6, $0xb8;
	[tilespmem:$0x1950] =	vst v63  }
0xd: {  	p0 =	sne.s32 s9, $0x1;
	_ =	swait.ge [sflag:s7], $0x1900  }
.Ltmp0:
0xe: {  	[sflag:s7] =	ssyncset.done $0x0;
	(pc) =	sbr.rel @!p0 .LBB2_2-.Ltmp0, $4  }
0xf: {  	s8 =	sadd.s32 $0x15E00, s8;
	[sflag:s7] =	ssyncadd.s32 $0xFFFFE700  }
0x10: {  	[hbm4b:s8+s2] =	stream.linear.scatter [tilespmem:s6], [sflag:$0x2], $0x1900, $0x38;
	[tilespmem:$0x1950] =	vst v63  }
0x11: {  	_ =	swait.ge [sflag:s3], $0x1900  }
0x12: {  	s9 =	sadd.s32 $0xFFFFFFFF, s9;
	[sflag:s3] =	ssyncset.done $0x0  }
.LBB2_1:
0x13: {  	p0 =	sne.s32 s9, $0x1;
	s9 =	sadd.s32 $0xFFFFFFFF, s9;
	[sflag:s3] =	ssyncadd.s32 $0xFFFFE700  }
0x14: {  	[tilespmem:s2], [sflag:$0x2] =	stream.linear.gather [hbm4b:s4+s2], $0x50, $0x38;
	[tilespmem:$0x1950] =	vst v63  }
0x15: {  	_ =	swait.ge [sflag:s3], $0x50  }
0x16: {  	[sflag:s3] =	ssyncset.done $0x0  }
0x17: {  	[sflag:s3] =	ssyncadd.s32 $0xFFFFFFB0  }
0x18: {  	[tilespmem:s6], [sflag:$0x1] =	stream.indirect.gather [hbm4b:s5+s6], $0x50, s2, s6, $0xb8;
	[tilespmem:$0x1950] =	vst v63  }
0x19: {  	_ =	swait.ge [sflag:s7], $0x1900  }
.Ltmp1:
0x1a: {  	[sflag:s7] =	ssyncset.done $0x0;
	(pc) =	sbr.rel @p0 .LBB2_1-.Ltmp1, $4  }
0x1b: {  	[sflag:s7] =	ssyncadd.s32 $0xFFFFE700  }
0x1c: {  	[hbm4b:s8+s2] =	stream.linear.scatter [tilespmem:s6], [sflag:$0x2], $0x1900, $0x38;
	[tilespmem:$0x1950] =	vst v63  }
0x1d: {  	_ =	swait.ge [sflag:s3], $0x1900  }
0x1e: {  	[sflag:s3] =	ssyncset.done $0x0  }
.LBB2_2:
0x1f: {  	[sflag:s3] =	ssyncadd.s32 $0xFFFFE700  }
0x20: {  	_ =	sfence.sel $0x180000  }
0x21: {  	[bflag:$0x0] =	sbarrier.arrive $0xFFFF  }
0x22: {  	p0 =	sne.s32 s0, $0x0;
	_ =	strace $0x90000050  }
0x23: {  	s0 =	sadd.s32 @!p0 $0x100000, s1;
	[bflag:$0x2] =	sbarrier.arrive $0xFFFF  }
0x24: {  	[sflag:s0] =	ssyncadd.tile.s32 @!p0 $0x1;
	_ =	shalt  }
.Lfunc_end2:
_tile_overlayer_lowered:
.L_overlay_start_2:
0x25: {  	(tag) =	ssettag $0x2  }
0x26: {  	s0 =	rddreg [dreg:$0x0];
	s2 =	stileid.u32  }
0x27: {  	s1 =	rddreg [dreg:$0x1];
	p0 =	sne.s32 s2, $0x0  }
0x28: {  	s3 =	rddreg [dreg:$0x2];
	[bflag:$0x3] =	sbarrier.arrive $0xFFFF;
	s2 =	simm.s32 @!p0 $0x1C02  }
0x29: {  	[timem:s3], [sflag:s2] =	dma.local @!p0 [hbm:s0], s1  }
0x2a: {  	s0 =	simm.s32 @!p0 $0x2  }
0x2b: {  	_ =	swait.ge @!p0 [sflag:s0], s1  }
0x2c: {  	s1 =	ssub.s32 @!p0 $0x0, s1;
	[sflag:s0] =	ssyncset.done @!p0 $0x0  }
0x2d: {  	[sflag:s0] =	ssyncadd.s32 @!p0 s1  }
0x2e: {  	[bflag:$0x3] =	sbarrier.arrive $0xFFFF  }
0x2f: {  	_ =	shalt  }

// kernel: kernel.23.cloned.1.call-start
scs
__scs_entry_jumppad:
0x0: {  	(pc) =	sbr.rel $0x88, $3  }
0x1: {  	(tag) =	ssettag $0x0;
	lr =	simm.s32 $0x1  }
0x2: {  	[smem:$0x3F91] =	sst lr;
	_ =	strace $0xD0000000  }
0x3: {  	_ = 	snop  }
0x4: {  	_ = 	snop  }
0x5: {  	_ = 	snop  }
0x6: {  	_ = 	snop  }
0x7: {  	_ = 	snop  }
__scs_overlays_trampoline_lowered:
0x8: {  	[smem:$0x3FA0] =	sst s0  }
0x9: {  	[smem:$0x3FA1] =	sst s1  }
0xa: {  	[smem:$0x3FA2] =	sst s2  }
0xb: {  	[smem:$0x3FA3] =	sst s3  }
0xc: {  	[smem:$0x3FA4] =	sst s4  }
0xd: {  	[smem:$0x3FA5] =	sst s5  }
0xe: {  	[smem:$0x3FA6] =	sst s6  }
0xf: {  	[smem:$0x3FA7] =	sst s7  }
0x10: {  	[smem:$0x3FA8] =	sst s8  }
0x11: {  	[smem:$0x3FA9] =	sst s9;
	s0 =	simm.s32 @!p0 $0x0  }
0x12: {  	s1 =	sld [smem:$0x3F8F];
	s0 =	simm.s32 @p0 $0x1  }
0x13: {  	[smem:$0x3FAA] =	sst s0;
	s0 =	simm.s32 @!p1 $0x0  }
0x14: {  	s2 =	sld [smem:$0x3F8E];
	s0 =	simm.s32 @p1 $0x1  }
0x15: {  	[smem:$0x3FAB] =	sst s0;
	s0 =	simm.s32 @!p2 $0x0  }
0x16: {  	s3 =	sld [smem:$0x3FDB];
	s0 =	simm.s32 @p2 $0x1  }
0x17: {  	s4 =	simm.s32 $0x1BF5;
	[smem:$0x3FAD] =	sst s0  }
0x18: {  	s0 =	sld [smem:$0x3F90];
	_ =	swait.ge [sflag:s4], $0x0  }
0x19: {  	s7 =	sld [smem:$0x3F91]  }
0x1a: {  	s8 =	sadd.s32 $0xFFFFE003, lr  }
0x1b: {  	s9 =	sadd.s32 $0xFFFFFEF7, lr;
	s5 =	simm.s32 $0xFFFFFFFF;
	p2 =	slt.u32 s8, $0xFFFFF086  }
0x1c: {  	p1 =	slt.u32 s9, $0xF7A;
	s5 =	simm.s32 @!p2 $0x0  }
0x1d: {  	s5 =	simm.s32 @p1 $0x1;
	p0 =	seq.s32 s7, s2  }
0x1e: {  	s7 =	smul.u32 @!p0 $0xF7A, s2;
	p2 =	seq.s32 @!p0 s5, $0x0  }
0x1f: {  	s9 =	smul.u32 $0xF7A, s1;
	s8 =	simm.s32 @!p0 $0x1BF5;
	p2 =	por !p2, p0  }
0x20: {  	[sflag:s8] =	ssyncset.s32 @!p0 $0xFFFFF086;
	s6 =	sadd.s32 @!p0 s3, s7;
	s7 =	simm.s32 @!p0 $0x108  }
0x21: {  	s3 =	sadd.s32 s3, s9;
	s6 =	sadd.s32 @!p0 $0x88, s6;
	s7 =	simm.s32 @p2 $0x1082  }
0x22: {  	[simem:s7], [sflag:s8] =	dma.local @!p0 [hbm:s6], $0xF7A  }
0x23: {  	s9 =	sor.u32 $0xD0000000, s2;
	s6 =	simm.s32 $0x108;
	_ =	swait.ge @!p0 [sflag:s8], $0x0  }
0x24: {  	s3 =	sadd.s32 $0x88, s3;
	s6 =	simm.s32 @!p1 $0x1082;
	[sflag:s4] =	ssyncset.s32 $0xFFFFF086  }
0x25: {  	[simem:s6], [sflag:s4] =	dma.local [hbm:s3], $0xF7A  }
0x26: {  	[smem:$0x3F91] =	sst s1;
	(tag) =	ssettag s2;
	_ =	strace s9  }
0x27: {  	s1 =	sld [smem:$0x3FA1]  }
0x28: {  	s2 =	sld [smem:$0x3FA2]  }
0x29: {  	s4 =	sld [smem:$0x3FA4]  }
0x2a: {  	p0 =	seq.s32 s5, $0x0;
	s5 =	sld [smem:$0x3FA5]  }
0x2b: {  	s6 =	sld [smem:$0x3FA6]  }
0x2c: {  	s7 =	sld [smem:$0x3FA7]  }
0x2d: {  	s3 =	simm.s32 $0x108;
	s8 =	sld [smem:$0x3FA8]  }
0x2e: {  	s3 =	simm.s32 @!p0 $0x1082;
	s9 =	sld [smem:$0x3FA9]  }
0x2f: {  	lr =	sadd.s32 s0, s3;
	s0 =	sld [smem:$0x3FA0]  }
0x30: {  	s3 =	sld [smem:$0x3FA3]  }
0x31: {  	[smem:$0x3FAC] =	sst s10  }
0x32: {  	s10 =	sld [smem:$0x3FAA];
	_ =	sdelay $0x3  }
0x33: {  	p0 =	seq.s32 s10, $0x1;
	s10 =	sld [smem:$0x3FAC];
	_ =	sdelay $0x3  }
0x34: {  	[smem:$0x3FAC] =	sst s10  }
0x35: {  	s10 =	sld [smem:$0x3FAB];
	_ =	sdelay $0x3  }
0x36: {  	p1 =	seq.s32 s10, $0x1;
	s10 =	sld [smem:$0x3FAC];
	_ =	sdelay $0x3  }
0x37: {  	[smem:$0x3FAC] =	sst s10  }
0x38: {  	s10 =	sld [smem:$0x3FAD]  }
0x39: {  	_ = 	snop;
	(pc) =	sbr.ind lr, $3  }
0x3a: {  	_ = 	snop  }
0x3b: {  	_ = 	snop  }
0x3c: {  	p2 =	seq.s32 s10, $0x1;
	s10 =	sld [smem:$0x3FAC]  }
0x3d: {  	_ =	shalt  }
0x3e: {  	_ =	shalt  }
0x3f: {  	_ =	shalt  }
0x40: {  	_ =	shalt  }
0x41: {  	_ =	shalt  }
0x42: {  	_ =	shalt  }
0x43: {  	_ =	shalt  }
0x44: {  	_ =	shalt  }
0x45: {  	_ =	shalt  }
0x46: {  	_ =	shalt  }
0x47: {  	_ =	shalt  }
0x48: {  	_ =	shalt  }
0x49: {  	_ =	shalt  }
0x4a: {  	_ =	shalt  }
0x4b: {  	_ =	shalt  }
0x4c: {  	_ =	shalt  }
0x4d: {  	_ =	shalt  }
0x4e: {  	_ =	shalt  }
0x4f: {  	_ =	shalt  }
0x50: {  	_ =	shalt  }
0x51: {  	_ =	shalt  }
0x52: {  	_ =	shalt  }
0x53: {  	_ =	shalt  }
0x54: {  	_ =	shalt  }
0x55: {  	_ =	shalt  }
0x56: {  	_ =	shalt  }
0x57: {  	_ =	shalt  }
0x58: {  	_ =	shalt  }
0x59: {  	_ =	shalt  }
0x5a: {  	_ =	shalt  }
0x5b: {  	_ =	shalt  }
0x5c: {  	_ =	shalt  }
0x5d: {  	_ =	shalt  }
0x5e: {  	_ =	shalt  }
0x5f: {  	_ =	shalt  }
0x60: {  	_ =	shalt  }
0x61: {  	_ =	shalt  }
0x62: {  	_ =	shalt  }
0x63: {  	_ =	shalt  }
0x64: {  	_ =	shalt  }
0x65: {  	_ =	shalt  }
0x66: {  	_ =	shalt  }
0x67: {  	_ =	shalt  }
0x68: {  	_ =	shalt  }
0x69: {  	_ =	shalt  }
0x6a: {  	_ =	shalt  }
0x6b: {  	_ =	shalt  }
0x6c: {  	_ =	shalt  }
0x6d: {  	_ =	shalt  }
0x6e: {  	_ =	shalt  }
0x6f: {  	_ =	shalt  }
0x70: {  	_ =	shalt  }
0x71: {  	_ =	shalt  }
0x72: {  	_ =	shalt  }
0x73: {  	_ =	shalt  }
0x74: {  	_ =	shalt  }
0x75: {  	_ =	shalt  }
0x76: {  	_ =	shalt  }
0x77: {  	_ =	shalt  }
0x78: {  	_ =	shalt  }
0x79: {  	_ =	shalt  }
0x7a: {  	_ =	shalt  }
0x7b: {  	_ =	shalt  }
0x7c: {  	_ =	shalt  }
0x7d: {  	_ =	shalt  }
0x7e: {  	_ =	shalt  }
0x7f: {  	_ =	shalt  }
0x80: {  	_ =	shalt  }
0x81: {  	_ =	shalt  }
0x82: {  	_ =	shalt  }
0x83: {  	_ =	shalt  }
0x84: {  	_ =	shalt  }
0x85: {  	_ =	shalt  }
0x86: {  	_ =	shalt  }
0x87: {  	_ =	shalt  }
.Lfunc_end0:
.L_simem_size_0:
called_computation.4_lowered:
.L_overlay_start_0:
0x88: {  	s2 =	sld [smem:$0x3FD9]  }
0x89: {  	s3 =	sld [smem:$0x3FFE];
	_ =	sdelay $0x1  }
0x8a: {  	s1 =	srdreg.scid  }
0x8b: {  	s0 =	sand.u32 $0x1, s1  }
0x8c: {  	s16 =	sshll.u32 s0, $0xA;
	s2 =	sadd.s32 s3, s2  }
0x8d: {  	s2 =	sadd.s32 s2, s16  }
0x8e: {  	[smem:$0x3FB8] =	sst s2  }
0x8f: {  	_ = 	snop  }
0x90: {  	(tm) =	ssettm $0x1  }
0x91: {  	s17 =	sld [smem:$0x3FFB];
	_ =	sdelay $0x3  }
0x92: {  	_ =	strace s17  }
0x93: {  	s2 =	sld [smem:$0x3FFC];
	_ =	sdelay $0x3  }
0x94: {  	_ =	strace s2  }
0x95: {  	s2 =	sld [smem:$0x3FFD];
	_ =	sdelay $0x3  }
0x96: {  	_ =	strace s2  }
0x97: {  	_ =	strace $0x8FFFFFFF  }
0x98: {  	s18 =	sld [smem:$0x3FDB];
	_ =	sdelay $0x1  }
0x99: {  	s19 =	simm.s32 $_scs_section_size  }
0x9a: {  	s4 =	simm.s32 $_size__tile_overlayer_lowered;
	s5 =	simm.s32 $_tile_overlayer_lowered  }
0x9b: {  	s22 =	simm.s32 $0x1BFF;
	s21 =	sshll.u32 s5, $0x1;
	s2 =	sadd.s32 s19, s18  }
0x9c: {  	s6 =	simm.s32 $0x0;
	s20 =	sshll.u32 s4, $0x1;
	s4 =	sadd.s32 s21, s2  }
0x9d: {  	[timem:s6], [sflag:s22] =	dma.local [hbm:s4], s20  }
0x9e: {  	_ =	swait.ge [sflag:s22], s20  }
0x9f: {  	s3 =	ssub.s32 $0x0, s20;
	[sflag:s22] =	ssyncset.done $0x0  }
0xa0: {  	[sflag:s22] =	ssyncadd.s32 s3;
	_ =	sdelay $0x1  }
0xa1: {  	s23 =	simm.s32 $0x1B8B  }
0xa2: {  	_ =	swait.ge [sflag:s23], $0x1  }
0xa3: {  	[sflag:s23] =	ssyncset.done $0x0  }
0xa4: {  	s25 =	simm.s32 $0x1B8E;
	s24 =	sld [smem:$0x3FFE];
	[sflag:s23] =	ssyncadd.s32 $0xFFFFFFFF  }
0xa5: {  	s26 =	simm.s32 $execute0_lowered;
	[smem:$0x3FD2] =	sst s25  }
0xa6: {  	s4 =	sshll.u32 s26, $0x1;
	_ =	strace $0x80000052;
	[dreg:$0x1] =	wrdreg $0xFFFFFFFF  }
0xa7: {  	s28 =	simm.s32 $_size_execute0_lowered;
	s2 =	sadd.s32 s2, s4;
	[dreg:$0x0] =	wrdreg $0x0  }
0xa8: {  	s4 =	sshll.u32 s28, $0x1;
	[dreg:$0x2] =	wrdreg s2  }
0xa9: {  	[dreg:$0x3] =	wrdreg s4  }
0xaa: {  	[dreg:$0x4] =	wrdreg $0xC0  }
0xab: {  	_ =	task [dreg:s6], $0x5FFFF  }
0xac: {  	[dreg:$0x1] =	wrdreg $0xFFFFFFFF  }
0xad: {  	[dreg:$0x0] =	wrdreg $0x60  }
0xae: {  	[dreg:$0x2] =	wrdreg s24  }
0xaf: {  	[dreg:$0x3] =	wrdreg $0x9  }
0xb0: {  	_ =	task.clear_ibuf [dreg:s6], $0x4FFFF;
	_ =	strace $0x90000052  }
0xb1: {  	s29 =	simm.s32 $0x9;
	_ =	strace $0x80000054  }
0xb2: {  	_ =	swait.ge [sflag:s29], $0x1  }
0xb3: {  	[sflag:s29] =	ssyncadd.s32 $0xFFFFFFFF  }
0xb4: {  	_ =	strace $0x90000054  }
0xb5: {  	_ =	sfence  }
0xb6: {  	s30 =	sld [smem:$0x0];
	_ =	sdelay $0x2  }
0xb7: {  	s31 =	sshll.u32 s1, $0xD;
	s1 =	sshrl.u32 s1, $0x2  }
0xb8: {  	s3 =	sand.u32 $0x4000, s31;
	s1 =	sadd.s32 s1, s30  }
0xb9: {  	s0 =	sor.u32 s3, s0;
	s1 =	sshll.u32 s1, $0x11  }
0xba: {  	s0 =	sor.u32 s1, s0  }
0xbb: {  	s0 =	sadd.s32 $0x8F2B, s0  }
0xbc: {  	[sflag:s0] =	ssyncadd.remote.s32 $0x1  }
0xbd: {  	_ =	sfence.sel $0xFFFF  }
0xbe: {  	[dreg:$0x0] =	wrdreg $0xFFFFFFFF;
	(pc) =	sbr.abs _section_cstart, $3  }
0xbf: {  	[dreg:$0x1] =	wrdreg $0xFFFFFFFF  }
0xc0: {  	_ =	task.clear_ibuf [dreg:s6], $0x2FFFF;
	_ =	strace $0x9FFFFFFF  }
0xc1: {  	(tm) =	ssettm $0x7FFFFFFF  }
tec
execute0_lowered:
.L_overlay_start_1:
0x0: {  	(tag) =	ssettag $0x1  }
0x1: {  	s1 =	srdreg.scid;
	s0 =	stileid.u32  }
0x2: {  	s6 =	sand.u32 $0x1, s1;
	s30 =	sshll.u32 s0, $0x1  }
0x3: {  	s8 =	rddreg [dreg:$0x0];
	s7 =	sor.u32 s6, s30  }
0x4: {  	s2 =	simm.s32 $0x0;
	s1 =	rddreg [dreg:$0x1];
	s3 =	smul.u32 $0x1E, s7  }
0x5: {  	[smem:$0x7FF] =	sst s2;
	s5 =	sadd.s32 $0x15E00, s8  }
0x6: {  	_ =	strace $0x80000053;
	s10 =	ssub.s32 $0x2, s6;
	s3 =	sadd.s32 s3, s8  }
0x7: {  	s6 =	simm.s32 $0xF0;
	s4 =	sadd.s32 $0x8E00, s3;
	s3 =	simm.s32 $0x2  }
0x8: {  	[tilespmem:s2], [sflag:$0x2] =	stream.linear.gather [hbm4b:s4+s2], $0xF0, $0x38;
	[tilespmem:$0x4BF0] =	vst v63  }
0x9: {  	s9 =	smul.u32 $0x960, s7;
	s11 =	sshrl.u32 s10, $0x1;
	_ =	swait.ge [sflag:s3], $0xF0  }
0xa: {  	s7 =	simm.s32 $0x1;
	s31 =	ssub.s32 s10, s11;
	[sflag:s3] =	ssyncset.done $0x0  }
0xb: {  	s8 =	sadd.s32 s9, s8;
	s9 =	smax.u32 s31, $0x1;
	[sflag:s3] =	ssyncadd.s32 $0xFFFFFF10  }
0xc: {  	[tilespmem:s6], [sflag:$0x1] =	stream.indirect.gather [hbm4b:s5+s6], $0x50, s2, s6, $0xb8;
	[tilespmem:$0x4BF0] =	vst v63  }
0xd: {  	p0 =	sne.s32 s9, $0x1;
	_ =	swait.ge [sflag:s7], $0x4B00  }
.Ltmp0:
0xe: {  	[sflag:s7] =	ssyncset.done $0x0;
	(pc) =	sbr.rel @!p0 .LBB2_2-.Ltmp0, $4  }
0xf: {  	s8 =	sadd.s32 $0x1C200, s8;
	[sflag:s7] =	ssyncadd.s32 $0xFFFFB500  }
0x10: {  	[hbm4b:s8+s2] =	stream.linear.scatter [tilespmem:s6], [sflag:$0x2], $0x4B00, $0x38;
	[tilespmem:$0x4BF0] =	vst v63  }
0x11: {  	_ =	swait.ge [sflag:s3], $0x4B00  }
0x12: {  	s9 =	sadd.s32 $0xFFFFFFFF, s9;
	[sflag:s3] =	ssyncset.done $0x0  }
.LBB2_1:
0x13: {  	p0 =	sne.s32 s9, $0x1;
	s9 =	sadd.s32 $0xFFFFFFFF, s9;
	[sflag:s3] =	ssyncadd.s32 $0xFFFFB500  }
0x14: {  	[tilespmem:s2], [sflag:$0x2] =	stream.linear.gather [hbm4b:s4+s2], $0xF0, $0x38;
	[tilespmem:$0x4BF0] =	vst v63  }
0x15: {  	_ =	swait.ge [sflag:s3], $0xF0  }
0x16: {  	[sflag:s3] =	ssyncset.done $0x0  }
0x17: {  	[sflag:s3] =	ssyncadd.s32 $0xFFFFFF10  }
0x18: {  	[tilespmem:s6], [sflag:$0x1] =	stream.indirect.gather [hbm4b:s5+s6], $0x50, s2, s6, $0xb8;
	[tilespmem:$0x4BF0] =	vst v63  }
0x19: {  	_ =	swait.ge [sflag:s7], $0x4B00  }
.Ltmp1:
0x1a: {  	[sflag:s7] =	ssyncset.done $0x0;
	(pc) =	sbr.rel @p0 .LBB2_1-.Ltmp1, $4  }
0x1b: {  	[sflag:s7] =	ssyncadd.s32 $0xFFFFB500  }
0x1c: {  	[hbm4b:s8+s2] =	stream.linear.scatter [tilespmem:s6], [sflag:$0x2], $0x4B00, $0x38;
	[tilespmem:$0x4BF0] =	vst v63  }
0x1d: {  	_ =	swait.ge [sflag:s3], $0x4B00  }
0x1e: {  	[sflag:s3] =	ssyncset.done $0x0  }
.LBB2_2:
0x1f: {  	[sflag:s3] =	ssyncadd.s32 $0xFFFFB500  }
0x20: {  	_ =	sfence.sel $0x180000  }
0x21: {  	[bflag:$0x0] =	sbarrier.arrive $0xFFFF  }
0x22: {  	p0 =	sne.s32 s0, $0x0;
	_ =	strace $0x90000053  }
0x23: {  	s0 =	sadd.s32 @!p0 $0x100000, s1;
	[bflag:$0x2] =	sbarrier.arrive $0xFFFF  }
0x24: {  	[sflag:s0] =	ssyncadd.tile.s32 @!p0 $0x1;
	_ =	shalt  }
.Lfunc_end2:
_tile_overlayer_lowered:
.L_overlay_start_2:
0x25: {  	(tag) =	ssettag $0x2  }
0x26: {  	s0 =	rddreg [dreg:$0x0];
	s2 =	stileid.u32  }
0x27: {  	s1 =	rddreg [dreg:$0x1];
	p0 =	sne.s32 s2, $0x0  }
0x28: {  	s3 =	rddreg [dreg:$0x2];
	[bflag:$0x3] =	sbarrier.arrive $0xFFFF;
	s2 =	simm.s32 @!p0 $0x1C02  }
0x29: {  	[timem:s3], [sflag:s2] =	dma.local @!p0 [hbm:s0], s1  }
0x2a: {  	s0 =	simm.s32 @!p0 $0x2  }
0x2b: {  	_ =	swait.ge @!p0 [sflag:s0], s1  }
0x2c: {  	s1 =	ssub.s32 @!p0 $0x0, s1;
	[sflag:s0] =	ssyncset.done @!p0 $0x0  }
0x2d: {  	[sflag:s0] =	ssyncadd.s32 @!p0 s1  }
0x2e: {  	[bflag:$0x3] =	sbarrier.arrive $0xFFFF  }
0x2f: {  	_ =	shalt  }

</sc_bundles>
